<compile_context>
chip_gen: v7x
topology: tpu7x:2x2x1
jax: 0.10.2.dev20260603
libtpu: 0.0.44.dev20260713+nightly
codegen_flags: <defaults>
</compile_context>

<pallas_src>
import functools

import jax
import jax.numpy as jnp
from jax import lax
from jax.experimental import pallas as pl
from jax.experimental.pallas import tpu as pltpu
from jax.experimental.pallas import tpu_sc as plsc

N = 10000
D_IN = 128
H = 64
L = 8
C = 10

NC = 2
HC = H // NC
NT = 16
RP = 640
NP = NT * RP
E = 320000
EC = 128
ET = 160
EPT = ET * EC
EP = NT * EPT
RSUB = 128
GC = 16


def _fori(lo, hi, f):
    lax.fori_loop(lo, hi, lambda i, c: (f(i), c)[1], None)


def _sc_body(h0_hbm, src_hbm, dst_hbm, pai_hbm, out_hbm,
             a_sp, b_sp, out_sp,
             esrc_t, edst_t, rows0, rows1, rows2, rows3,
             dinv_t, pai_t,
             gsem0, gsem1, gsem2, gsem3, ssem0, ssem1, ssem2, ssem3):
    rowbufs = (rows0, rows1, rows2, rows3)
    gsems = (gsem0, gsem1, gsem2, gsem3)
    ssems = (ssem0, ssem1, ssem2, ssem3)
    bslab = rows0
    oslab = rows1
    cid = lax.axis_index("c")
    tid = lax.axis_index("s")
    rbase = tid * RP

    pltpu.sync_copy(pai_hbm, pai_t)
    pltpu.sync_copy(src_hbm.at[pl.ds(tid * ET, ET)], esrc_t)
    pltpu.sync_copy(dst_hbm.at[pl.ds(tid * ET, ET)], edst_t)

    def fill_ones(i):
        for c in range(HC // 16):
            rows0[i, pl.ds(c * 16, 16)] = jnp.full((16,), 1.0,
                                                   dtype=jnp.float32)
    _fori(0, EC, fill_ones)

    def init_deg(s):
        pltpu.sync_copy(rows0, b_sp.at[pl.ds(rbase + s * EC, EC)])
    _fori(0, RP // EC, init_deg)

    plsc.subcore_barrier()

    def deg_grp(g):
        cb = g * GC
        sds = [pltpu.async_copy(rows0, b_sp.at[edst_t.at[cb + j]], ssem0,
                                add=True)
               for j in range(GC)]
        for d in sds:
            d.wait()
    _fori(0, ET // GC, deg_grp)

    def h0_sub(s):
        base = rbase + s * RSUB
        pltpu.sync_copy(h0_hbm.at[cid, pl.ds(base, RSUB)],
                        a_sp.at[pl.ds(base, RSUB)])
    _fori(0, RP // RSUB, h0_sub)

    plsc.subcore_barrier()

    pai0 = pai_t[0, :]

    def init_sub(s):
        base = rbase + s * RSUB
        pltpu.sync_copy(b_sp.at[pl.ds(base, RSUB)], bslab)
        pltpu.sync_copy(a_sp.at[pl.ds(base, RSUB)], oslab)

        def rowf(r):
            deg = bslab[r, pl.ds(0, 16)]
            iv = lax.bitcast_convert_type(deg, jnp.int32)
            y = lax.bitcast_convert_type(
                jnp.full((16,), 0x5F3759DF, dtype=jnp.int32) - (iv >> 1),
                jnp.float32)
            y = y * (1.5 - 0.5 * deg * y * y)
            y = y * (1.5 - 0.5 * deg * y * y)
            y = y * (1.5 - 0.5 * deg * y * y)
            dinv_t[s * RSUB + r, :] = y
            for c in range(HC // 16):
                sl = pl.ds(c * 16, 16)
                v = oslab[r, sl] * y
                bslab[r, sl] = v
                oslab[r, sl] = v * pai0
        _fori(0, RSUB, rowf)
        pltpu.sync_copy(bslab, a_sp.at[pl.ds(base, RSUB)])
        pltpu.sync_copy(bslab, b_sp.at[pl.ds(base, RSUB)])
        pltpu.sync_copy(oslab, out_sp.at[pl.ds(base, RSUB)])
    _fori(0, RP // RSUB, init_sub)

    def layer(l):
        plsc.subcore_barrier()

        dummy = h0_hbm.at[cid, pl.ds(0, EC)]
        for b in range(1, 4):
            pltpu.async_copy(rowbufs[b], out_hbm.at[cid, pl.ds(rbase, EC)],
                             ssems[b])
        pltpu.async_copy(a_sp.at[esrc_t.at[0]], rows0, gsem0)

        def edge_grp(g):
            cb = g * GC
            gds = [None] * (GC + 1)
            for j in range(GC):
                b = j % 4
                nb = (j + 1) % 4
                pltpu.make_async_copy(dummy, rowbufs[nb], ssems[nb]).wait()
                nxt = (cb + j + 1) if j < GC - 1 else lax.rem(cb + GC, ET)
                gds[j + 1] = pltpu.async_copy(
                    a_sp.at[esrc_t.at[nxt]], rowbufs[nb], gsems[nb])
                if j == 0:
                    pltpu.make_async_copy(dummy, rows0, gsem0).wait()
                else:
                    gds[j].wait()
                pltpu.async_copy(rowbufs[b], b_sp.at[edst_t.at[cb + j]],
                                 ssems[b], add=True)
        _fori(0, ET // GC, edge_grp)
        pltpu.make_async_copy(dummy, rows0, gsem0).wait()
        for b in range(1, 4):
            pltpu.make_async_copy(dummy, rowbufs[b], ssems[b]).wait()

        plsc.subcore_barrier()

        pai_l = pai_t[l + 1, :]

        def pass_sub(s):
            base = rbase + s * RSUB
            pltpu.sync_copy(b_sp.at[pl.ds(base, RSUB)], bslab)
            pltpu.sync_copy(out_sp.at[pl.ds(base, RSUB)], oslab)

            def rowf(r):
                dv = dinv_t[s * RSUB + r, :]
                d2v = dv * dv
                for c in range(HC // 16):
                    sl = pl.ds(c * 16, 16)
                    g = jnp.maximum(bslab[r, sl] * d2v, 0.0)
                    bslab[r, sl] = g
                    oslab[r, sl] = oslab[r, sl] + pai_l * g
            _fori(0, RSUB, rowf)
            pltpu.sync_copy(bslab, a_sp.at[pl.ds(base, RSUB)])
            pltpu.sync_copy(bslab, b_sp.at[pl.ds(base, RSUB)])
            pltpu.sync_copy(oslab, out_sp.at[pl.ds(base, RSUB)])
        _fori(0, RP // RSUB, pass_sub)
    _fori(0, L, layer)

    def fin_sub(s):
        base = rbase + s * RSUB
        pltpu.sync_copy(out_sp.at[pl.ds(base, RSUB)], oslab)

        def rowf(r):
            dv = dinv_t[s * RSUB + r, :]
            for c in range(HC // 16):
                sl = pl.ds(c * 16, 16)
                oslab[r, sl] = oslab[r, sl] / dv
        _fori(0, RSUB, rowf)
        pltpu.sync_copy(oslab, out_hbm.at[cid, pl.ds(base, RSUB)])
    _fori(0, RP // RSUB, fin_sub)


@jax.jit
def _sc_propagate(h0s, src2d, dst2d, pai16):
    mesh = plsc.VectorSubcoreMesh(core_axis_name="c", subcore_axis_name="s")
    f = pl.kernel(
        _sc_body,
        out_type=jax.ShapeDtypeStruct((NC, NP, HC), jnp.float32),
        mesh=mesh,
        compiler_params=pltpu.CompilerParams(use_tc_tiling_on_sc=False),
        scratch_types=[
            pltpu.VMEM_SHARED((NP, HC), jnp.float32),
            pltpu.VMEM_SHARED((NP, HC), jnp.float32),
            pltpu.VMEM_SHARED((NP, HC), jnp.float32),
            pltpu.VMEM((ET, EC), jnp.int32),
            pltpu.VMEM((ET, EC), jnp.int32),
            pltpu.VMEM((EC, HC), jnp.float32),
            pltpu.VMEM((EC, HC), jnp.float32),
            pltpu.VMEM((EC, HC), jnp.float32),
            pltpu.VMEM((EC, HC), jnp.float32),
            pltpu.VMEM((RP, 16), jnp.float32),
            pltpu.VMEM((16, 16), jnp.float32),
            pltpu.SemaphoreType.DMA,
            pltpu.SemaphoreType.DMA,
            pltpu.SemaphoreType.DMA,
            pltpu.SemaphoreType.DMA,
            pltpu.SemaphoreType.DMA,
            pltpu.SemaphoreType.DMA,
            pltpu.SemaphoreType.DMA,
            pltpu.SemaphoreType.DMA,
        ],
    )
    return f(h0s, src2d, dst2d, pai16)


def _mm_relu_body(x_ref, w_ref, b_ref, o_ref):
    acc = jnp.dot(x_ref[...], w_ref[...], preferred_element_type=jnp.float32)
    o_ref[...] = jnp.maximum(acc + b_ref[...], 0.0)


def _head_body(o_ref, w_ref, b_ref, l_ref):
    logits = jnp.dot(o_ref[...], w_ref[...],
                     preferred_element_type=jnp.float32) + b_ref[...]
    m = jnp.max(logits, axis=-1, keepdims=True)
    z = logits - m
    lse = jnp.log(jnp.sum(jnp.exp(z), axis=-1, keepdims=True))
    l_ref[...] = z - lse


def kernel(x, edge_index, W0, b0, Wconv, W1, b1, pai):
    del Wconv
    src = edge_index[0]
    dst = edge_index[1]
    pad_e = EP - E
    fill = jnp.full((pad_e,), NP - 1, dtype=src.dtype)
    src2d = jnp.concatenate([src, fill]).reshape(NT * ET, EC)
    dst2d = jnp.concatenate([dst, fill]).reshape(NT * ET, EC)
    pai16 = jnp.tile(jnp.pad(pai[0], (0, 16 - (L + 1))).reshape(16, 1),
                     (1, 16))

    h0 = pl.pallas_call(
        _mm_relu_body,
        grid=(10,),
        in_specs=[
            pl.BlockSpec((N // 10, D_IN), lambda i: (i, 0)),
            pl.BlockSpec((D_IN, H), lambda i: (0, 0)),
            pl.BlockSpec((1, H), lambda i: (0, 0)),
        ],
        out_specs=pl.BlockSpec((N // 10, H), lambda i: (i, 0)),
        out_shape=jax.ShapeDtypeStruct((N, H), jnp.float32),
    )(x, W0, b0.reshape(1, H))
    h0s = jnp.pad(h0, ((0, NP - N), (0, 0))).reshape(NP, NC, HC)
    h0s = h0s.transpose(1, 0, 2)

    outg = _sc_propagate(h0s, src2d, dst2d, pai16)
    outf = outg.transpose(1, 0, 2).reshape(NP, H)

    W1p = jnp.pad(W1, ((0, 0), (0, 128 - C)))
    b1p = jnp.pad(b1, (0, 128 - C), constant_values=-1e30).reshape(1, 128)
    ls = pl.pallas_call(
        _head_body,
        grid=(10,),
        in_specs=[
            pl.BlockSpec((N // 10, H), lambda i: (i, 0)),
            pl.BlockSpec((H, 128), lambda i: (0, 0)),
            pl.BlockSpec((1, 128), lambda i: (0, 0)),
        ],
        out_specs=pl.BlockSpec((N // 10, 128), lambda i: (i, 0)),
        out_shape=jax.ShapeDtypeStruct((N, 128), jnp.float32),
    )(outf[:N], W1p, b1p)
    return ls[:, :C]

# --- scband reference (transcript-rebuilt; emitter-appended) ---
"""Pipeline reference for scband-net-28028956574199 (READ-ONLY COPY).

The authoritative reference and input builder live on the scoring server;
editing this copy changes nothing except your own understanding.
"""

import jax, jax.numpy as jnp
import numpy as np

N = 10000
E = 320000
D_IN = 128
H = 64
L = 8
C = 10


def gcn_propagate(x, src, dst, n):
    # symmetric gcn normalization with self-loops already appended to (src, dst)
    deg = jax.ops.segment_sum(jnp.ones_like(src, dtype=x.dtype), dst, num_segments=n)
    dinv = jax.lax.rsqrt(jnp.maximum(deg, 1.0))
    w = dinv[src] * dinv[dst]
    msg = x[src] * w[:, None]
    return jax.ops.segment_sum(msg, dst, num_segments=n)


def setup_inputs(seed: int = 0):
    key = jax.random.key(seed)
    ks = jax.random.split(key, 8)
    x = jax.random.normal(ks[0], (N, D_IN), dtype=jnp.float32)
    edge_index = jax.random.randint(ks[1], (2, E), 0, N, dtype=jnp.int32)
    W0 = jax.random.normal(ks[2], (D_IN, H), dtype=jnp.float32) * 0.05
    b0 = jnp.zeros((H,), dtype=jnp.float32)
    Wconv = jax.random.normal(ks[3], (L, H, H), dtype=jnp.float32) * 0.05
    W1 = jax.random.normal(ks[4], (H, C), dtype=jnp.float32) * 0.05
    b1 = jnp.zeros((C,), dtype=jnp.float32)
    pai = jax.random.normal(ks[5], (1, L + 1), dtype=jnp.float32)
    return {"x": x, "edge_index": edge_index, "W0": W0, "b0": b0,
            "Wconv": Wconv, "W1": W1, "b1": b1, "pai": pai}


def reference(x, edge_index, W0, b0, Wconv, W1, b1, pai):
    src = edge_index[0]
    dst = edge_index[1]
    loop = jnp.arange(N, dtype=src.dtype)
    src = jnp.concatenate([src, loop])
    dst = jnp.concatenate([dst, loop])
    # lins[0] + relu; dropout is 0.0 / eval so identity
    h = jnp.maximum(x @ W0 + b0, 0.0)
    h0 = h
    alpha = 0.0  # forward sets conv.alpha = 0.0
    beta = 0.0   # forward sets conv.beta = 0.0
    xs = [h]
    for l in range(L):
        p = gcn_propagate(h, src, dst, N)
        p = (1.0 - alpha) * p + alpha * h0
        h = (1.0 - beta) * p + beta * (p @ Wconv[l])
        h = jnp.maximum(h, 0.0)
        xs.append(h)
    xMat = jnp.stack(xs, axis=1)  # [N, L+1, H]
    out = jnp.einsum('k,nkh->nh', pai[0], xMat)  # retain_score matmul + squeeze
    logits = out @ W1 + b1
    return jax.nn.log_softmax(logits, axis=-1)

if __name__ == "__main__":
    import jax
    _d = setup_inputs()
    print(jax.jit(kernel)(*tuple(_d.values())))

</pallas_src>

<mosaic_0001>
#map = affine_map<(d0, d1) -> (0, 0, 0)>
#map1 = affine_map<(d0, d1) -> (0, 0)>
module attributes {stable_mosaic.version = 14 : i64} {
  func.func @_sc_body(%arg0: i32, %arg1: i32, %arg2: memref<2x10240x32xf32, #tpu.memory_space<hbm>>, %arg3: memref<2560x128xi32, #tpu.memory_space<hbm>>, %arg4: memref<2560x128xi32, #tpu.memory_space<hbm>>, %arg5: memref<16x16xf32, #tpu.memory_space<hbm>>, %arg6: memref<2x10240x32xf32, #tpu.memory_space<hbm>>, %arg7: memref<10240x32xf32, #tpu.memory_space<vmem_shared>>, %arg8: memref<10240x32xf32, #tpu.memory_space<vmem_shared>>, %arg9: memref<10240x32xf32, #tpu.memory_space<vmem_shared>>, %arg10: memref<160x128xi32, #tpu.memory_space<vmem>>, %arg11: memref<160x128xi32, #tpu.memory_space<vmem>>, %arg12: memref<128x32xf32, #tpu.memory_space<vmem>>, %arg13: memref<128x32xf32, #tpu.memory_space<vmem>>, %arg14: memref<128x32xf32, #tpu.memory_space<vmem>>, %arg15: memref<128x32xf32, #tpu.memory_space<vmem>>, %arg16: memref<640x16xf32, #tpu.memory_space<vmem>>, %arg17: memref<16x16xf32, #tpu.memory_space<vmem>>, %arg18: memref<!tpu.dma_semaphore, #tpu.memory_space<semaphore_mem>>, %arg19: memref<!tpu.dma_semaphore, #tpu.memory_space<semaphore_mem>>, %arg20: memref<!tpu.dma_semaphore, #tpu.memory_space<semaphore_mem>>, %arg21: memref<!tpu.dma_semaphore, #tpu.memory_space<semaphore_mem>>, %arg22: memref<!tpu.dma_semaphore, #tpu.memory_space<semaphore_mem>>, %arg23: memref<!tpu.dma_semaphore, #tpu.memory_space<semaphore_mem>>, %arg24: memref<!tpu.dma_semaphore, #tpu.memory_space<semaphore_mem>>, %arg25: memref<!tpu.dma_semaphore, #tpu.memory_space<semaphore_mem>>) attributes {dimension_semantics = [#tpu.dimension_semantics<core_parallel>, #tpu.dimension_semantics<subcore_parallel>], iteration_bounds = array<i64: 2, 16>, scalar_prefetch = 0 : i64, scratch_operands = 19 : i64, tpu.core_type = #tpu.core_type<sc_vector_subcore>, window_params = [{transform_indices = #map}, {transform_indices = #map1}, {transform_indices = #map1}, {transform_indices = #map1}, {transform_indices = #map}]} {
    %mul3A = arith.constant 640 : i32
    %mul3A_0 = arith.muli %arg1, %mul3A : i32
    "tpu.region"() ({
      %run_scoped3A = tpu.sem_alloc : memref<!tpu.dma_semaphore, #tpu.memory_space<semaphore_mem>>
      tpu.enqueue_dma source(%arg5 : memref<16x16xf32, #tpu.memory_space<hbm>>) target(%arg17 : memref<16x16xf32, #tpu.memory_space<vmem>>) target_semaphore(%run_scoped3A : memref<!tpu.dma_semaphore, #tpu.memory_space<semaphore_mem>>)
      tpu.wait_dma2 semaphore(%run_scoped3A : memref<!tpu.dma_semaphore, #tpu.memory_space<semaphore_mem>>) src(%arg5 : memref<16x16xf32, #tpu.memory_space<hbm>>) dst(%arg17 : memref<16x16xf32, #tpu.memory_space<vmem>>)
      tpu.yield
    }) : () -> ()
    %mul3A_1 = arith.constant 160 : i32
    %mul3A_2 = arith.muli %arg1, %mul3A_1 : i32
    "tpu.region"() ({
      %run_scoped3A = tpu.sem_alloc : memref<!tpu.dma_semaphore, #tpu.memory_space<semaphore_mem>>
      %dma_start3A = arith.constant 0 : i32
      %dma_start3A_44 = tpu.memref_slice %arg3[%mul3A_2, %dma_start3A] : memref<2560x128xi32, #tpu.memory_space<hbm>> -> memref<160x128xi32, #tpu.memory_space<hbm>>
      %dma_start3A_45 = arith.constant 0 : i32
      %dma_start3A_46 = tpu.memref_slice %arg3[%mul3A_2, %dma_start3A_45] : memref<2560x128xi32, #tpu.memory_space<hbm>> -> memref<160x128xi32, #tpu.memory_space<hbm>>
      tpu.enqueue_dma source(%dma_start3A_46 : memref<160x128xi32, #tpu.memory_space<hbm>>) target(%arg10 : memref<160x128xi32, #tpu.memory_space<vmem>>) target_semaphore(%run_scoped3A : memref<!tpu.dma_semaphore, #tpu.memory_space<semaphore_mem>>)
      %dma_wait3A = arith.constant 0 : i32
      %dma_wait3A_47 = tpu.memref_slice %arg3[%mul3A_2, %dma_wait3A] : memref<2560x128xi32, #tpu.memory_space<hbm>> -> memref<160x128xi32, #tpu.memory_space<hbm>>
      %dma_wait3A_48 = arith.constant 0 : i32
      %dma_wait3A_49 = tpu.memref_slice %arg3[%mul3A_2, %dma_wait3A_48] : memref<2560x128xi32, #tpu.memory_space<hbm>> -> memref<160x128xi32, #tpu.memory_space<hbm>>
      tpu.wait_dma2 semaphore(%run_scoped3A : memref<!tpu.dma_semaphore, #tpu.memory_space<semaphore_mem>>) src(%dma_wait3A_49 : memref<160x128xi32, #tpu.memory_space<hbm>>) dst(%arg10 : memref<160x128xi32, #tpu.memory_space<vmem>>)
      tpu.yield
    }) : () -> ()
    %mul3A_3 = arith.constant 160 : i32
    %mul3A_4 = arith.muli %arg1, %mul3A_3 : i32
    "tpu.region"() ({
      %run_scoped3A = tpu.sem_alloc : memref<!tpu.dma_semaphore, #tpu.memory_space<semaphore_mem>>
      %dma_start3A = arith.constant 0 : i32
      %dma_start3A_44 = tpu.memref_slice %arg4[%mul3A_4, %dma_start3A] : memref<2560x128xi32, #tpu.memory_space<hbm>> -> memref<160x128xi32, #tpu.memory_space<hbm>>
      %dma_start3A_45 = arith.constant 0 : i32
      %dma_start3A_46 = tpu.memref_slice %arg4[%mul3A_4, %dma_start3A_45] : memref<2560x128xi32, #tpu.memory_space<hbm>> -> memref<160x128xi32, #tpu.memory_space<hbm>>
      tpu.enqueue_dma source(%dma_start3A_46 : memref<160x128xi32, #tpu.memory_space<hbm>>) target(%arg11 : memref<160x128xi32, #tpu.memory_space<vmem>>) target_semaphore(%run_scoped3A : memref<!tpu.dma_semaphore, #tpu.memory_space<semaphore_mem>>)
      %dma_wait3A = arith.constant 0 : i32
      %dma_wait3A_47 = tpu.memref_slice %arg4[%mul3A_4, %dma_wait3A] : memref<2560x128xi32, #tpu.memory_space<hbm>> -> memref<160x128xi32, #tpu.memory_space<hbm>>
      %dma_wait3A_48 = arith.constant 0 : i32
      %dma_wait3A_49 = tpu.memref_slice %arg4[%mul3A_4, %dma_wait3A_48] : memref<2560x128xi32, #tpu.memory_space<hbm>> -> memref<160x128xi32, #tpu.memory_space<hbm>>
      tpu.wait_dma2 semaphore(%run_scoped3A : memref<!tpu.dma_semaphore, #tpu.memory_space<semaphore_mem>>) src(%dma_wait3A_49 : memref<160x128xi32, #tpu.memory_space<hbm>>) dst(%arg11 : memref<160x128xi32, #tpu.memory_space<vmem>>)
      tpu.yield
    }) : () -> ()
    %scan3A = arith.constant 0 : i32
    %scan3A_5 = arith.constant 128 : i32
    %scan3A_6 = arith.addi %scan3A, %scan3A_5 : i32
    %scan3A_7 = arith.constant 1 : i32
    scf.for %scan3A_44 = %scan3A to %scan3A_6 step %scan3A_7  : i32 {
      %broadcast_in_dim3A = arith.constant 1.000000e+00 : f32
      %broadcast_in_dim3A_45 = vector.broadcast %broadcast_in_dim3A : f32 to vector<16xf32>
      %swap3A = arith.index_cast %scan3A_44 : i32 to index
      %swap3A_46 = arith.constant 0 : index
      %swap3A_47 = tpu.vector_load %arg12[%swap3A, %swap3A_46] {strides = array<i32>} : memref<128x32xf32, #tpu.memory_space<vmem>>, vector<1x16xf32>,
      %swap3A_48 = vector.shape_cast %swap3A_47 : vector<1x16xf32> to vector<16xf32>
      %swap3A_49 = vector.shape_cast %broadcast_in_dim3A_45 : vector<16xf32> to vector<1x16xf32>
      tpu.vector_store %arg12[%swap3A, %swap3A_46], %swap3A_49 {strides = array<i32>} : memref<128x32xf32, #tpu.memory_space<vmem>>, vector<1x16xf32>,
      %broadcast_in_dim3A_50 = arith.constant 1.000000e+00 : f32
      %broadcast_in_dim3A_51 = vector.broadcast %broadcast_in_dim3A_50 : f32 to vector<16xf32>
      %swap3A_52 = arith.index_cast %scan3A_44 : i32 to index
      %swap3A_53 = arith.constant 16 : index
      %swap3A_54 = tpu.vector_load %arg12[%swap3A_52, %swap3A_53] {strides = array<i32>} : memref<128x32xf32, #tpu.memory_space<vmem>>, vector<1x16xf32>,
      %swap3A_55 = vector.shape_cast %swap3A_54 : vector<1x16xf32> to vector<16xf32>
      %swap3A_56 = vector.shape_cast %broadcast_in_dim3A_51 : vector<16xf32> to vector<1x16xf32>
      tpu.vector_store %arg12[%swap3A_52, %swap3A_53], %swap3A_56 {strides = array<i32>} : memref<128x32xf32, #tpu.memory_space<vmem>>, vector<1x16xf32>,
    }
    %scan3A_8 = arith.constant 128 : i32
    %scan3A_9 = arith.constant 0 : i32
    %scan3A_10 = arith.constant 5 : i32
    %scan3A_11 = arith.addi %scan3A_9, %scan3A_10 : i32
    %scan3A_12 = arith.constant 1 : i32
    scf.for %scan3A_44 = %scan3A_9 to %scan3A_11 step %scan3A_12  : i32 {
      %mul3A_45 = arith.constant 128 : i32
      %mul3A_46 = arith.muli %scan3A_44, %mul3A_45 : i32
      %add3A = arith.addi %mul3A_0, %mul3A_46 : i32
      "tpu.region"() ({
        %run_scoped3A = tpu.sem_alloc : memref<!tpu.dma_semaphore, #tpu.memory_space<semaphore_mem>>
        %dma_start3A = arith.constant 0 : i32
        %dma_start3A_47 = tpu.memref_slice %arg8[%add3A, %dma_start3A] : memref<10240x32xf32, #tpu.memory_space<vmem_shared>> -> memref<128x32xf32, #tpu.memory_space<vmem_shared>>
        %dma_start3A_48 = arith.constant 0 : i32
        %dma_start3A_49 = tpu.memref_slice %arg8[%add3A, %dma_start3A_48] : memref<10240x32xf32, #tpu.memory_space<vmem_shared>> -> memref<128x32xf32, #tpu.memory_space<vmem_shared>>
        tpu.enqueue_dma source(%arg12 : memref<128x32xf32, #tpu.memory_space<vmem>>) target(%dma_start3A_49 : memref<128x32xf32, #tpu.memory_space<vmem_shared>>) target_semaphore(%run_scoped3A : memref<!tpu.dma_semaphore, #tpu.memory_space<semaphore_mem>>)
        %dma_wait3A = arith.constant 0 : i32
        %dma_wait3A_50 = tpu.memref_slice %arg8[%add3A, %dma_wait3A] : memref<10240x32xf32, #tpu.memory_space<vmem_shared>> -> memref<128x32xf32, #tpu.memory_space<vmem_shared>>
        %dma_wait3A_51 = arith.constant 0 : i32
        %dma_wait3A_52 = tpu.memref_slice %arg8[%add3A, %dma_wait3A_51] : memref<10240x32xf32, #tpu.memory_space<vmem_shared>> -> memref<128x32xf32, #tpu.memory_space<vmem_shared>>
        tpu.wait_dma2 semaphore(%run_scoped3A : memref<!tpu.dma_semaphore, #tpu.memory_space<semaphore_mem>>) src(%arg12 : memref<128x32xf32, #tpu.memory_space<vmem>>) dst(%dma_wait3A_52 : memref<128x32xf32, #tpu.memory_space<vmem_shared>>)
        tpu.yield
      }) : () -> ()
    }
    %scan3A_13 = arith.constant 5 : i32
    %barrier3A = arith.constant 0 : index
    tpu.barrier barrier_id(%barrier3A)
    %scan3A_14 = arith.constant 0 : i32
    %scan3A_15 = arith.constant 10 : i32
    %scan3A_16 = arith.addi %scan3A_14, %scan3A_15 : i32
    %scan3A_17 = arith.constant 1 : i32
    scf.for %scan3A_44 = %scan3A_14 to %scan3A_16 step %scan3A_17  : i32 {
      %mul3A_45 = arith.constant 16 : i32
      %mul3A_46 = arith.muli %scan3A_44, %mul3A_45 : i32
      %add3A = arith.constant 0 : i32
      %add3A_47 = arith.addi %mul3A_46, %add3A : i32
      %dma_start3A = arith.constant 0 : i32
      %dma_start3A_48 = tpu.memref_slice %arg11[%add3A_47, %dma_start3A] : memref<160x128xi32, #tpu.memory_space<vmem>> -> memref<1x128xi32, #tpu.memory_space<vmem>>
      %dma_start3A_49 = tpu.memref_squeeze %dma_start3A_48 : memref<1x128xi32, #tpu.memory_space<vmem>> -> memref<128xi32, #tpu.memory_space<vmem>>
      %dma_start3A_50 = arith.constant 0 : i32
      %dma_start3A_51 = arith.constant 0 : i32
      %dma_start3A_52 = tpu.memref_slice %arg8[%dma_start3A_50, %dma_start3A_51] : memref<10240x32xf32, #tpu.memory_space<vmem_shared>> -> memref<10240x32xf32, #tpu.memory_space<vmem_shared>>
      tpu.enqueue_indirect_dma source(%arg12 : memref<128x32xf32, #tpu.memory_space<vmem>>) target(%dma_start3A_52 : memref<10240x32xf32, #tpu.memory_space<vmem_shared>>) offsets(%dma_start3A_49 : memref<128xi32, #tpu.memory_space<vmem>>) semaphore(%arg22 : memref<!tpu.dma_semaphore, #tpu.memory_space<semaphore_mem>>) {add = true}
      %add3A_53 = arith.constant 1 : i32
      %add3A_54 = arith.addi %mul3A_46, %add3A_53 : i32
      %dma_start3A_55 = arith.constant 0 : i32
      %dma_start3A_56 = tpu.memref_slice %arg11[%add3A_54, %dma_start3A_55] : memref<160x128xi32, #tpu.memory_space<vmem>> -> memref<1x128xi32, #tpu.memory_space<vmem>>
      %dma_start3A_57 = tpu.memref_squeeze %dma_start3A_56 : memref<1x128xi32, #tpu.memory_space<vmem>> -> memref<128xi32, #tpu.memory_space<vmem>>
      %dma_start3A_58 = arith.constant 0 : i32
      %dma_start3A_59 = arith.constant 0 : i32
      %dma_start3A_60 = tpu.memref_slice %arg8[%dma_start3A_58, %dma_start3A_59] : memref<10240x32xf32, #tpu.memory_space<vmem_shared>> -> memref<10240x32xf32, #tpu.memory_space<vmem_shared>>
      tpu.enqueue_indirect_dma source(%arg12 : memref<128x32xf32, #tpu.memory_space<vmem>>) target(%dma_start3A_60 : memref<10240x32xf32, #tpu.memory_space<vmem_shared>>) offsets(%dma_start3A_57 : memref<128xi32, #tpu.memory_space<vmem>>) semaphore(%arg22 : memref<!tpu.dma_semaphore, #tpu.memory_space<semaphore_mem>>) {add = true}
      %add3A_61 = arith.constant 2 : i32
      %add3A_62 = arith.addi %mul3A_46, %add3A_61 : i32
      %dma_start3A_63 = arith.constant 0 : i32
      %dma_start3A_64 = tpu.memref_slice %arg11[%add3A_62, %dma_start3A_63] : memref<160x128xi32, #tpu.memory_space<vmem>> -> memref<1x128xi32, #tpu.memory_space<vmem>>
      %dma_start3A_65 = tpu.memref_squeeze %dma_start3A_64 : memref<1x128xi32, #tpu.memory_space<vmem>> -> memref<128xi32, #tpu.memory_space<vmem>>
      %dma_start3A_66 = arith.constant 0 : i32
      %dma_start3A_67 = arith.constant 0 : i32
      %dma_start3A_68 = tpu.memref_slice %arg8[%dma_start3A_66, %dma_start3A_67] : memref<10240x32xf32, #tpu.memory_space<vmem_shared>> -> memref<10240x32xf32, #tpu.memory_space<vmem_shared>>
      tpu.enqueue_indirect_dma source(%arg12 : memref<128x32xf32, #tpu.memory_space<vmem>>) target(%dma_start3A_68 : memref<10240x32xf32, #tpu.memory_space<vmem_shared>>) offsets(%dma_start3A_65 : memref<128xi32, #tpu.memory_space<vmem>>) semaphore(%arg22 : memref<!tpu.dma_semaphore, #tpu.memory_space<semaphore_mem>>) {add = true}
      %add3A_69 = arith.constant 3 : i32
      %add3A_70 = arith.addi %mul3A_46, %add3A_69 : i32
      %dma_start3A_71 = arith.constant 0 : i32
      %dma_start3A_72 = tpu.memref_slice %arg11[%add3A_70, %dma_start3A_71] : memref<160x128xi32, #tpu.memory_space<vmem>> -> memref<1x128xi32, #tpu.memory_space<vmem>>
      %dma_start3A_73 = tpu.memref_squeeze %dma_start3A_72 : memref<1x128xi32, #tpu.memory_space<vmem>> -> memref<128xi32, #tpu.memory_space<vmem>>
      %dma_start3A_74 = arith.constant 0 : i32
      %dma_start3A_75 = arith.constant 0 : i32
      %dma_start3A_76 = tpu.memref_slice %arg8[%dma_start3A_74, %dma_start3A_75] : memref<10240x32xf32, #tpu.memory_space<vmem_shared>> -> memref<10240x32xf32, #tpu.memory_space<vmem_shared>>
      tpu.enqueue_indirect_dma source(%arg12 : memref<128x32xf32, #tpu.memory_space<vmem>>) target(%dma_start3A_76 : memref<10240x32xf32, #tpu.memory_space<vmem_shared>>) offsets(%dma_start3A_73 : memref<128xi32, #tpu.memory_space<vmem>>) semaphore(%arg22 : memref<!tpu.dma_semaphore, #tpu.memory_space<semaphore_mem>>) {add = true}
      %add3A_77 = arith.constant 4 : i32
      %add3A_78 = arith.addi %mul3A_46, %add3A_77 : i32
      %dma_start3A_79 = arith.constant 0 : i32
      %dma_start3A_80 = tpu.memref_slice %arg11[%add3A_78, %dma_start3A_79] : memref<160x128xi32, #tpu.memory_space<vmem>> -> memref<1x128xi32, #tpu.memory_space<vmem>>
      %dma_start3A_81 = tpu.memref_squeeze %dma_start3A_80 : memref<1x128xi32, #tpu.memory_space<vmem>> -> memref<128xi32, #tpu.memory_space<vmem>>
      %dma_start3A_82 = arith.constant 0 : i32
      %dma_start3A_83 = arith.constant 0 : i32
      %dma_start3A_84 = tpu.memref_slice %arg8[%dma_start3A_82, %dma_start3A_83] : memref<10240x32xf32, #tpu.memory_space<vmem_shared>> -> memref<10240x32xf32, #tpu.memory_space<vmem_shared>>
      tpu.enqueue_indirect_dma source(%arg12 : memref<128x32xf32, #tpu.memory_space<vmem>>) target(%dma_start3A_84 : memref<10240x32xf32, #tpu.memory_space<vmem_shared>>) offsets(%dma_start3A_81 : memref<128xi32, #tpu.memory_space<vmem>>) semaphore(%arg22 : memref<!tpu.dma_semaphore, #tpu.memory_space<semaphore_mem>>) {add = true}
      %add3A_85 = arith.constant 5 : i32
      %add3A_86 = arith.addi %mul3A_46, %add3A_85 : i32
      %dma_start3A_87 = arith.constant 0 : i32
      %dma_start3A_88 = tpu.memref_slice %arg11[%add3A_86, %dma_start3A_87] : memref<160x128xi32, #tpu.memory_space<vmem>> -> memref<1x128xi32, #tpu.memory_space<vmem>>
      %dma_start3A_89 = tpu.memref_squeeze %dma_start3A_88 : memref<1x128xi32, #tpu.memory_space<vmem>> -> memref<128xi32, #tpu.memory_space<vmem>>
      %dma_start3A_90 = arith.constant 0 : i32
      %dma_start3A_91 = arith.constant 0 : i32
      %dma_start3A_92 = tpu.memref_slice %arg8[%dma_start3A_90, %dma_start3A_91] : memref<10240x32xf32, #tpu.memory_space<vmem_shared>> -> memref<10240x32xf32, #tpu.memory_space<vmem_shared>>
      tpu.enqueue_indirect_dma source(%arg12 : memref<128x32xf32, #tpu.memory_space<vmem>>) target(%dma_start3A_92 : memref<10240x32xf32, #tpu.memory_space<vmem_shared>>) offsets(%dma_start3A_89 : memref<128xi32, #tpu.memory_space<vmem>>) semaphore(%arg22 : memref<!tpu.dma_semaphore, #tpu.memory_space<semaphore_mem>>) {add = true}
      %add3A_93 = arith.constant 6 : i32
      %add3A_94 = arith.addi %mul3A_46, %add3A_93 : i32
      %dma_start3A_95 = arith.constant 0 : i32
      %dma_start3A_96 = tpu.memref_slice %arg11[%add3A_94, %dma_start3A_95] : memref<160x128xi32, #tpu.memory_space<vmem>> -> memref<1x128xi32, #tpu.memory_space<vmem>>
      %dma_start3A_97 = tpu.memref_squeeze %dma_start3A_96 : memref<1x128xi32, #tpu.memory_space<vmem>> -> memref<128xi32, #tpu.memory_space<vmem>>
      %dma_start3A_98 = arith.constant 0 : i32
      %dma_start3A_99 = arith.constant 0 : i32
      %dma_start3A_100 = tpu.memref_slice %arg8[%dma_start3A_98, %dma_start3A_99] : memref<10240x32xf32, #tpu.memory_space<vmem_shared>> -> memref<10240x32xf32, #tpu.memory_space<vmem_shared>>
      tpu.enqueue_indirect_dma source(%arg12 : memref<128x32xf32, #tpu.memory_space<vmem>>) target(%dma_start3A_100 : memref<10240x32xf32, #tpu.memory_space<vmem_shared>>) offsets(%dma_start3A_97 : memref<128xi32, #tpu.memory_space<vmem>>) semaphore(%arg22 : memref<!tpu.dma_semaphore, #tpu.memory_space<semaphore_mem>>) {add = true}
      %add3A_101 = arith.constant 7 : i32
      %add3A_102 = arith.addi %mul3A_46, %add3A_101 : i32
      %dma_start3A_103 = arith.constant 0 : i32
      %dma_start3A_104 = tpu.memref_slice %arg11[%add3A_102, %dma_start3A_103] : memref<160x128xi32, #tpu.memory_space<vmem>> -> memref<1x128xi32, #tpu.memory_space<vmem>>
      %dma_start3A_105 = tpu.memref_squeeze %dma_start3A_104 : memref<1x128xi32, #tpu.memory_space<vmem>> -> memref<128xi32, #tpu.memory_space<vmem>>
      %dma_start3A_106 = arith.constant 0 : i32
      %dma_start3A_107 = arith.constant 0 : i32
      %dma_start3A_108 = tpu.memref_slice %arg8[%dma_start3A_106, %dma_start3A_107] : memref<10240x32xf32, #tpu.memory_space<vmem_shared>> -> memref<10240x32xf32, #tpu.memory_space<vmem_shared>>
      tpu.enqueue_indirect_dma source(%arg12 : memref<128x32xf32, #tpu.memory_space<vmem>>) target(%dma_start3A_108 : memref<10240x32xf32, #tpu.memory_space<vmem_shared>>) offsets(%dma_start3A_105 : memref<128xi32, #tpu.memory_space<vmem>>) semaphore(%arg22 : memref<!tpu.dma_semaphore, #tpu.memory_space<semaphore_mem>>) {add = true}
      %add3A_109 = arith.constant 8 : i32
      %add3A_110 = arith.addi %mul3A_46, %add3A_109 : i32
      %dma_start3A_111 = arith.constant 0 : i32
      %dma_start3A_112 = tpu.memref_slice %arg11[%add3A_110, %dma_start3A_111] : memref<160x128xi32, #tpu.memory_space<vmem>> -> memref<1x128xi32, #tpu.memory_space<vmem>>
      %dma_start3A_113 = tpu.memref_squeeze %dma_start3A_112 : memref<1x128xi32, #tpu.memory_space<vmem>> -> memref<128xi32, #tpu.memory_space<vmem>>
      %dma_start3A_114 = arith.constant 0 : i32
      %dma_start3A_115 = arith.constant 0 : i32
      %dma_start3A_116 = tpu.memref_slice %arg8[%dma_start3A_114, %dma_start3A_115] : memref<10240x32xf32, #tpu.memory_space<vmem_shared>> -> memref<10240x32xf32, #tpu.memory_space<vmem_shared>>
      tpu.enqueue_indirect_dma source(%arg12 : memref<128x32xf32, #tpu.memory_space<vmem>>) target(%dma_start3A_116 : memref<10240x32xf32, #tpu.memory_space<vmem_shared>>) offsets(%dma_start3A_113 : memref<128xi32, #tpu.memory_space<vmem>>) semaphore(%arg22 : memref<!tpu.dma_semaphore, #tpu.memory_space<semaphore_mem>>) {add = true}
      %add3A_117 = arith.constant 9 : i32
      %add3A_118 = arith.addi %mul3A_46, %add3A_117 : i32
      %dma_start3A_119 = arith.constant 0 : i32
      %dma_start3A_120 = tpu.memref_slice %arg11[%add3A_118, %dma_start3A_119] : memref<160x128xi32, #tpu.memory_space<vmem>> -> memref<1x128xi32, #tpu.memory_space<vmem>>
      %dma_start3A_121 = tpu.memref_squeeze %dma_start3A_120 : memref<1x128xi32, #tpu.memory_space<vmem>> -> memref<128xi32, #tpu.memory_space<vmem>>
      %dma_start3A_122 = arith.constant 0 : i32
      %dma_start3A_123 = arith.constant 0 : i32
      %dma_start3A_124 = tpu.memref_slice %arg8[%dma_start3A_122, %dma_start3A_123] : memref<10240x32xf32, #tpu.memory_space<vmem_shared>> -> memref<10240x32xf32, #tpu.memory_space<vmem_shared>>
      tpu.enqueue_indirect_dma source(%arg12 : memref<128x32xf32, #tpu.memory_space<vmem>>) target(%dma_start3A_124 : memref<10240x32xf32, #tpu.memory_space<vmem_shared>>) offsets(%dma_start3A_121 : memref<128xi32, #tpu.memory_space<vmem>>) semaphore(%arg22 : memref<!tpu.dma_semaphore, #tpu.memory_space<semaphore_mem>>) {add = true}
      %add3A_125 = arith.constant 10 : i32
      %add3A_126 = arith.addi %mul3A_46, %add3A_125 : i32
      %dma_start3A_127 = arith.constant 0 : i32
      %dma_start3A_128 = tpu.memref_slice %arg11[%add3A_126, %dma_start3A_127] : memref<160x128xi32, #tpu.memory_space<vmem>> -> memref<1x128xi32, #tpu.memory_space<vmem>>
      %dma_start3A_129 = tpu.memref_squeeze %dma_start3A_128 : memref<1x128xi32, #tpu.memory_space<vmem>> -> memref<128xi32, #tpu.memory_space<vmem>>
      %dma_start3A_130 = arith.constant 0 : i32
      %dma_start3A_131 = arith.constant 0 : i32
      %dma_start3A_132 = tpu.memref_slice %arg8[%dma_start3A_130, %dma_start3A_131] : memref<10240x32xf32, #tpu.memory_space<vmem_shared>> -> memref<10240x32xf32, #tpu.memory_space<vmem_shared>>
      tpu.enqueue_indirect_dma source(%arg12 : memref<128x32xf32, #tpu.memory_space<vmem>>) target(%dma_start3A_132 : memref<10240x32xf32, #tpu.memory_space<vmem_shared>>) offsets(%dma_start3A_129 : memref<128xi32, #tpu.memory_space<vmem>>) semaphore(%arg22 : memref<!tpu.dma_semaphore, #tpu.memory_space<semaphore_mem>>) {add = true}
      %add3A_133 = arith.constant 11 : i32
      %add3A_134 = arith.addi %mul3A_46, %add3A_133 : i32
      %dma_start3A_135 = arith.constant 0 : i32
      %dma_start3A_136 = tpu.memref_slice %arg11[%add3A_134, %dma_start3A_135] : memref<160x128xi32, #tpu.memory_space<vmem>> -> memref<1x128xi32, #tpu.memory_space<vmem>>
      %dma_start3A_137 = tpu.memref_squeeze %dma_start3A_136 : memref<1x128xi32, #tpu.memory_space<vmem>> -> memref<128xi32, #tpu.memory_space<vmem>>
      %dma_start3A_138 = arith.constant 0 : i32
      %dma_start3A_139 = arith.constant 0 : i32
      %dma_start3A_140 = tpu.memref_slice %arg8[%dma_start3A_138, %dma_start3A_139] : memref<10240x32xf32, #tpu.memory_space<vmem_shared>> -> memref<10240x32xf32, #tpu.memory_space<vmem_shared>>
      tpu.enqueue_indirect_dma source(%arg12 : memref<128x32xf32, #tpu.memory_space<vmem>>) target(%dma_start3A_140 : memref<10240x32xf32, #tpu.memory_space<vmem_shared>>) offsets(%dma_start3A_137 : memref<128xi32, #tpu.memory_space<vmem>>) semaphore(%arg22 : memref<!tpu.dma_semaphore, #tpu.memory_space<semaphore_mem>>) {add = true}
      %add3A_141 = arith.constant 12 : i32
      %add3A_142 = arith.addi %mul3A_46, %add3A_141 : i32
      %dma_start3A_143 = arith.constant 0 : i32
      %dma_start3A_144 = tpu.memref_slice %arg11[%add3A_142, %dma_start3A_143] : memref<160x128xi32, #tpu.memory_space<vmem>> -> memref<1x128xi32, #tpu.memory_space<vmem>>
      %dma_start3A_145 = tpu.memref_squeeze %dma_start3A_144 : memref<1x128xi32, #tpu.memory_space<vmem>> -> memref<128xi32, #tpu.memory_space<vmem>>
      %dma_start3A_146 = arith.constant 0 : i32
      %dma_start3A_147 = arith.constant 0 : i32
      %dma_start3A_148 = tpu.memref_slice %arg8[%dma_start3A_146, %dma_start3A_147] : memref<10240x32xf32, #tpu.memory_space<vmem_shared>> -> memref<10240x32xf32, #tpu.memory_space<vmem_shared>>
      tpu.enqueue_indirect_dma source(%arg12 : memref<128x32xf32, #tpu.memory_space<vmem>>) target(%dma_start3A_148 : memref<10240x32xf32, #tpu.memory_space<vmem_shared>>) offsets(%dma_start3A_145 : memref<128xi32, #tpu.memory_space<vmem>>) semaphore(%arg22 : memref<!tpu.dma_semaphore, #tpu.memory_space<semaphore_mem>>) {add = true}
      %add3A_149 = arith.constant 13 : i32
      %add3A_150 = arith.addi %mul3A_46, %add3A_149 : i32
      %dma_start3A_151 = arith.constant 0 : i32
      %dma_start3A_152 = tpu.memref_slice %arg11[%add3A_150, %dma_start3A_151] : memref<160x128xi32, #tpu.memory_space<vmem>> -> memref<1x128xi32, #tpu.memory_space<vmem>>
      %dma_start3A_153 = tpu.memref_squeeze %dma_start3A_152 : memref<1x128xi32, #tpu.memory_space<vmem>> -> memref<128xi32, #tpu.memory_space<vmem>>
      %dma_start3A_154 = arith.constant 0 : i32
      %dma_start3A_155 = arith.constant 0 : i32
      %dma_start3A_156 = tpu.memref_slice %arg8[%dma_start3A_154, %dma_start3A_155] : memref<10240x32xf32, #tpu.memory_space<vmem_shared>> -> memref<10240x32xf32, #tpu.memory_space<vmem_shared>>
      tpu.enqueue_indirect_dma source(%arg12 : memref<128x32xf32, #tpu.memory_space<vmem>>) target(%dma_start3A_156 : memref<10240x32xf32, #tpu.memory_space<vmem_shared>>) offsets(%dma_start3A_153 : memref<128xi32, #tpu.memory_space<vmem>>) semaphore(%arg22 : memref<!tpu.dma_semaphore, #tpu.memory_space<semaphore_mem>>) {add = true}
      %add3A_157 = arith.constant 14 : i32
      %add3A_158 = arith.addi %mul3A_46, %add3A_157 : i32
      %dma_start3A_159 = arith.constant 0 : i32
      %dma_start3A_160 = tpu.memref_slice %arg11[%add3A_158, %dma_start3A_159] : memref<160x128xi32, #tpu.memory_space<vmem>> -> memref<1x128xi32, #tpu.memory_space<vmem>>
      %dma_start3A_161 = tpu.memref_squeeze %dma_start3A_160 : memref<1x128xi32, #tpu.memory_space<vmem>> -> memref<128xi32, #tpu.memory_space<vmem>>
      %dma_start3A_162 = arith.constant 0 : i32
      %dma_start3A_163 = arith.constant 0 : i32
      %dma_start3A_164 = tpu.memref_slice %arg8[%dma_start3A_162, %dma_start3A_163] : memref<10240x32xf32, #tpu.memory_space<vmem_shared>> -> memref<10240x32xf32, #tpu.memory_space<vmem_shared>>
      tpu.enqueue_indirect_dma source(%arg12 : memref<128x32xf32, #tpu.memory_space<vmem>>) target(%dma_start3A_164 : memref<10240x32xf32, #tpu.memory_space<vmem_shared>>) offsets(%dma_start3A_161 : memref<128xi32, #tpu.memory_space<vmem>>) semaphore(%arg22 : memref<!tpu.dma_semaphore, #tpu.memory_space<semaphore_mem>>) {add = true}
      %add3A_165 = arith.constant 15 : i32
      %add3A_166 = arith.addi %mul3A_46, %add3A_165 : i32
      %dma_start3A_167 = arith.constant 0 : i32
      %dma_start3A_168 = tpu.memref_slice %arg11[%add3A_166, %dma_start3A_167] : memref<160x128xi32, #tpu.memory_space<vmem>> -> memref<1x128xi32, #tpu.memory_space<vmem>>
      %dma_start3A_169 = tpu.memref_squeeze %dma_start3A_168 : memref<1x128xi32, #tpu.memory_space<vmem>> -> memref<128xi32, #tpu.memory_space<vmem>>
      %dma_start3A_170 = arith.constant 0 : i32
      %dma_start3A_171 = arith.constant 0 : i32
      %dma_start3A_172 = tpu.memref_slice %arg8[%dma_start3A_170, %dma_start3A_171] : memref<10240x32xf32, #tpu.memory_space<vmem_shared>> -> memref<10240x32xf32, #tpu.memory_space<vmem_shared>>
      tpu.enqueue_indirect_dma source(%arg12 : memref<128x32xf32, #tpu.memory_space<vmem>>) target(%dma_start3A_172 : memref<10240x32xf32, #tpu.memory_space<vmem_shared>>) offsets(%dma_start3A_169 : memref<128xi32, #tpu.memory_space<vmem>>) semaphore(%arg22 : memref<!tpu.dma_semaphore, #tpu.memory_space<semaphore_mem>>) {add = true}
      %dma_wait3A = arith.constant 0 : i32
      %dma_wait3A_173 = tpu.memref_slice %arg11[%add3A_47, %dma_wait3A] : memref<160x128xi32, #tpu.memory_space<vmem>> -> memref<1x128xi32, #tpu.memory_space<vmem>>
      %dma_wait3A_174 = tpu.memref_squeeze %dma_wait3A_173 : memref<1x128xi32, #tpu.memory_space<vmem>> -> memref<128xi32, #tpu.memory_space<vmem>>
      %dma_wait3A_175 = arith.constant 0 : i32
      %dma_wait3A_176 = arith.constant 0 : i32
      %dma_wait3A_177 = tpu.memref_slice %arg8[%dma_wait3A_175, %dma_wait3A_176] : memref<10240x32xf32, #tpu.memory_space<vmem_shared>> -> memref<10240x32xf32, #tpu.memory_space<vmem_shared>>
      tpu.wait_indirect_dma semaphore(%arg22 : memref<!tpu.dma_semaphore, #tpu.memory_space<semaphore_mem>>) src(%arg12 : memref<128x32xf32, #tpu.memory_space<vmem>>) dst(%dma_wait3A_177 : memref<10240x32xf32, #tpu.memory_space<vmem_shared>>)
      %dma_wait3A_178 = arith.constant 0 : i32
      %dma_wait3A_179 = tpu.memref_slice %arg11[%add3A_54, %dma_wait3A_178] : memref<160x128xi32, #tpu.memory_space<vmem>> -> memref<1x128xi32, #tpu.memory_space<vmem>>
      %dma_wait3A_180 = tpu.memref_squeeze %dma_wait3A_179 : memref<1x128xi32, #tpu.memory_space<vmem>> -> memref<128xi32, #tpu.memory_space<vmem>>
      %dma_wait3A_181 = arith.constant 0 : i32
      %dma_wait3A_182 = arith.constant 0 : i32
      %dma_wait3A_183 = tpu.memref_slice %arg8[%dma_wait3A_181, %dma_wait3A_182] : memref<10240x32xf32, #tpu.memory_space<vmem_shared>> -> memref<10240x32xf32, #tpu.memory_space<vmem_shared>>
      tpu.wait_indirect_dma semaphore(%arg22 : memref<!tpu.dma_semaphore, #tpu.memory_space<semaphore_mem>>) src(%arg12 : memref<128x32xf32, #tpu.memory_space<vmem>>) dst(%dma_wait3A_183 : memref<10240x32xf32, #tpu.memory_space<vmem_shared>>)
      %dma_wait3A_184 = arith.constant 0 : i32
      %dma_wait3A_185 = tpu.memref_slice %arg11[%add3A_62, %dma_wait3A_184] : memref<160x128xi32, #tpu.memory_space<vmem>> -> memref<1x128xi32, #tpu.memory_space<vmem>>
      %dma_wait3A_186 = tpu.memref_squeeze %dma_wait3A_185 : memref<1x128xi32, #tpu.memory_space<vmem>> -> memref<128xi32, #tpu.memory_space<vmem>>
      %dma_wait3A_187 = arith.constant 0 : i32
      %dma_wait3A_188 = arith.constant 0 : i32
      %dma_wait3A_189 = tpu.memref_slice %arg8[%dma_wait3A_187, %dma_wait3A_188] : memref<10240x32xf32, #tpu.memory_space<vmem_shared>> -> memref<10240x32xf32, #tpu.memory_space<vmem_shared>>
      tpu.wait_indirect_dma semaphore(%arg22 : memref<!tpu.dma_semaphore, #tpu.memory_space<semaphore_mem>>) src(%arg12 : memref<128x32xf32, #tpu.memory_space<vmem>>) dst(%dma_wait3A_189 : memref<10240x32xf32, #tpu.memory_space<vmem_shared>>)
      %dma_wait3A_190 = arith.constant 0 : i32
      %dma_wait3A_191 = tpu.memref_slice %arg11[%add3A_70, %dma_wait3A_190] : memref<160x128xi32, #tpu.memory_space<vmem>> -> memref<1x128xi32, #tpu.memory_space<vmem>>
      %dma_wait3A_192 = tpu.memref_squeeze %dma_wait3A_191 : memref<1x128xi32, #tpu.memory_space<vmem>> -> memref<128xi32, #tpu.memory_space<vmem>>
      %dma_wait3A_193 = arith.constant 0 : i32
      %dma_wait3A_194 = arith.constant 0 : i32
      %dma_wait3A_195 = tpu.memref_slice %arg8[%dma_wait3A_193, %dma_wait3A_194] : memref<10240x32xf32, #tpu.memory_space<vmem_shared>> -> memref<10240x32xf32, #tpu.memory_space<vmem_shared>>
      tpu.wait_indirect_dma semaphore(%arg22 : memref<!tpu.dma_semaphore, #tpu.memory_space<semaphore_mem>>) src(%arg12 : memref<128x32xf32, #tpu.memory_space<vmem>>) dst(%dma_wait3A_195 : memref<10240x32xf32, #tpu.memory_space<vmem_shared>>)
      %dma_wait3A_196 = arith.constant 0 : i32
      %dma_wait3A_197 = tpu.memref_slice %arg11[%add3A_78, %dma_wait3A_196] : memref<160x128xi32, #tpu.memory_space<vmem>> -> memref<1x128xi32, #tpu.memory_space<vmem>>
      %dma_wait3A_198 = tpu.memref_squeeze %dma_wait3A_197 : memref<1x128xi32, #tpu.memory_space<vmem>> -> memref<128xi32, #tpu.memory_space<vmem>>
      %dma_wait3A_199 = arith.constant 0 : i32
      %dma_wait3A_200 = arith.constant 0 : i32
      %dma_wait3A_201 = tpu.memref_slice %arg8[%dma_wait3A_199, %dma_wait3A_200] : memref<10240x32xf32, #tpu.memory_space<vmem_shared>> -> memref<10240x32xf32, #tpu.memory_space<vmem_shared>>
      tpu.wait_indirect_dma semaphore(%arg22 : memref<!tpu.dma_semaphore, #tpu.memory_space<semaphore_mem>>) src(%arg12 : memref<128x32xf32, #tpu.memory_space<vmem>>) dst(%dma_wait3A_201 : memref<10240x32xf32, #tpu.memory_space<vmem_shared>>)
      %dma_wait3A_202 = arith.constant 0 : i32
      %dma_wait3A_203 = tpu.memref_slice %arg11[%add3A_86, %dma_wait3A_202] : memref<160x128xi32, #tpu.memory_space<vmem>> -> memref<1x128xi32, #tpu.memory_space<vmem>>
      %dma_wait3A_204 = tpu.memref_squeeze %dma_wait3A_203 : memref<1x128xi32, #tpu.memory_space<vmem>> -> memref<128xi32, #tpu.memory_space<vmem>>
      %dma_wait3A_205 = arith.constant 0 : i32
      %dma_wait3A_206 = arith.constant 0 : i32
      %dma_wait3A_207 = tpu.memref_slice %arg8[%dma_wait3A_205, %dma_wait3A_206] : memref<10240x32xf32, #tpu.memory_space<vmem_shared>> -> memref<10240x32xf32, #tpu.memory_space<vmem_shared>>
      tpu.wait_indirect_dma semaphore(%arg22 : memref<!tpu.dma_semaphore, #tpu.memory_space<semaphore_mem>>) src(%arg12 : memref<128x32xf32, #tpu.memory_space<vmem>>) dst(%dma_wait3A_207 : memref<10240x32xf32, #tpu.memory_space<vmem_shared>>)
      %dma_wait3A_208 = arith.constant 0 : i32
      %dma_wait3A_209 = tpu.memref_slice %arg11[%add3A_94, %dma_wait3A_208] : memref<160x128xi32, #tpu.memory_space<vmem>> -> memref<1x128xi32, #tpu.memory_space<vmem>>
      %dma_wait3A_210 = tpu.memref_squeeze %dma_wait3A_209 : memref<1x128xi32, #tpu.memory_space<vmem>> -> memref<128xi32, #tpu.memory_space<vmem>>
      %dma_wait3A_211 = arith.constant 0 : i32
      %dma_wait3A_212 = arith.constant 0 : i32
      %dma_wait3A_213 = tpu.memref_slice %arg8[%dma_wait3A_211, %dma_wait3A_212] : memref<10240x32xf32, #tpu.memory_space<vmem_shared>> -> memref<10240x32xf32, #tpu.memory_space<vmem_shared>>
      tpu.wait_indirect_dma semaphore(%arg22 : memref<!tpu.dma_semaphore, #tpu.memory_space<semaphore_mem>>) src(%arg12 : memref<128x32xf32, #tpu.memory_space<vmem>>) dst(%dma_wait3A_213 : memref<10240x32xf32, #tpu.memory_space<vmem_shared>>)
      %dma_wait3A_214 = arith.constant 0 : i32
      %dma_wait3A_215 = tpu.memref_slice %arg11[%add3A_102, %dma_wait3A_214] : memref<160x128xi32, #tpu.memory_space<vmem>> -> memref<1x128xi32, #tpu.memory_space<vmem>>
      %dma_wait3A_216 = tpu.memref_squeeze %dma_wait3A_215 : memref<1x128xi32, #tpu.memory_space<vmem>> -> memref<128xi32, #tpu.memory_space<vmem>>
      %dma_wait3A_217 = arith.constant 0 : i32
      %dma_wait3A_218 = arith.constant 0 : i32
      %dma_wait3A_219 = tpu.memref_slice %arg8[%dma_wait3A_217, %dma_wait3A_218] : memref<10240x32xf32, #tpu.memory_space<vmem_shared>> -> memref<10240x32xf32, #tpu.memory_space<vmem_shared>>
      tpu.wait_indirect_dma semaphore(%arg22 : memref<!tpu.dma_semaphore, #tpu.memory_space<semaphore_mem>>) src(%arg12 : memref<128x32xf32, #tpu.memory_space<vmem>>) dst(%dma_wait3A_219 : memref<10240x32xf32, #tpu.memory_space<vmem_shared>>)
      %dma_wait3A_220 = arith.constant 0 : i32
      %dma_wait3A_221 = tpu.memref_slice %arg11[%add3A_110, %dma_wait3A_220] : memref<160x128xi32, #tpu.memory_space<vmem>> -> memref<1x128xi32, #tpu.memory_space<vmem>>
      %dma_wait3A_222 = tpu.memref_squeeze %dma_wait3A_221 : memref<1x128xi32, #tpu.memory_space<vmem>> -> memref<128xi32, #tpu.memory_space<vmem>>
      %dma_wait3A_223 = arith.constant 0 : i32
      %dma_wait3A_224 = arith.constant 0 : i32
      %dma_wait3A_225 = tpu.memref_slice %arg8[%dma_wait3A_223, %dma_wait3A_224] : memref<10240x32xf32, #tpu.memory_space<vmem_shared>> -> memref<10240x32xf32, #tpu.memory_space<vmem_shared>>
      tpu.wait_indirect_dma semaphore(%arg22 : memref<!tpu.dma_semaphore, #tpu.memory_space<semaphore_mem>>) src(%arg12 : memref<128x32xf32, #tpu.memory_space<vmem>>) dst(%dma_wait3A_225 : memref<10240x32xf32, #tpu.memory_space<vmem_shared>>)
      %dma_wait3A_226 = arith.constant 0 : i32
      %dma_wait3A_227 = tpu.memref_slice %arg11[%add3A_118, %dma_wait3A_226] : memref<160x128xi32, #tpu.memory_space<vmem>> -> memref<1x128xi32, #tpu.memory_space<vmem>>
      %dma_wait3A_228 = tpu.memref_squeeze %dma_wait3A_227 : memref<1x128xi32, #tpu.memory_space<vmem>> -> memref<128xi32, #tpu.memory_space<vmem>>
      %dma_wait3A_229 = arith.constant 0 : i32
      %dma_wait3A_230 = arith.constant 0 : i32
      %dma_wait3A_231 = tpu.memref_slice %arg8[%dma_wait3A_229, %dma_wait3A_230] : memref<10240x32xf32, #tpu.memory_space<vmem_shared>> -> memref<10240x32xf32, #tpu.memory_space<vmem_shared>>
      tpu.wait_indirect_dma semaphore(%arg22 : memref<!tpu.dma_semaphore, #tpu.memory_space<semaphore_mem>>) src(%arg12 : memref<128x32xf32, #tpu.memory_space<vmem>>) dst(%dma_wait3A_231 : memref<10240x32xf32, #tpu.memory_space<vmem_shared>>)
      %dma_wait3A_232 = arith.constant 0 : i32
      %dma_wait3A_233 = tpu.memref_slice %arg11[%add3A_126, %dma_wait3A_232] : memref<160x128xi32, #tpu.memory_space<vmem>> -> memref<1x128xi32, #tpu.memory_space<vmem>>
      %dma_wait3A_234 = tpu.memref_squeeze %dma_wait3A_233 : memref<1x128xi32, #tpu.memory_space<vmem>> -> memref<128xi32, #tpu.memory_space<vmem>>
      %dma_wait3A_235 = arith.constant 0 : i32
      %dma_wait3A_236 = arith.constant 0 : i32
      %dma_wait3A_237 = tpu.memref_slice %arg8[%dma_wait3A_235, %dma_wait3A_236] : memref<10240x32xf32, #tpu.memory_space<vmem_shared>> -> memref<10240x32xf32, #tpu.memory_space<vmem_shared>>
      tpu.wait_indirect_dma semaphore(%arg22 : memref<!tpu.dma_semaphore, #tpu.memory_space<semaphore_mem>>) src(%arg12 : memref<128x32xf32, #tpu.memory_space<vmem>>) dst(%dma_wait3A_237 : memref<10240x32xf32, #tpu.memory_space<vmem_shared>>)
      %dma_wait3A_238 = arith.constant 0 : i32
      %dma_wait3A_239 = tpu.memref_slice %arg11[%add3A_134, %dma_wait3A_238] : memref<160x128xi32, #tpu.memory_space<vmem>> -> memref<1x128xi32, #tpu.memory_space<vmem>>
      %dma_wait3A_240 = tpu.memref_squeeze %dma_wait3A_239 : memref<1x128xi32, #tpu.memory_space<vmem>> -> memref<128xi32, #tpu.memory_space<vmem>>
      %dma_wait3A_241 = arith.constant 0 : i32
      %dma_wait3A_242 = arith.constant 0 : i32
      %dma_wait3A_243 = tpu.memref_slice %arg8[%dma_wait3A_241, %dma_wait3A_242] : memref<10240x32xf32, #tpu.memory_space<vmem_shared>> -> memref<10240x32xf32, #tpu.memory_space<vmem_shared>>
      tpu.wait_indirect_dma semaphore(%arg22 : memref<!tpu.dma_semaphore, #tpu.memory_space<semaphore_mem>>) src(%arg12 : memref<128x32xf32, #tpu.memory_space<vmem>>) dst(%dma_wait3A_243 : memref<10240x32xf32, #tpu.memory_space<vmem_shared>>)
      %dma_wait3A_244 = arith.constant 0 : i32
      %dma_wait3A_245 = tpu.memref_slice %arg11[%add3A_142, %dma_wait3A_244] : memref<160x128xi32, #tpu.memory_space<vmem>> -> memref<1x128xi32, #tpu.memory_space<vmem>>
      %dma_wait3A_246 = tpu.memref_squeeze %dma_wait3A_245 : memref<1x128xi32, #tpu.memory_space<vmem>> -> memref<128xi32, #tpu.memory_space<vmem>>
      %dma_wait3A_247 = arith.constant 0 : i32
      %dma_wait3A_248 = arith.constant 0 : i32
      %dma_wait3A_249 = tpu.memref_slice %arg8[%dma_wait3A_247, %dma_wait3A_248] : memref<10240x32xf32, #tpu.memory_space<vmem_shared>> -> memref<10240x32xf32, #tpu.memory_space<vmem_shared>>
      tpu.wait_indirect_dma semaphore(%arg22 : memref<!tpu.dma_semaphore, #tpu.memory_space<semaphore_mem>>) src(%arg12 : memref<128x32xf32, #tpu.memory_space<vmem>>) dst(%dma_wait3A_249 : memref<10240x32xf32, #tpu.memory_space<vmem_shared>>)
      %dma_wait3A_250 = arith.constant 0 : i32
      %dma_wait3A_251 = tpu.memref_slice %arg11[%add3A_150, %dma_wait3A_250] : memref<160x128xi32, #tpu.memory_space<vmem>> -> memref<1x128xi32, #tpu.memory_space<vmem>>
      %dma_wait3A_252 = tpu.memref_squeeze %dma_wait3A_251 : memref<1x128xi32, #tpu.memory_space<vmem>> -> memref<128xi32, #tpu.memory_space<vmem>>
      %dma_wait3A_253 = arith.constant 0 : i32
      %dma_wait3A_254 = arith.constant 0 : i32
      %dma_wait3A_255 = tpu.memref_slice %arg8[%dma_wait3A_253, %dma_wait3A_254] : memref<10240x32xf32, #tpu.memory_space<vmem_shared>> -> memref<10240x32xf32, #tpu.memory_space<vmem_shared>>
      tpu.wait_indirect_dma semaphore(%arg22 : memref<!tpu.dma_semaphore, #tpu.memory_space<semaphore_mem>>) src(%arg12 : memref<128x32xf32, #tpu.memory_space<vmem>>) dst(%dma_wait3A_255 : memref<10240x32xf32, #tpu.memory_space<vmem_shared>>)
      %dma_wait3A_256 = arith.constant 0 : i32
      %dma_wait3A_257 = tpu.memref_slice %arg11[%add3A_158, %dma_wait3A_256] : memref<160x128xi32, #tpu.memory_space<vmem>> -> memref<1x128xi32, #tpu.memory_space<vmem>>
      %dma_wait3A_258 = tpu.memref_squeeze %dma_wait3A_257 : memref<1x128xi32, #tpu.memory_space<vmem>> -> memref<128xi32, #tpu.memory_space<vmem>>
      %dma_wait3A_259 = arith.constant 0 : i32
      %dma_wait3A_260 = arith.constant 0 : i32
      %dma_wait3A_261 = tpu.memref_slice %arg8[%dma_wait3A_259, %dma_wait3A_260] : memref<10240x32xf32, #tpu.memory_space<vmem_shared>> -> memref<10240x32xf32, #tpu.memory_space<vmem_shared>>
      tpu.wait_indirect_dma semaphore(%arg22 : memref<!tpu.dma_semaphore, #tpu.memory_space<semaphore_mem>>) src(%arg12 : memref<128x32xf32, #tpu.memory_space<vmem>>) dst(%dma_wait3A_261 : memref<10240x32xf32, #tpu.memory_space<vmem_shared>>)
      %dma_wait3A_262 = arith.constant 0 : i32
      %dma_wait3A_263 = tpu.memref_slice %arg11[%add3A_166, %dma_wait3A_262] : memref<160x128xi32, #tpu.memory_space<vmem>> -> memref<1x128xi32, #tpu.memory_space<vmem>>
      %dma_wait3A_264 = tpu.memref_squeeze %dma_wait3A_263 : memref<1x128xi32, #tpu.memory_space<vmem>> -> memref<128xi32, #tpu.memory_space<vmem>>
      %dma_wait3A_265 = arith.constant 0 : i32
      %dma_wait3A_266 = arith.constant 0 : i32
      %dma_wait3A_267 = tpu.memref_slice %arg8[%dma_wait3A_265, %dma_wait3A_266] : memref<10240x32xf32, #tpu.memory_space<vmem_shared>> -> memref<10240x32xf32, #tpu.memory_space<vmem_shared>>
      tpu.wait_indirect_dma semaphore(%arg22 : memref<!tpu.dma_semaphore, #tpu.memory_space<semaphore_mem>>) src(%arg12 : memref<128x32xf32, #tpu.memory_space<vmem>>) dst(%dma_wait3A_267 : memref<10240x32xf32, #tpu.memory_space<vmem_shared>>)
    }
    %scan3A_18 = arith.constant 10 : i32
    %scan3A_19 = arith.constant 0 : i32
    %scan3A_20 = arith.constant 5 : i32
    %scan3A_21 = arith.addi %scan3A_19, %scan3A_20 : i32
    %scan3A_22 = arith.constant 1 : i32
    scf.for %scan3A_44 = %scan3A_19 to %scan3A_21 step %scan3A_22  : i32 {
      %mul3A_45 = arith.constant 128 : i32
      %mul3A_46 = arith.muli %scan3A_44, %mul3A_45 : i32
      %add3A = arith.addi %mul3A_0, %mul3A_46 : i32
      "tpu.region"() ({
        %run_scoped3A = tpu.sem_alloc : memref<!tpu.dma_semaphore, #tpu.memory_space<semaphore_mem>>
        %dma_start3A = arith.constant 0 : i32
        %dma_start3A_47 = tpu.memref_slice %arg7[%add3A, %dma_start3A] : memref<10240x32xf32, #tpu.memory_space<vmem_shared>> -> memref<128x32xf32, #tpu.memory_space<vmem_shared>>
        %dma_start3A_48 = arith.constant 0 : i32
        %dma_start3A_49 = tpu.memref_slice %arg2[%arg0, %add3A, %dma_start3A_48] : memref<2x10240x32xf32, #tpu.memory_space<hbm>> -> memref<1x128x32xf32, #tpu.memory_space<hbm>>
        %dma_start3A_50 = tpu.memref_squeeze %dma_start3A_49 : memref<1x128x32xf32, #tpu.memory_space<hbm>> -> memref<128x32xf32, #tpu.memory_space<hbm>>
        tpu.enqueue_dma source(%dma_start3A_50 : memref<128x32xf32, #tpu.memory_space<hbm>>) target(%dma_start3A_47 : memref<128x32xf32, #tpu.memory_space<vmem_shared>>) target_semaphore(%run_scoped3A : memref<!tpu.dma_semaphore, #tpu.memory_space<semaphore_mem>>)
        %dma_wait3A = arith.constant 0 : i32
        %dma_wait3A_51 = tpu.memref_slice %arg7[%add3A, %dma_wait3A] : memref<10240x32xf32, #tpu.memory_space<vmem_shared>> -> memref<128x32xf32, #tpu.memory_space<vmem_shared>>
        %dma_wait3A_52 = arith.constant 0 : i32
        %dma_wait3A_53 = tpu.memref_slice %arg2[%arg0, %add3A, %dma_wait3A_52] : memref<2x10240x32xf32, #tpu.memory_space<hbm>> -> memref<1x128x32xf32, #tpu.memory_space<hbm>>
        %dma_wait3A_54 = tpu.memref_squeeze %dma_wait3A_53 : memref<1x128x32xf32, #tpu.memory_space<hbm>> -> memref<128x32xf32, #tpu.memory_space<hbm>>
        tpu.wait_dma2 semaphore(%run_scoped3A : memref<!tpu.dma_semaphore, #tpu.memory_space<semaphore_mem>>) src(%dma_wait3A_54 : memref<128x32xf32, #tpu.memory_space<hbm>>) dst(%dma_wait3A_51 : memref<128x32xf32, #tpu.memory_space<vmem_shared>>)
        tpu.yield
      }) : () -> ()
    }
    %scan3A_23 = arith.constant 5 : i32
    %barrier3A_24 = arith.constant 0 : index
    tpu.barrier barrier_id(%barrier3A_24)
    %get3A = arith.constant 0 : i32
    %get3A_25 = arith.index_cast %get3A : i32 to index
    %get3A_26 = arith.constant 0 : index
    %get3A_27 = tpu.vector_load %arg17[%get3A_25, %get3A_26] {strides = array<i32>} : memref<16x16xf32, #tpu.memory_space<vmem>>, vector<1x16xf32>,
    %get3A_28 = vector.shape_cast %get3A_27 : vector<1x16xf32> to vector<16xf32>
    %scan3A_29 = arith.constant 0 : i32
    %scan3A_30 = arith.constant 5 : i32
    %scan3A_31 = arith.addi %scan3A_29, %scan3A_30 : i32
    %scan3A_32 = arith.constant 1 : i32
    scf.for %scan3A_44 = %scan3A_29 to %scan3A_31 step %scan3A_32  : i32 {
      %mul3A_45 = arith.constant 128 : i32
      %mul3A_46 = arith.muli %scan3A_44, %mul3A_45 : i32
      %add3A = arith.addi %mul3A_0, %mul3A_46 : i32
      "tpu.region"() ({
        %run_scoped3A = tpu.sem_alloc : memref<!tpu.dma_semaphore, #tpu.memory_space<semaphore_mem>>
        %dma_start3A = arith.constant 0 : i32
        %dma_start3A_52 = tpu.memref_slice %arg8[%add3A, %dma_start3A] : memref<10240x32xf32, #tpu.memory_space<vmem_shared>> -> memref<128x32xf32, #tpu.memory_space<vmem_shared>>
        %dma_start3A_53 = arith.constant 0 : i32
        %dma_start3A_54 = tpu.memref_slice %arg8[%add3A, %dma_start3A_53] : memref<10240x32xf32, #tpu.memory_space<vmem_shared>> -> memref<128x32xf32, #tpu.memory_space<vmem_shared>>
        tpu.enqueue_dma source(%dma_start3A_54 : memref<128x32xf32, #tpu.memory_space<vmem_shared>>) target(%arg12 : memref<128x32xf32, #tpu.memory_space<vmem>>) target_semaphore(%run_scoped3A : memref<!tpu.dma_semaphore, #tpu.memory_space<semaphore_mem>>)
        %dma_wait3A = arith.constant 0 : i32
        %dma_wait3A_55 = tpu.memref_slice %arg8[%add3A, %dma_wait3A] : memref<10240x32xf32, #tpu.memory_space<vmem_shared>> -> memref<128x32xf32, #tpu.memory_space<vmem_shared>>
        %dma_wait3A_56 = arith.constant 0 : i32
        %dma_wait3A_57 = tpu.memref_slice %arg8[%add3A, %dma_wait3A_56] : memref<10240x32xf32, #tpu.memory_space<vmem_shared>> -> memref<128x32xf32, #tpu.memory_space<vmem_shared>>
        tpu.wait_dma2 semaphore(%run_scoped3A : memref<!tpu.dma_semaphore, #tpu.memory_space<semaphore_mem>>) src(%dma_wait3A_57 : memref<128x32xf32, #tpu.memory_space<vmem_shared>>) dst(%arg12 : memref<128x32xf32, #tpu.memory_space<vmem>>)
        tpu.yield
      }) : () -> ()
      "tpu.region"() ({
        %run_scoped3A = tpu.sem_alloc : memref<!tpu.dma_semaphore, #tpu.memory_space<semaphore_mem>>
        %dma_start3A = arith.constant 0 : i32
        %dma_start3A_52 = tpu.memref_slice %arg7[%add3A, %dma_start3A] : memref<10240x32xf32, #tpu.memory_space<vmem_shared>> -> memref<128x32xf32, #tpu.memory_space<vmem_shared>>
        %dma_start3A_53 = arith.constant 0 : i32
        %dma_start3A_54 = tpu.memref_slice %arg7[%add3A, %dma_start3A_53] : memref<10240x32xf32, #tpu.memory_space<vmem_shared>> -> memref<128x32xf32, #tpu.memory_space<vmem_shared>>
        tpu.enqueue_dma source(%dma_start3A_54 : memref<128x32xf32, #tpu.memory_space<vmem_shared>>) target(%arg13 : memref<128x32xf32, #tpu.memory_space<vmem>>) target_semaphore(%run_scoped3A : memref<!tpu.dma_semaphore, #tpu.memory_space<semaphore_mem>>)
        %dma_wait3A = arith.constant 0 : i32
        %dma_wait3A_55 = tpu.memref_slice %arg7[%add3A, %dma_wait3A] : memref<10240x32xf32, #tpu.memory_space<vmem_shared>> -> memref<128x32xf32, #tpu.memory_space<vmem_shared>>
        %dma_wait3A_56 = arith.constant 0 : i32
        %dma_wait3A_57 = tpu.memref_slice %arg7[%add3A, %dma_wait3A_56] : memref<10240x32xf32, #tpu.memory_space<vmem_shared>> -> memref<128x32xf32, #tpu.memory_space<vmem_shared>>
        tpu.wait_dma2 semaphore(%run_scoped3A : memref<!tpu.dma_semaphore, #tpu.memory_space<semaphore_mem>>) src(%dma_wait3A_57 : memref<128x32xf32, #tpu.memory_space<vmem_shared>>) dst(%arg13 : memref<128x32xf32, #tpu.memory_space<vmem>>)
        tpu.yield
      }) : () -> ()
      %scan3A_47 = arith.constant 0 : i32
      %scan3A_48 = arith.constant 128 : i32
      %scan3A_49 = arith.addi %scan3A_47, %scan3A_48 : i32
      %scan3A_50 = arith.constant 1 : i32
      scf.for %scan3A_52 = %scan3A_47 to %scan3A_49 step %scan3A_50  : i32 {
        %get3A_53 = arith.index_cast %scan3A_52 : i32 to index
        %get3A_54 = arith.constant 0 : index
        %get3A_55 = tpu.vector_load %arg12[%get3A_53, %get3A_54] {strides = array<i32>} : memref<128x32xf32, #tpu.memory_space<vmem>>, vector<1x16xf32>,
        %get3A_56 = vector.shape_cast %get3A_55 : vector<1x16xf32> to vector<16xf32>
        %bitcast_convert_type3A = tpu.bitcast %get3A_56 : vector<16xf32> -> vector<16xi32>
        %broadcast_in_dim3A = arith.constant 1597463007 : i32
        %broadcast_in_dim3A_57 = vector.broadcast %broadcast_in_dim3A : i32 to vector<16xi32>
        %shift_right_arithmetic3A = arith.constant 1 : i32
        %shift_right_arithmetic3A_58 = vector.broadcast %shift_right_arithmetic3A : i32 to vector<16xi32>
        %shift_right_arithmetic3A_59 = arith.shrsi %bitcast_convert_type3A, %shift_right_arithmetic3A_58 : vector<16xi32>
        %sub3A = arith.subi %broadcast_in_dim3A_57, %shift_right_arithmetic3A_59 : vector<16xi32>
        %bitcast_convert_type3A_60 = tpu.bitcast %sub3A : vector<16xi32> -> vector<16xf32>
        %mul3A_61 = arith.constant 5.000000e-01 : f32
        %mul3A_62 = vector.broadcast %mul3A_61 : f32 to vector<16xf32>
        %mul3A_63 = arith.mulf %mul3A_62, %get3A_56 : vector<16xf32>
        %mul3A_64 = arith.mulf %mul3A_63, %bitcast_convert_type3A_60 : vector<16xf32>
        %mul3A_65 = arith.mulf %mul3A_64, %bitcast_convert_type3A_60 : vector<16xf32>
        %sub3A_66 = arith.constant 1.500000e+00 : f32
        %sub3A_67 = vector.broadcast %sub3A_66 : f32 to vector<16xf32>
        %sub3A_68 = arith.subf %sub3A_67, %mul3A_65 : vector<16xf32>
        %mul3A_69 = arith.mulf %bitcast_convert_type3A_60, %sub3A_68 : vector<16xf32>
        %mul3A_70 = arith.constant 5.000000e-01 : f32
        %mul3A_71 = vector.broadcast %mul3A_70 : f32 to vector<16xf32>
        %mul3A_72 = arith.mulf %mul3A_71, %get3A_56 : vector<16xf32>
        %mul3A_73 = arith.mulf %mul3A_72, %mul3A_69 : vector<16xf32>
        %mul3A_74 = arith.mulf %mul3A_73, %mul3A_69 : vector<16xf32>
        %sub3A_75 = arith.constant 1.500000e+00 : f32
        %sub3A_76 = vector.broadcast %sub3A_75 : f32 to vector<16xf32>
        %sub3A_77 = arith.subf %sub3A_76, %mul3A_74 : vector<16xf32>
        %mul3A_78 = arith.mulf %mul3A_69, %sub3A_77 : vector<16xf32>
        %mul3A_79 = arith.constant 5.000000e-01 : f32
        %mul3A_80 = vector.broadcast %mul3A_79 : f32 to vector<16xf32>
        %mul3A_81 = arith.mulf %mul3A_80, %get3A_56 : vector<16xf32>
        %mul3A_82 = arith.mulf %mul3A_81, %mul3A_78 : vector<16xf32>
        %mul3A_83 = arith.mulf %mul3A_82, %mul3A_78 : vector<16xf32>
        %sub3A_84 = arith.constant 1.500000e+00 : f32
        %sub3A_85 = vector.broadcast %sub3A_84 : f32 to vector<16xf32>
        %sub3A_86 = arith.subf %sub3A_85, %mul3A_83 : vector<16xf32>
        %mul3A_87 = arith.mulf %mul3A_78, %sub3A_86 : vector<16xf32>
        %mul3A_88 = arith.constant 128 : i32
        %mul3A_89 = arith.muli %scan3A_44, %mul3A_88 : i32
        %add3A_90 = arith.addi %mul3A_89, %scan3A_52 : i32
        %swap3A = arith.index_cast %add3A_90 : i32 to index
        %swap3A_91 = arith.constant 0 : index
        %swap3A_92 = tpu.vector_load %arg16[%swap3A, %swap3A_91] {strides = array<i32>} : memref<640x16xf32, #tpu.memory_space<vmem>>, vector<1x16xf32>,
        %swap3A_93 = vector.shape_cast %swap3A_92 : vector<1x16xf32> to vector<16xf32>
        %swap3A_94 = vector.shape_cast %mul3A_87 : vector<16xf32> to vector<1x16xf32>
        tpu.vector_store %arg16[%swap3A, %swap3A_91], %swap3A_94 {strides = array<i32>} : memref<640x16xf32, #tpu.memory_space<vmem>>, vector<1x16xf32>,
        %get3A_95 = arith.index_cast %scan3A_52 : i32 to index
        %get3A_96 = arith.constant 0 : index
        %get3A_97 = tpu.vector_load %arg13[%get3A_95, %get3A_96] {strides = array<i32>} : memref<128x32xf32, #tpu.memory_space<vmem>>, vector<1x16xf32>,
        %get3A_98 = vector.shape_cast %get3A_97 : vector<1x16xf32> to vector<16xf32>
        %mul3A_99 = arith.mulf %get3A_98, %mul3A_87 : vector<16xf32>
        %swap3A_100 = arith.index_cast %scan3A_52 : i32 to index
        %swap3A_101 = arith.constant 0 : index
        %swap3A_102 = tpu.vector_load %arg12[%swap3A_100, %swap3A_101] {strides = array<i32>} : memref<128x32xf32, #tpu.memory_space<vmem>>, vector<1x16xf32>,
        %swap3A_103 = vector.shape_cast %swap3A_102 : vector<1x16xf32> to vector<16xf32>
        %swap3A_104 = vector.shape_cast %mul3A_99 : vector<16xf32> to vector<1x16xf32>
        tpu.vector_store %arg12[%swap3A_100, %swap3A_101], %swap3A_104 {strides = array<i32>} : memref<128x32xf32, #tpu.memory_space<vmem>>, vector<1x16xf32>,
        %mul3A_105 = arith.mulf %mul3A_99, %get3A_28 : vector<16xf32>
        %swap3A_106 = arith.index_cast %scan3A_52 : i32 to index
        %swap3A_107 = arith.constant 0 : index
        %swap3A_108 = tpu.vector_load %arg13[%swap3A_106, %swap3A_107] {strides = array<i32>} : memref<128x32xf32, #tpu.memory_space<vmem>>, vector<1x16xf32>,
        %swap3A_109 = vector.shape_cast %swap3A_108 : vector<1x16xf32> to vector<16xf32>
        %swap3A_110 = vector.shape_cast %mul3A_105 : vector<16xf32> to vector<1x16xf32>
        tpu.vector_store %arg13[%swap3A_106, %swap3A_107], %swap3A_110 {strides = array<i32>} : memref<128x32xf32, #tpu.memory_space<vmem>>, vector<1x16xf32>,
        %get3A_111 = arith.index_cast %scan3A_52 : i32 to index
        %get3A_112 = arith.constant 16 : index
        %get3A_113 = tpu.vector_load %arg13[%get3A_111, %get3A_112] {strides = array<i32>} : memref<128x32xf32, #tpu.memory_space<vmem>>, vector<1x16xf32>,
        %get3A_114 = vector.shape_cast %get3A_113 : vector<1x16xf32> to vector<16xf32>
        %mul3A_115 = arith.mulf %get3A_114, %mul3A_87 : vector<16xf32>
        %swap3A_116 = arith.index_cast %scan3A_52 : i32 to index
        %swap3A_117 = arith.constant 16 : index
        %swap3A_118 = tpu.vector_load %arg12[%swap3A_116, %swap3A_117] {strides = array<i32>} : memref<128x32xf32, #tpu.memory_space<vmem>>, vector<1x16xf32>,
        %swap3A_119 = vector.shape_cast %swap3A_118 : vector<1x16xf32> to vector<16xf32>
        %swap3A_120 = vector.shape_cast %mul3A_115 : vector<16xf32> to vector<1x16xf32>
        tpu.vector_store %arg12[%swap3A_116, %swap3A_117], %swap3A_120 {strides = array<i32>} : memref<128x32xf32, #tpu.memory_space<vmem>>, vector<1x16xf32>,
        %mul3A_121 = arith.mulf %mul3A_115, %get3A_28 : vector<16xf32>
        %swap3A_122 = arith.index_cast %scan3A_52 : i32 to index
        %swap3A_123 = arith.constant 16 : index
        %swap3A_124 = tpu.vector_load %arg13[%swap3A_122, %swap3A_123] {strides = array<i32>} : memref<128x32xf32, #tpu.memory_space<vmem>>, vector<1x16xf32>,
        %swap3A_125 = vector.shape_cast %swap3A_124 : vector<1x16xf32> to vector<16xf32>
        %swap3A_126 = vector.shape_cast %mul3A_121 : vector<16xf32> to vector<1x16xf32>
        tpu.vector_store %arg13[%swap3A_122, %swap3A_123], %swap3A_126 {strides = array<i32>} : memref<128x32xf32, #tpu.memory_space<vmem>>, vector<1x16xf32>,
      }
      %scan3A_51 = arith.constant 128 : i32
      "tpu.region"() ({
        %run_scoped3A = tpu.sem_alloc : memref<!tpu.dma_semaphore, #tpu.memory_space<semaphore_mem>>
        %dma_start3A = arith.constant 0 : i32
        %dma_start3A_52 = tpu.memref_slice %arg7[%add3A, %dma_start3A] : memref<10240x32xf32, #tpu.memory_space<vmem_shared>> -> memref<128x32xf32, #tpu.memory_space<vmem_shared>>
        %dma_start3A_53 = arith.constant 0 : i32
        %dma_start3A_54 = tpu.memref_slice %arg7[%add3A, %dma_start3A_53] : memref<10240x32xf32, #tpu.memory_space<vmem_shared>> -> memref<128x32xf32, #tpu.memory_space<vmem_shared>>
        tpu.enqueue_dma source(%arg12 : memref<128x32xf32, #tpu.memory_space<vmem>>) target(%dma_start3A_54 : memref<128x32xf32, #tpu.memory_space<vmem_shared>>) target_semaphore(%run_scoped3A : memref<!tpu.dma_semaphore, #tpu.memory_space<semaphore_mem>>)
        %dma_wait3A = arith.constant 0 : i32
        %dma_wait3A_55 = tpu.memref_slice %arg7[%add3A, %dma_wait3A] : memref<10240x32xf32, #tpu.memory_space<vmem_shared>> -> memref<128x32xf32, #tpu.memory_space<vmem_shared>>
        %dma_wait3A_56 = arith.constant 0 : i32
        %dma_wait3A_57 = tpu.memref_slice %arg7[%add3A, %dma_wait3A_56] : memref<10240x32xf32, #tpu.memory_space<vmem_shared>> -> memref<128x32xf32, #tpu.memory_space<vmem_shared>>
        tpu.wait_dma2 semaphore(%run_scoped3A : memref<!tpu.dma_semaphore, #tpu.memory_space<semaphore_mem>>) src(%arg12 : memref<128x32xf32, #tpu.memory_space<vmem>>) dst(%dma_wait3A_57 : memref<128x32xf32, #tpu.memory_space<vmem_shared>>)
        tpu.yield
      }) : () -> ()
      "tpu.region"() ({
        %run_scoped3A = tpu.sem_alloc : memref<!tpu.dma_semaphore, #tpu.memory_space<semaphore_mem>>
        %dma_start3A = arith.constant 0 : i32
        %dma_start3A_52 = tpu.memref_slice %arg8[%add3A, %dma_start3A] : memref<10240x32xf32, #tpu.memory_space<vmem_shared>> -> memref<128x32xf32, #tpu.memory_space<vmem_shared>>
        %dma_start3A_53 = arith.constant 0 : i32
        %dma_start3A_54 = tpu.memref_slice %arg8[%add3A, %dma_start3A_53] : memref<10240x32xf32, #tpu.memory_space<vmem_shared>> -> memref<128x32xf32, #tpu.memory_space<vmem_shared>>
        tpu.enqueue_dma source(%arg12 : memref<128x32xf32, #tpu.memory_space<vmem>>) target(%dma_start3A_54 : memref<128x32xf32, #tpu.memory_space<vmem_shared>>) target_semaphore(%run_scoped3A : memref<!tpu.dma_semaphore, #tpu.memory_space<semaphore_mem>>)
        %dma_wait3A = arith.constant 0 : i32
        %dma_wait3A_55 = tpu.memref_slice %arg8[%add3A, %dma_wait3A] : memref<10240x32xf32, #tpu.memory_space<vmem_shared>> -> memref<128x32xf32, #tpu.memory_space<vmem_shared>>
        %dma_wait3A_56 = arith.constant 0 : i32
        %dma_wait3A_57 = tpu.memref_slice %arg8[%add3A, %dma_wait3A_56] : memref<10240x32xf32, #tpu.memory_space<vmem_shared>> -> memref<128x32xf32, #tpu.memory_space<vmem_shared>>
        tpu.wait_dma2 semaphore(%run_scoped3A : memref<!tpu.dma_semaphore, #tpu.memory_space<semaphore_mem>>) src(%arg12 : memref<128x32xf32, #tpu.memory_space<vmem>>) dst(%dma_wait3A_57 : memref<128x32xf32, #tpu.memory_space<vmem_shared>>)
        tpu.yield
      }) : () -> ()
      "tpu.region"() ({
        %run_scoped3A = tpu.sem_alloc : memref<!tpu.dma_semaphore, #tpu.memory_space<semaphore_mem>>
        %dma_start3A = arith.constant 0 : i32
        %dma_start3A_52 = tpu.memref_slice %arg9[%add3A, %dma_start3A] : memref<10240x32xf32, #tpu.memory_space<vmem_shared>> -> memref<128x32xf32, #tpu.memory_space<vmem_shared>>
        %dma_start3A_53 = arith.constant 0 : i32
        %dma_start3A_54 = tpu.memref_slice %arg9[%add3A, %dma_start3A_53] : memref<10240x32xf32, #tpu.memory_space<vmem_shared>> -> memref<128x32xf32, #tpu.memory_space<vmem_shared>>
        tpu.enqueue_dma source(%arg13 : memref<128x32xf32, #tpu.memory_space<vmem>>) target(%dma_start3A_54 : memref<128x32xf32, #tpu.memory_space<vmem_shared>>) target_semaphore(%run_scoped3A : memref<!tpu.dma_semaphore, #tpu.memory_space<semaphore_mem>>)
        %dma_wait3A = arith.constant 0 : i32
        %dma_wait3A_55 = tpu.memref_slice %arg9[%add3A, %dma_wait3A] : memref<10240x32xf32, #tpu.memory_space<vmem_shared>> -> memref<128x32xf32, #tpu.memory_space<vmem_shared>>
        %dma_wait3A_56 = arith.constant 0 : i32
        %dma_wait3A_57 = tpu.memref_slice %arg9[%add3A, %dma_wait3A_56] : memref<10240x32xf32, #tpu.memory_space<vmem_shared>> -> memref<128x32xf32, #tpu.memory_space<vmem_shared>>
        tpu.wait_dma2 semaphore(%run_scoped3A : memref<!tpu.dma_semaphore, #tpu.memory_space<semaphore_mem>>) src(%arg13 : memref<128x32xf32, #tpu.memory_space<vmem>>) dst(%dma_wait3A_57 : memref<128x32xf32, #tpu.memory_space<vmem_shared>>)
        tpu.yield
      }) : () -> ()
    }
    %scan3A_33 = arith.constant 5 : i32
    %scan3A_34 = arith.constant 0 : i32
    %scan3A_35 = arith.constant 8 : i32
    %scan3A_36 = arith.addi %scan3A_34, %scan3A_35 : i32
    %scan3A_37 = arith.constant 1 : i32
    scf.for %scan3A_44 = %scan3A_34 to %scan3A_36 step %scan3A_37  : i32 {
      %barrier3A_45 = arith.constant 0 : index
      tpu.barrier barrier_id(%barrier3A_45)
      %dma_start3A = arith.constant 0 : i32
      %dma_start3A_46 = tpu.memref_slice %arg6[%arg0, %mul3A_0, %dma_start3A] : memref<2x10240x32xf32, #tpu.memory_space<hbm>> -> memref<1x128x32xf32, #tpu.memory_space<hbm>>
      %dma_start3A_47 = tpu.memref_squeeze %dma_start3A_46 : memref<1x128x32xf32, #tpu.memory_space<hbm>> -> memref<128x32xf32, #tpu.memory_space<hbm>>
      %dma_start3A_48 = arith.constant 0 : i32
      %dma_start3A_49 = tpu.memref_slice %arg6[%arg0, %mul3A_0, %dma_start3A_48] : memref<2x10240x32xf32, #tpu.memory_space<hbm>> -> memref<1x128x32xf32, #tpu.memory_space<hbm>>
      %dma_start3A_50 = tpu.memref_squeeze %dma_start3A_49 : memref<1x128x32xf32, #tpu.memory_space<hbm>> -> memref<128x32xf32, #tpu.memory_space<hbm>>
      tpu.enqueue_dma source(%arg13 : memref<128x32xf32, #tpu.memory_space<vmem>>) target(%dma_start3A_50 : memref<128x32xf32, #tpu.memory_space<hbm>>) target_semaphore(%arg23 : memref<!tpu.dma_semaphore, #tpu.memory_space<semaphore_mem>>)
      %dma_start3A_51 = arith.constant 0 : i32
      %dma_start3A_52 = tpu.memref_slice %arg6[%arg0, %mul3A_0, %dma_start3A_51] : memref<2x10240x32xf32, #tpu.memory_space<hbm>> -> memref<1x128x32xf32, #tpu.memory_space<hbm>>
      %dma_start3A_53 = tpu.memref_squeeze %dma_start3A_52 : memref<1x128x32xf32, #tpu.memory_space<hbm>> -> memref<128x32xf32, #tpu.memory_space<hbm>>
      %dma_start3A_54 = arith.constant 0 : i32
      %dma_start3A_55 = tpu.memref_slice %arg6[%arg0, %mul3A_0, %dma_start3A_54] : memref<2x10240x32xf32, #tpu.memory_space<hbm>> -> memref<1x128x32xf32, #tpu.memory_space<hbm>>
      %dma_start3A_56 = tpu.memref_squeeze %dma_start3A_55 : memref<1x128x32xf32, #tpu.memory_space<hbm>> -> memref<128x32xf32, #tpu.memory_space<hbm>>
      tpu.enqueue_dma source(%arg14 : memref<128x32xf32, #tpu.memory_space<vmem>>) target(%dma_start3A_56 : memref<128x32xf32, #tpu.memory_space<hbm>>) target_semaphore(%arg24 : memref<!tpu.dma_semaphore, #tpu.memory_space<semaphore_mem>>)
      %dma_start3A_57 = arith.constant 0 : i32
      %dma_start3A_58 = tpu.memref_slice %arg6[%arg0, %mul3A_0, %dma_start3A_57] : memref<2x10240x32xf32, #tpu.memory_space<hbm>> -> memref<1x128x32xf32, #tpu.memory_space<hbm>>
      %dma_start3A_59 = tpu.memref_squeeze %dma_start3A_58 : memref<1x128x32xf32, #tpu.memory_space<hbm>> -> memref<128x32xf32, #tpu.memory_space<hbm>>
      %dma_start3A_60 = arith.constant 0 : i32
      %dma_start3A_61 = tpu.memref_slice %arg6[%arg0, %mul3A_0, %dma_start3A_60] : memref<2x10240x32xf32, #tpu.memory_space<hbm>> -> memref<1x128x32xf32, #tpu.memory_space<hbm>>
      %dma_start3A_62 = tpu.memref_squeeze %dma_start3A_61 : memref<1x128x32xf32, #tpu.memory_space<hbm>> -> memref<128x32xf32, #tpu.memory_space<hbm>>
      tpu.enqueue_dma source(%arg15 : memref<128x32xf32, #tpu.memory_space<vmem>>) target(%dma_start3A_62 : memref<128x32xf32, #tpu.memory_space<hbm>>) target_semaphore(%arg25 : memref<!tpu.dma_semaphore, #tpu.memory_space<semaphore_mem>>)
      %dma_start3A_63 = arith.constant 0 : i32
      %dma_start3A_64 = arith.constant 0 : i32
      %dma_start3A_65 = tpu.memref_slice %arg10[%dma_start3A_63, %dma_start3A_64] : memref<160x128xi32, #tpu.memory_space<vmem>> -> memref<1x128xi32, #tpu.memory_space<vmem>>
      %dma_start3A_66 = tpu.memref_squeeze %dma_start3A_65 : memref<1x128xi32, #tpu.memory_space<vmem>> -> memref<128xi32, #tpu.memory_space<vmem>>
      %dma_start3A_67 = arith.constant 0 : i32
      %dma_start3A_68 = arith.constant 0 : i32
      %dma_start3A_69 = tpu.memref_slice %arg7[%dma_start3A_67, %dma_start3A_68] : memref<10240x32xf32, #tpu.memory_space<vmem_shared>> -> memref<10240x32xf32, #tpu.memory_space<vmem_shared>>
      tpu.enqueue_indirect_dma source(%dma_start3A_69 : memref<10240x32xf32, #tpu.memory_space<vmem_shared>>) target(%arg12 : memref<128x32xf32, #tpu.memory_space<vmem>>) offsets(%dma_start3A_66 : memref<128xi32, #tpu.memory_space<vmem>>) semaphore(%arg18 : memref<!tpu.dma_semaphore, #tpu.memory_space<semaphore_mem>>)
      %scan3A_70 = arith.constant 0 : i32
      %scan3A_71 = arith.constant 10 : i32
      %scan3A_72 = arith.addi %scan3A_70, %scan3A_71 : i32
      %scan3A_73 = arith.constant 1 : i32
      scf.for %scan3A_117 = %scan3A_70 to %scan3A_72 step %scan3A_73  : i32 {
        %mul3A_118 = arith.constant 16 : i32
        %mul3A_119 = arith.muli %scan3A_117, %mul3A_118 : i32
        %dma_wait3A_120 = arith.constant 0 : i32
        %dma_wait3A_121 = arith.constant 0 : i32
        %dma_wait3A_122 = tpu.memref_slice %arg2[%arg0, %dma_wait3A_120, %dma_wait3A_121] : memref<2x10240x32xf32, #tpu.memory_space<hbm>> -> memref<1x128x32xf32, #tpu.memory_space<hbm>>
        %dma_wait3A_123 = tpu.memref_squeeze %dma_wait3A_122 : memref<1x128x32xf32, #tpu.memory_space<hbm>> -> memref<128x32xf32, #tpu.memory_space<hbm>>
        %dma_wait3A_124 = arith.constant 0 : i32
        %dma_wait3A_125 = arith.constant 0 : i32
        %dma_wait3A_126 = tpu.memref_slice %arg2[%arg0, %dma_wait3A_124, %dma_wait3A_125] : memref<2x10240x32xf32, #tpu.memory_space<hbm>> -> memref<1x128x32xf32, #tpu.memory_space<hbm>>
        %dma_wait3A_127 = tpu.memref_squeeze %dma_wait3A_126 : memref<1x128x32xf32, #tpu.memory_space<hbm>> -> memref<128x32xf32, #tpu.memory_space<hbm>>
        tpu.wait_dma2 semaphore(%arg23 : memref<!tpu.dma_semaphore, #tpu.memory_space<semaphore_mem>>) src(%dma_wait3A_127 : memref<128x32xf32, #tpu.memory_space<hbm>>) dst(%arg13 : memref<128x32xf32, #tpu.memory_space<vmem>>)
        %add3A_128 = arith.constant 0 : i32
        %add3A_129 = arith.addi %mul3A_119, %add3A_128 : i32
        %add3A_130 = arith.constant 1 : i32
        %add3A_131 = arith.addi %add3A_129, %add3A_130 : i32
        %dma_start3A_132 = arith.constant 0 : i32
        %dma_start3A_133 = tpu.memref_slice %arg10[%add3A_131, %dma_start3A_132] : memref<160x128xi32, #tpu.memory_space<vmem>> -> memref<1x128xi32, #tpu.memory_space<vmem>>
        %dma_start3A_134 = tpu.memref_squeeze %dma_start3A_133 : memref<1x128xi32, #tpu.memory_space<vmem>> -> memref<128xi32, #tpu.memory_space<vmem>>
        %dma_start3A_135 = arith.constant 0 : i32
        %dma_start3A_136 = arith.constant 0 : i32
        %dma_start3A_137 = tpu.memref_slice %arg7[%dma_start3A_135, %dma_start3A_136] : memref<10240x32xf32, #tpu.memory_space<vmem_shared>> -> memref<10240x32xf32, #tpu.memory_space<vmem_shared>>
        tpu.enqueue_indirect_dma source(%dma_start3A_137 : memref<10240x32xf32, #tpu.memory_space<vmem_shared>>) target(%arg13 : memref<128x32xf32, #tpu.memory_space<vmem>>) offsets(%dma_start3A_134 : memref<128xi32, #tpu.memory_space<vmem>>) semaphore(%arg19 : memref<!tpu.dma_semaphore, #tpu.memory_space<semaphore_mem>>)
        %dma_wait3A_138 = arith.constant 0 : i32
        %dma_wait3A_139 = arith.constant 0 : i32
        %dma_wait3A_140 = tpu.memref_slice %arg2[%arg0, %dma_wait3A_138, %dma_wait3A_139] : memref<2x10240x32xf32, #tpu.memory_space<hbm>> -> memref<1x128x32xf32, #tpu.memory_space<hbm>>
        %dma_wait3A_141 = tpu.memref_squeeze %dma_wait3A_140 : memref<1x128x32xf32, #tpu.memory_space<hbm>> -> memref<128x32xf32, #tpu.memory_space<hbm>>
        %dma_wait3A_142 = arith.constant 0 : i32
        %dma_wait3A_143 = arith.constant 0 : i32
        %dma_wait3A_144 = tpu.memref_slice %arg2[%arg0, %dma_wait3A_142, %dma_wait3A_143] : memref<2x10240x32xf32, #tpu.memory_space<hbm>> -> memref<1x128x32xf32, #tpu.memory_space<hbm>>
        %dma_wait3A_145 = tpu.memref_squeeze %dma_wait3A_144 : memref<1x128x32xf32, #tpu.memory_space<hbm>> -> memref<128x32xf32, #tpu.memory_space<hbm>>
        tpu.wait_dma2 semaphore(%arg18 : memref<!tpu.dma_semaphore, #tpu.memory_space<semaphore_mem>>) src(%dma_wait3A_145 : memref<128x32xf32, #tpu.memory_space<hbm>>) dst(%arg12 : memref<128x32xf32, #tpu.memory_space<vmem>>)
        %add3A_146 = arith.constant 0 : i32
        %add3A_147 = arith.addi %mul3A_119, %add3A_146 : i32
        %dma_start3A_148 = arith.constant 0 : i32
        %dma_start3A_149 = tpu.memref_slice %arg11[%add3A_147, %dma_start3A_148] : memref<160x128xi32, #tpu.memory_space<vmem>> -> memref<1x128xi32, #tpu.memory_space<vmem>>
        %dma_start3A_150 = tpu.memref_squeeze %dma_start3A_149 : memref<1x128xi32, #tpu.memory_space<vmem>> -> memref<128xi32, #tpu.memory_space<vmem>>
        %dma_start3A_151 = arith.constant 0 : i32
        %dma_start3A_152 = arith.constant 0 : i32
        %dma_start3A_153 = tpu.memref_slice %arg8[%dma_start3A_151, %dma_start3A_152] : memref<10240x32xf32, #tpu.memory_space<vmem_shared>> -> memref<10240x32xf32, #tpu.memory_space<vmem_shared>>
        tpu.enqueue_indirect_dma source(%arg12 : memref<128x32xf32, #tpu.memory_space<vmem>>) target(%dma_start3A_153 : memref<10240x32xf32, #tpu.memory_space<vmem_shared>>) offsets(%dma_start3A_150 : memref<128xi32, #tpu.memory_space<vmem>>) semaphore(%arg22 : memref<!tpu.dma_semaphore, #tpu.memory_space<semaphore_mem>>) {add = true}
        %dma_wait3A_154 = arith.constant 0 : i32
        %dma_wait3A_155 = arith.constant 0 : i32
        %dma_wait3A_156 = tpu.memref_slice %arg2[%arg0, %dma_wait3A_154, %dma_wait3A_155] : memref<2x10240x32xf32, #tpu.memory_space<hbm>> -> memref<1x128x32xf32, #tpu.memory_space<hbm>>
        %dma_wait3A_157 = tpu.memref_squeeze %dma_wait3A_156 : memref<1x128x32xf32, #tpu.memory_space<hbm>> -> memref<128x32xf32, #tpu.memory_space<hbm>>
        %dma_wait3A_158 = arith.constant 0 : i32
        %dma_wait3A_159 = arith.constant 0 : i32
        %dma_wait3A_160 = tpu.memref_slice %arg2[%arg0, %dma_wait3A_158, %dma_wait3A_159] : memref<2x10240x32xf32, #tpu.memory_space<hbm>> -> memref<1x128x32xf32, #tpu.memory_space<hbm>>
        %dma_wait3A_161 = tpu.memref_squeeze %dma_wait3A_160 : memref<1x128x32xf32, #tpu.memory_space<hbm>> -> memref<128x32xf32, #tpu.memory_space<hbm>>
        tpu.wait_dma2 semaphore(%arg24 : memref<!tpu.dma_semaphore, #tpu.memory_space<semaphore_mem>>) src(%dma_wait3A_161 : memref<128x32xf32, #tpu.memory_space<hbm>>) dst(%arg14 : memref<128x32xf32, #tpu.memory_space<vmem>>)
        %add3A_162 = arith.constant 1 : i32
        %add3A_163 = arith.addi %mul3A_119, %add3A_162 : i32
        %add3A_164 = arith.constant 1 : i32
        %add3A_165 = arith.addi %add3A_163, %add3A_164 : i32
        %dma_start3A_166 = arith.constant 0 : i32
        %dma_start3A_167 = tpu.memref_slice %arg10[%add3A_165, %dma_start3A_166] : memref<160x128xi32, #tpu.memory_space<vmem>> -> memref<1x128xi32, #tpu.memory_space<vmem>>
        %dma_start3A_168 = tpu.memref_squeeze %dma_start3A_167 : memref<1x128xi32, #tpu.memory_space<vmem>> -> memref<128xi32, #tpu.memory_space<vmem>>
        %dma_start3A_169 = arith.constant 0 : i32
        %dma_start3A_170 = arith.constant 0 : i32
        %dma_start3A_171 = tpu.memref_slice %arg7[%dma_start3A_169, %dma_start3A_170] : memref<10240x32xf32, #tpu.memory_space<vmem_shared>> -> memref<10240x32xf32, #tpu.memory_space<vmem_shared>>
        tpu.enqueue_indirect_dma source(%dma_start3A_171 : memref<10240x32xf32, #tpu.memory_space<vmem_shared>>) target(%arg14 : memref<128x32xf32, #tpu.memory_space<vmem>>) offsets(%dma_start3A_168 : memref<128xi32, #tpu.memory_space<vmem>>) semaphore(%arg20 : memref<!tpu.dma_semaphore, #tpu.memory_space<semaphore_mem>>)
        %dma_wait3A_172 = arith.constant 0 : i32
        %dma_wait3A_173 = tpu.memref_slice %arg10[%add3A_131, %dma_wait3A_172] : memref<160x128xi32, #tpu.memory_space<vmem>> -> memref<1x128xi32, #tpu.memory_space<vmem>>
        %dma_wait3A_174 = tpu.memref_squeeze %dma_wait3A_173 : memref<1x128xi32, #tpu.memory_space<vmem>> -> memref<128xi32, #tpu.memory_space<vmem>>
        %dma_wait3A_175 = arith.constant 0 : i32
        %dma_wait3A_176 = arith.constant 0 : i32
        %dma_wait3A_177 = tpu.memref_slice %arg7[%dma_wait3A_175, %dma_wait3A_176] : memref<10240x32xf32, #tpu.memory_space<vmem_shared>> -> memref<10240x32xf32, #tpu.memory_space<vmem_shared>>
        tpu.wait_indirect_dma semaphore(%arg19 : memref<!tpu.dma_semaphore, #tpu.memory_space<semaphore_mem>>) src(%dma_wait3A_177 : memref<10240x32xf32, #tpu.memory_space<vmem_shared>>) dst(%arg13 : memref<128x32xf32, #tpu.memory_space<vmem>>)
        %add3A_178 = arith.constant 1 : i32
        %add3A_179 = arith.addi %mul3A_119, %add3A_178 : i32
        %dma_start3A_180 = arith.constant 0 : i32
        %dma_start3A_181 = tpu.memref_slice %arg11[%add3A_179, %dma_start3A_180] : memref<160x128xi32, #tpu.memory_space<vmem>> -> memref<1x128xi32, #tpu.memory_space<vmem>>
        %dma_start3A_182 = tpu.memref_squeeze %dma_start3A_181 : memref<1x128xi32, #tpu.memory_space<vmem>> -> memref<128xi32, #tpu.memory_space<vmem>>
        %dma_start3A_183 = arith.constant 0 : i32
        %dma_start3A_184 = arith.constant 0 : i32
        %dma_start3A_185 = tpu.memref_slice %arg8[%dma_start3A_183, %dma_start3A_184] : memref<10240x32xf32, #tpu.memory_space<vmem_shared>> -> memref<10240x32xf32, #tpu.memory_space<vmem_shared>>
        tpu.enqueue_indirect_dma source(%arg13 : memref<128x32xf32, #tpu.memory_space<vmem>>) target(%dma_start3A_185 : memref<10240x32xf32, #tpu.memory_space<vmem_shared>>) offsets(%dma_start3A_182 : memref<128xi32, #tpu.memory_space<vmem>>) semaphore(%arg23 : memref<!tpu.dma_semaphore, #tpu.memory_space<semaphore_mem>>) {add = true}
        %dma_wait3A_186 = arith.constant 0 : i32
        %dma_wait3A_187 = arith.constant 0 : i32
        %dma_wait3A_188 = tpu.memref_slice %arg2[%arg0, %dma_wait3A_186, %dma_wait3A_187] : memref<2x10240x32xf32, #tpu.memory_space<hbm>> -> memref<1x128x32xf32, #tpu.memory_space<hbm>>
        %dma_wait3A_189 = tpu.memref_squeeze %dma_wait3A_188 : memref<1x128x32xf32, #tpu.memory_space<hbm>> -> memref<128x32xf32, #tpu.memory_space<hbm>>
        %dma_wait3A_190 = arith.constant 0 : i32
        %dma_wait3A_191 = arith.constant 0 : i32
        %dma_wait3A_192 = tpu.memref_slice %arg2[%arg0, %dma_wait3A_190, %dma_wait3A_191] : memref<2x10240x32xf32, #tpu.memory_space<hbm>> -> memref<1x128x32xf32, #tpu.memory_space<hbm>>
        %dma_wait3A_193 = tpu.memref_squeeze %dma_wait3A_192 : memref<1x128x32xf32, #tpu.memory_space<hbm>> -> memref<128x32xf32, #tpu.memory_space<hbm>>
        tpu.wait_dma2 semaphore(%arg25 : memref<!tpu.dma_semaphore, #tpu.memory_space<semaphore_mem>>) src(%dma_wait3A_193 : memref<128x32xf32, #tpu.memory_space<hbm>>) dst(%arg15 : memref<128x32xf32, #tpu.memory_space<vmem>>)
        %add3A_194 = arith.constant 2 : i32
        %add3A_195 = arith.addi %mul3A_119, %add3A_194 : i32
        %add3A_196 = arith.constant 1 : i32
        %add3A_197 = arith.addi %add3A_195, %add3A_196 : i32
        %dma_start3A_198 = arith.constant 0 : i32
        %dma_start3A_199 = tpu.memref_slice %arg10[%add3A_197, %dma_start3A_198] : memref<160x128xi32, #tpu.memory_space<vmem>> -> memref<1x128xi32, #tpu.memory_space<vmem>>
        %dma_start3A_200 = tpu.memref_squeeze %dma_start3A_199 : memref<1x128xi32, #tpu.memory_space<vmem>> -> memref<128xi32, #tpu.memory_space<vmem>>
        %dma_start3A_201 = arith.constant 0 : i32
        %dma_start3A_202 = arith.constant 0 : i32
        %dma_start3A_203 = tpu.memref_slice %arg7[%dma_start3A_201, %dma_start3A_202] : memref<10240x32xf32, #tpu.memory_space<vmem_shared>> -> memref<10240x32xf32, #tpu.memory_space<vmem_shared>>
        tpu.enqueue_indirect_dma source(%dma_start3A_203 : memref<10240x32xf32, #tpu.memory_space<vmem_shared>>) target(%arg15 : memref<128x32xf32, #tpu.memory_space<vmem>>) offsets(%dma_start3A_200 : memref<128xi32, #tpu.memory_space<vmem>>) semaphore(%arg21 : memref<!tpu.dma_semaphore, #tpu.memory_space<semaphore_mem>>)
        %dma_wait3A_204 = arith.constant 0 : i32
        %dma_wait3A_205 = tpu.memref_slice %arg10[%add3A_165, %dma_wait3A_204] : memref<160x128xi32, #tpu.memory_space<vmem>> -> memref<1x128xi32, #tpu.memory_space<vmem>>
        %dma_wait3A_206 = tpu.memref_squeeze %dma_wait3A_205 : memref<1x128xi32, #tpu.memory_space<vmem>> -> memref<128xi32, #tpu.memory_space<vmem>>
        %dma_wait3A_207 = arith.constant 0 : i32
        %dma_wait3A_208 = arith.constant 0 : i32
        %dma_wait3A_209 = tpu.memref_slice %arg7[%dma_wait3A_207, %dma_wait3A_208] : memref<10240x32xf32, #tpu.memory_space<vmem_shared>> -> memref<10240x32xf32, #tpu.memory_space<vmem_shared>>
        tpu.wait_indirect_dma semaphore(%arg20 : memref<!tpu.dma_semaphore, #tpu.memory_space<semaphore_mem>>) src(%dma_wait3A_209 : memref<10240x32xf32, #tpu.memory_space<vmem_shared>>) dst(%arg14 : memref<128x32xf32, #tpu.memory_space<vmem>>)
        %add3A_210 = arith.constant 2 : i32
        %add3A_211 = arith.addi %mul3A_119, %add3A_210 : i32
        %dma_start3A_212 = arith.constant 0 : i32
        %dma_start3A_213 = tpu.memref_slice %arg11[%add3A_211, %dma_start3A_212] : memref<160x128xi32, #tpu.memory_space<vmem>> -> memref<1x128xi32, #tpu.memory_space<vmem>>
        %dma_start3A_214 = tpu.memref_squeeze %dma_start3A_213 : memref<1x128xi32, #tpu.memory_space<vmem>> -> memref<128xi32, #tpu.memory_space<vmem>>
        %dma_start3A_215 = arith.constant 0 : i32
        %dma_start3A_216 = arith.constant 0 : i32
        %dma_start3A_217 = tpu.memref_slice %arg8[%dma_start3A_215, %dma_start3A_216] : memref<10240x32xf32, #tpu.memory_space<vmem_shared>> -> memref<10240x32xf32, #tpu.memory_space<vmem_shared>>
        tpu.enqueue_indirect_dma source(%arg14 : memref<128x32xf32, #tpu.memory_space<vmem>>) target(%dma_start3A_217 : memref<10240x32xf32, #tpu.memory_space<vmem_shared>>) offsets(%dma_start3A_214 : memref<128xi32, #tpu.memory_space<vmem>>) semaphore(%arg24 : memref<!tpu.dma_semaphore, #tpu.memory_space<semaphore_mem>>) {add = true}
        %dma_wait3A_218 = arith.constant 0 : i32
        %dma_wait3A_219 = arith.constant 0 : i32
        %dma_wait3A_220 = tpu.memref_slice %arg2[%arg0, %dma_wait3A_218, %dma_wait3A_219] : memref<2x10240x32xf32, #tpu.memory_space<hbm>> -> memref<1x128x32xf32, #tpu.memory_space<hbm>>
        %dma_wait3A_221 = tpu.memref_squeeze %dma_wait3A_220 : memref<1x128x32xf32, #tpu.memory_space<hbm>> -> memref<128x32xf32, #tpu.memory_space<hbm>>
        %dma_wait3A_222 = arith.constant 0 : i32
        %dma_wait3A_223 = arith.constant 0 : i32
        %dma_wait3A_224 = tpu.memref_slice %arg2[%arg0, %dma_wait3A_222, %dma_wait3A_223] : memref<2x10240x32xf32, #tpu.memory_space<hbm>> -> memref<1x128x32xf32, #tpu.memory_space<hbm>>
        %dma_wait3A_225 = tpu.memref_squeeze %dma_wait3A_224 : memref<1x128x32xf32, #tpu.memory_space<hbm>> -> memref<128x32xf32, #tpu.memory_space<hbm>>
        tpu.wait_dma2 semaphore(%arg22 : memref<!tpu.dma_semaphore, #tpu.memory_space<semaphore_mem>>) src(%dma_wait3A_225 : memref<128x32xf32, #tpu.memory_space<hbm>>) dst(%arg12 : memref<128x32xf32, #tpu.memory_space<vmem>>)
        %add3A_226 = arith.constant 3 : i32
        %add3A_227 = arith.addi %mul3A_119, %add3A_226 : i32
        %add3A_228 = arith.constant 1 : i32
        %add3A_229 = arith.addi %add3A_227, %add3A_228 : i32
        %dma_start3A_230 = arith.constant 0 : i32
        %dma_start3A_231 = tpu.memref_slice %arg10[%add3A_229, %dma_start3A_230] : memref<160x128xi32, #tpu.memory_space<vmem>> -> memref<1x128xi32, #tpu.memory_space<vmem>>
        %dma_start3A_232 = tpu.memref_squeeze %dma_start3A_231 : memref<1x128xi32, #tpu.memory_space<vmem>> -> memref<128xi32, #tpu.memory_space<vmem>>
        %dma_start3A_233 = arith.constant 0 : i32
        %dma_start3A_234 = arith.constant 0 : i32
        %dma_start3A_235 = tpu.memref_slice %arg7[%dma_start3A_233, %dma_start3A_234] : memref<10240x32xf32, #tpu.memory_space<vmem_shared>> -> memref<10240x32xf32, #tpu.memory_space<vmem_shared>>
        tpu.enqueue_indirect_dma source(%dma_start3A_235 : memref<10240x32xf32, #tpu.memory_space<vmem_shared>>) target(%arg12 : memref<128x32xf32, #tpu.memory_space<vmem>>) offsets(%dma_start3A_232 : memref<128xi32, #tpu.memory_space<vmem>>) semaphore(%arg18 : memref<!tpu.dma_semaphore, #tpu.memory_space<semaphore_mem>>)
        %dma_wait3A_236 = arith.constant 0 : i32
        %dma_wait3A_237 = tpu.memref_slice %arg10[%add3A_197, %dma_wait3A_236] : memref<160x128xi32, #tpu.memory_space<vmem>> -> memref<1x128xi32, #tpu.memory_space<vmem>>
        %dma_wait3A_238 = tpu.memref_squeeze %dma_wait3A_237 : memref<1x128xi32, #tpu.memory_space<vmem>> -> memref<128xi32, #tpu.memory_space<vmem>>
        %dma_wait3A_239 = arith.constant 0 : i32
        %dma_wait3A_240 = arith.constant 0 : i32
        %dma_wait3A_241 = tpu.memref_slice %arg7[%dma_wait3A_239, %dma_wait3A_240] : memref<10240x32xf32, #tpu.memory_space<vmem_shared>> -> memref<10240x32xf32, #tpu.memory_space<vmem_shared>>
        tpu.wait_indirect_dma semaphore(%arg21 : memref<!tpu.dma_semaphore, #tpu.memory_space<semaphore_mem>>) src(%dma_wait3A_241 : memref<10240x32xf32, #tpu.memory_space<vmem_shared>>) dst(%arg15 : memref<128x32xf32, #tpu.memory_space<vmem>>)
        %add3A_242 = arith.constant 3 : i32
        %add3A_243 = arith.addi %mul3A_119, %add3A_242 : i32
        %dma_start3A_244 = arith.constant 0 : i32
        %dma_start3A_245 = tpu.memref_slice %arg11[%add3A_243, %dma_start3A_244] : memref<160x128xi32, #tpu.memory_space<vmem>> -> memref<1x128xi32, #tpu.memory_space<vmem>>
        %dma_start3A_246 = tpu.memref_squeeze %dma_start3A_245 : memref<1x128xi32, #tpu.memory_space<vmem>> -> memref<128xi32, #tpu.memory_space<vmem>>
        %dma_start3A_247 = arith.constant 0 : i32
        %dma_start3A_248 = arith.constant 0 : i32
        %dma_start3A_249 = tpu.memref_slice %arg8[%dma_start3A_247, %dma_start3A_248] : memref<10240x32xf32, #tpu.memory_space<vmem_shared>> -> memref<10240x32xf32, #tpu.memory_space<vmem_shared>>
        tpu.enqueue_indirect_dma source(%arg15 : memref<128x32xf32, #tpu.memory_space<vmem>>) target(%dma_start3A_249 : memref<10240x32xf32, #tpu.memory_space<vmem_shared>>) offsets(%dma_start3A_246 : memref<128xi32, #tpu.memory_space<vmem>>) semaphore(%arg25 : memref<!tpu.dma_semaphore, #tpu.memory_space<semaphore_mem>>) {add = true}
        %dma_wait3A_250 = arith.constant 0 : i32
        %dma_wait3A_251 = arith.constant 0 : i32
        %dma_wait3A_252 = tpu.memref_slice %arg2[%arg0, %dma_wait3A_250, %dma_wait3A_251] : memref<2x10240x32xf32, #tpu.memory_space<hbm>> -> memref<1x128x32xf32, #tpu.memory_space<hbm>>
        %dma_wait3A_253 = tpu.memref_squeeze %dma_wait3A_252 : memref<1x128x32xf32, #tpu.memory_space<hbm>> -> memref<128x32xf32, #tpu.memory_space<hbm>>
        %dma_wait3A_254 = arith.constant 0 : i32
        %dma_wait3A_255 = arith.constant 0 : i32
        %dma_wait3A_256 = tpu.memref_slice %arg2[%arg0, %dma_wait3A_254, %dma_wait3A_255] : memref<2x10240x32xf32, #tpu.memory_space<hbm>> -> memref<1x128x32xf32, #tpu.memory_space<hbm>>
        %dma_wait3A_257 = tpu.memref_squeeze %dma_wait3A_256 : memref<1x128x32xf32, #tpu.memory_space<hbm>> -> memref<128x32xf32, #tpu.memory_space<hbm>>
        tpu.wait_dma2 semaphore(%arg23 : memref<!tpu.dma_semaphore, #tpu.memory_space<semaphore_mem>>) src(%dma_wait3A_257 : memref<128x32xf32, #tpu.memory_space<hbm>>) dst(%arg13 : memref<128x32xf32, #tpu.memory_space<vmem>>)
        %add3A_258 = arith.constant 4 : i32
        %add3A_259 = arith.addi %mul3A_119, %add3A_258 : i32
        %add3A_260 = arith.constant 1 : i32
        %add3A_261 = arith.addi %add3A_259, %add3A_260 : i32
        %dma_start3A_262 = arith.constant 0 : i32
        %dma_start3A_263 = tpu.memref_slice %arg10[%add3A_261, %dma_start3A_262] : memref<160x128xi32, #tpu.memory_space<vmem>> -> memref<1x128xi32, #tpu.memory_space<vmem>>
        %dma_start3A_264 = tpu.memref_squeeze %dma_start3A_263 : memref<1x128xi32, #tpu.memory_space<vmem>> -> memref<128xi32, #tpu.memory_space<vmem>>
        %dma_start3A_265 = arith.constant 0 : i32
        %dma_start3A_266 = arith.constant 0 : i32
        %dma_start3A_267 = tpu.memref_slice %arg7[%dma_start3A_265, %dma_start3A_266] : memref<10240x32xf32, #tpu.memory_space<vmem_shared>> -> memref<10240x32xf32, #tpu.memory_space<vmem_shared>>
        tpu.enqueue_indirect_dma source(%dma_start3A_267 : memref<10240x32xf32, #tpu.memory_space<vmem_shared>>) target(%arg13 : memref<128x32xf32, #tpu.memory_space<vmem>>) offsets(%dma_start3A_264 : memref<128xi32, #tpu.memory_space<vmem>>) semaphore(%arg19 : memref<!tpu.dma_semaphore, #tpu.memory_space<semaphore_mem>>)
        %dma_wait3A_268 = arith.constant 0 : i32
        %dma_wait3A_269 = tpu.memref_slice %arg10[%add3A_229, %dma_wait3A_268] : memref<160x128xi32, #tpu.memory_space<vmem>> -> memref<1x128xi32, #tpu.memory_space<vmem>>
        %dma_wait3A_270 = tpu.memref_squeeze %dma_wait3A_269 : memref<1x128xi32, #tpu.memory_space<vmem>> -> memref<128xi32, #tpu.memory_space<vmem>>
        %dma_wait3A_271 = arith.constant 0 : i32
        %dma_wait3A_272 = arith.constant 0 : i32
        %dma_wait3A_273 = tpu.memref_slice %arg7[%dma_wait3A_271, %dma_wait3A_272] : memref<10240x32xf32, #tpu.memory_space<vmem_shared>> -> memref<10240x32xf32, #tpu.memory_space<vmem_shared>>
        tpu.wait_indirect_dma semaphore(%arg18 : memref<!tpu.dma_semaphore, #tpu.memory_space<semaphore_mem>>) src(%dma_wait3A_273 : memref<10240x32xf32, #tpu.memory_space<vmem_shared>>) dst(%arg12 : memref<128x32xf32, #tpu.memory_space<vmem>>)
        %add3A_274 = arith.constant 4 : i32
        %add3A_275 = arith.addi %mul3A_119, %add3A_274 : i32
        %dma_start3A_276 = arith.constant 0 : i32
        %dma_start3A_277 = tpu.memref_slice %arg11[%add3A_275, %dma_start3A_276] : memref<160x128xi32, #tpu.memory_space<vmem>> -> memref<1x128xi32, #tpu.memory_space<vmem>>
        %dma_start3A_278 = tpu.memref_squeeze %dma_start3A_277 : memref<1x128xi32, #tpu.memory_space<vmem>> -> memref<128xi32, #tpu.memory_space<vmem>>
        %dma_start3A_279 = arith.constant 0 : i32
        %dma_start3A_280 = arith.constant 0 : i32
        %dma_start3A_281 = tpu.memref_slice %arg8[%dma_start3A_279, %dma_start3A_280] : memref<10240x32xf32, #tpu.memory_space<vmem_shared>> -> memref<10240x32xf32, #tpu.memory_space<vmem_shared>>
        tpu.enqueue_indirect_dma source(%arg12 : memref<128x32xf32, #tpu.memory_space<vmem>>) target(%dma_start3A_281 : memref<10240x32xf32, #tpu.memory_space<vmem_shared>>) offsets(%dma_start3A_278 : memref<128xi32, #tpu.memory_space<vmem>>) semaphore(%arg22 : memref<!tpu.dma_semaphore, #tpu.memory_space<semaphore_mem>>) {add = true}
        %dma_wait3A_282 = arith.constant 0 : i32
        %dma_wait3A_283 = arith.constant 0 : i32
        %dma_wait3A_284 = tpu.memref_slice %arg2[%arg0, %dma_wait3A_282, %dma_wait3A_283] : memref<2x10240x32xf32, #tpu.memory_space<hbm>> -> memref<1x128x32xf32, #tpu.memory_space<hbm>>
        %dma_wait3A_285 = tpu.memref_squeeze %dma_wait3A_284 : memref<1x128x32xf32, #tpu.memory_space<hbm>> -> memref<128x32xf32, #tpu.memory_space<hbm>>
        %dma_wait3A_286 = arith.constant 0 : i32
        %dma_wait3A_287 = arith.constant 0 : i32
        %dma_wait3A_288 = tpu.memref_slice %arg2[%arg0, %dma_wait3A_286, %dma_wait3A_287] : memref<2x10240x32xf32, #tpu.memory_space<hbm>> -> memref<1x128x32xf32, #tpu.memory_space<hbm>>
        %dma_wait3A_289 = tpu.memref_squeeze %dma_wait3A_288 : memref<1x128x32xf32, #tpu.memory_space<hbm>> -> memref<128x32xf32, #tpu.memory_space<hbm>>
        tpu.wait_dma2 semaphore(%arg24 : memref<!tpu.dma_semaphore, #tpu.memory_space<semaphore_mem>>) src(%dma_wait3A_289 : memref<128x32xf32, #tpu.memory_space<hbm>>) dst(%arg14 : memref<128x32xf32, #tpu.memory_space<vmem>>)
        %add3A_290 = arith.constant 5 : i32
        %add3A_291 = arith.addi %mul3A_119, %add3A_290 : i32
        %add3A_292 = arith.constant 1 : i32
        %add3A_293 = arith.addi %add3A_291, %add3A_292 : i32
        %dma_start3A_294 = arith.constant 0 : i32
        %dma_start3A_295 = tpu.memref_slice %arg10[%add3A_293, %dma_start3A_294] : memref<160x128xi32, #tpu.memory_space<vmem>> -> memref<1x128xi32, #tpu.memory_space<vmem>>
        %dma_start3A_296 = tpu.memref_squeeze %dma_start3A_295 : memref<1x128xi32, #tpu.memory_space<vmem>> -> memref<128xi32, #tpu.memory_space<vmem>>
        %dma_start3A_297 = arith.constant 0 : i32
        %dma_start3A_298 = arith.constant 0 : i32
        %dma_start3A_299 = tpu.memref_slice %arg7[%dma_start3A_297, %dma_start3A_298] : memref<10240x32xf32, #tpu.memory_space<vmem_shared>> -> memref<10240x32xf32, #tpu.memory_space<vmem_shared>>
        tpu.enqueue_indirect_dma source(%dma_start3A_299 : memref<10240x32xf32, #tpu.memory_space<vmem_shared>>) target(%arg14 : memref<128x32xf32, #tpu.memory_space<vmem>>) offsets(%dma_start3A_296 : memref<128xi32, #tpu.memory_space<vmem>>) semaphore(%arg20 : memref<!tpu.dma_semaphore, #tpu.memory_space<semaphore_mem>>)
        %dma_wait3A_300 = arith.constant 0 : i32
        %dma_wait3A_301 = tpu.memref_slice %arg10[%add3A_261, %dma_wait3A_300] : memref<160x128xi32, #tpu.memory_space<vmem>> -> memref<1x128xi32, #tpu.memory_space<vmem>>
        %dma_wait3A_302 = tpu.memref_squeeze %dma_wait3A_301 : memref<1x128xi32, #tpu.memory_space<vmem>> -> memref<128xi32, #tpu.memory_space<vmem>>
        %dma_wait3A_303 = arith.constant 0 : i32
        %dma_wait3A_304 = arith.constant 0 : i32
        %dma_wait3A_305 = tpu.memref_slice %arg7[%dma_wait3A_303, %dma_wait3A_304] : memref<10240x32xf32, #tpu.memory_space<vmem_shared>> -> memref<10240x32xf32, #tpu.memory_space<vmem_shared>>
        tpu.wait_indirect_dma semaphore(%arg19 : memref<!tpu.dma_semaphore, #tpu.memory_space<semaphore_mem>>) src(%dma_wait3A_305 : memref<10240x32xf32, #tpu.memory_space<vmem_shared>>) dst(%arg13 : memref<128x32xf32, #tpu.memory_space<vmem>>)
        %add3A_306 = arith.constant 5 : i32
        %add3A_307 = arith.addi %mul3A_119, %add3A_306 : i32
        %dma_start3A_308 = arith.constant 0 : i32
        %dma_start3A_309 = tpu.memref_slice %arg11[%add3A_307, %dma_start3A_308] : memref<160x128xi32, #tpu.memory_space<vmem>> -> memref<1x128xi32, #tpu.memory_space<vmem>>
        %dma_start3A_310 = tpu.memref_squeeze %dma_start3A_309 : memref<1x128xi32, #tpu.memory_space<vmem>> -> memref<128xi32, #tpu.memory_space<vmem>>
        %dma_start3A_311 = arith.constant 0 : i32
        %dma_start3A_312 = arith.constant 0 : i32
        %dma_start3A_313 = tpu.memref_slice %arg8[%dma_start3A_311, %dma_start3A_312] : memref<10240x32xf32, #tpu.memory_space<vmem_shared>> -> memref<10240x32xf32, #tpu.memory_space<vmem_shared>>
        tpu.enqueue_indirect_dma source(%arg13 : memref<128x32xf32, #tpu.memory_space<vmem>>) target(%dma_start3A_313 : memref<10240x32xf32, #tpu.memory_space<vmem_shared>>) offsets(%dma_start3A_310 : memref<128xi32, #tpu.memory_space<vmem>>) semaphore(%arg23 : memref<!tpu.dma_semaphore, #tpu.memory_space<semaphore_mem>>) {add = true}
        %dma_wait3A_314 = arith.constant 0 : i32
        %dma_wait3A_315 = arith.constant 0 : i32
        %dma_wait3A_316 = tpu.memref_slice %arg2[%arg0, %dma_wait3A_314, %dma_wait3A_315] : memref<2x10240x32xf32, #tpu.memory_space<hbm>> -> memref<1x128x32xf32, #tpu.memory_space<hbm>>
        %dma_wait3A_317 = tpu.memref_squeeze %dma_wait3A_316 : memref<1x128x32xf32, #tpu.memory_space<hbm>> -> memref<128x32xf32, #tpu.memory_space<hbm>>
        %dma_wait3A_318 = arith.constant 0 : i32
        %dma_wait3A_319 = arith.constant 0 : i32
        %dma_wait3A_320 = tpu.memref_slice %arg2[%arg0, %dma_wait3A_318, %dma_wait3A_319] : memref<2x10240x32xf32, #tpu.memory_space<hbm>> -> memref<1x128x32xf32, #tpu.memory_space<hbm>>
        %dma_wait3A_321 = tpu.memref_squeeze %dma_wait3A_320 : memref<1x128x32xf32, #tpu.memory_space<hbm>> -> memref<128x32xf32, #tpu.memory_space<hbm>>
        tpu.wait_dma2 semaphore(%arg25 : memref<!tpu.dma_semaphore, #tpu.memory_space<semaphore_mem>>) src(%dma_wait3A_321 : memref<128x32xf32, #tpu.memory_space<hbm>>) dst(%arg15 : memref<128x32xf32, #tpu.memory_space<vmem>>)
        %add3A_322 = arith.constant 6 : i32
        %add3A_323 = arith.addi %mul3A_119, %add3A_322 : i32
        %add3A_324 = arith.constant 1 : i32
        %add3A_325 = arith.addi %add3A_323, %add3A_324 : i32
        %dma_start3A_326 = arith.constant 0 : i32
        %dma_start3A_327 = tpu.memref_slice %arg10[%add3A_325, %dma_start3A_326] : memref<160x128xi32, #tpu.memory_space<vmem>> -> memref<1x128xi32, #tpu.memory_space<vmem>>
        %dma_start3A_328 = tpu.memref_squeeze %dma_start3A_327 : memref<1x128xi32, #tpu.memory_space<vmem>> -> memref<128xi32, #tpu.memory_space<vmem>>
        %dma_start3A_329 = arith.constant 0 : i32
        %dma_start3A_330 = arith.constant 0 : i32
        %dma_start3A_331 = tpu.memref_slice %arg7[%dma_start3A_329, %dma_start3A_330] : memref<10240x32xf32, #tpu.memory_space<vmem_shared>> -> memref<10240x32xf32, #tpu.memory_space<vmem_shared>>
        tpu.enqueue_indirect_dma source(%dma_start3A_331 : memref<10240x32xf32, #tpu.memory_space<vmem_shared>>) target(%arg15 : memref<128x32xf32, #tpu.memory_space<vmem>>) offsets(%dma_start3A_328 : memref<128xi32, #tpu.memory_space<vmem>>) semaphore(%arg21 : memref<!tpu.dma_semaphore, #tpu.memory_space<semaphore_mem>>)
        %dma_wait3A_332 = arith.constant 0 : i32
        %dma_wait3A_333 = tpu.memref_slice %arg10[%add3A_293, %dma_wait3A_332] : memref<160x128xi32, #tpu.memory_space<vmem>> -> memref<1x128xi32, #tpu.memory_space<vmem>>
        %dma_wait3A_334 = tpu.memref_squeeze %dma_wait3A_333 : memref<1x128xi32, #tpu.memory_space<vmem>> -> memref<128xi32, #tpu.memory_space<vmem>>
        %dma_wait3A_335 = arith.constant 0 : i32
        %dma_wait3A_336 = arith.constant 0 : i32
        %dma_wait3A_337 = tpu.memref_slice %arg7[%dma_wait3A_335, %dma_wait3A_336] : memref<10240x32xf32, #tpu.memory_space<vmem_shared>> -> memref<10240x32xf32, #tpu.memory_space<vmem_shared>>
        tpu.wait_indirect_dma semaphore(%arg20 : memref<!tpu.dma_semaphore, #tpu.memory_space<semaphore_mem>>) src(%dma_wait3A_337 : memref<10240x32xf32, #tpu.memory_space<vmem_shared>>) dst(%arg14 : memref<128x32xf32, #tpu.memory_space<vmem>>)
        %add3A_338 = arith.constant 6 : i32
        %add3A_339 = arith.addi %mul3A_119, %add3A_338 : i32
        %dma_start3A_340 = arith.constant 0 : i32
        %dma_start3A_341 = tpu.memref_slice %arg11[%add3A_339, %dma_start3A_340] : memref<160x128xi32, #tpu.memory_space<vmem>> -> memref<1x128xi32, #tpu.memory_space<vmem>>
        %dma_start3A_342 = tpu.memref_squeeze %dma_start3A_341 : memref<1x128xi32, #tpu.memory_space<vmem>> -> memref<128xi32, #tpu.memory_space<vmem>>
        %dma_start3A_343 = arith.constant 0 : i32
        %dma_start3A_344 = arith.constant 0 : i32
        %dma_start3A_345 = tpu.memref_slice %arg8[%dma_start3A_343, %dma_start3A_344] : memref<10240x32xf32, #tpu.memory_space<vmem_shared>> -> memref<10240x32xf32, #tpu.memory_space<vmem_shared>>
        tpu.enqueue_indirect_dma source(%arg14 : memref<128x32xf32, #tpu.memory_space<vmem>>) target(%dma_start3A_345 : memref<10240x32xf32, #tpu.memory_space<vmem_shared>>) offsets(%dma_start3A_342 : memref<128xi32, #tpu.memory_space<vmem>>) semaphore(%arg24 : memref<!tpu.dma_semaphore, #tpu.memory_space<semaphore_mem>>) {add = true}
        %dma_wait3A_346 = arith.constant 0 : i32
        %dma_wait3A_347 = arith.constant 0 : i32
        %dma_wait3A_348 = tpu.memref_slice %arg2[%arg0, %dma_wait3A_346, %dma_wait3A_347] : memref<2x10240x32xf32, #tpu.memory_space<hbm>> -> memref<1x128x32xf32, #tpu.memory_space<hbm>>
        %dma_wait3A_349 = tpu.memref_squeeze %dma_wait3A_348 : memref<1x128x32xf32, #tpu.memory_space<hbm>> -> memref<128x32xf32, #tpu.memory_space<hbm>>
        %dma_wait3A_350 = arith.constant 0 : i32
        %dma_wait3A_351 = arith.constant 0 : i32
        %dma_wait3A_352 = tpu.memref_slice %arg2[%arg0, %dma_wait3A_350, %dma_wait3A_351] : memref<2x10240x32xf32, #tpu.memory_space<hbm>> -> memref<1x128x32xf32, #tpu.memory_space<hbm>>
        %dma_wait3A_353 = tpu.memref_squeeze %dma_wait3A_352 : memref<1x128x32xf32, #tpu.memory_space<hbm>> -> memref<128x32xf32, #tpu.memory_space<hbm>>
        tpu.wait_dma2 semaphore(%arg22 : memref<!tpu.dma_semaphore, #tpu.memory_space<semaphore_mem>>) src(%dma_wait3A_353 : memref<128x32xf32, #tpu.memory_space<hbm>>) dst(%arg12 : memref<128x32xf32, #tpu.memory_space<vmem>>)
        %add3A_354 = arith.constant 7 : i32
        %add3A_355 = arith.addi %mul3A_119, %add3A_354 : i32
        %add3A_356 = arith.constant 1 : i32
        %add3A_357 = arith.addi %add3A_355, %add3A_356 : i32
        %dma_start3A_358 = arith.constant 0 : i32
        %dma_start3A_359 = tpu.memref_slice %arg10[%add3A_357, %dma_start3A_358] : memref<160x128xi32, #tpu.memory_space<vmem>> -> memref<1x128xi32, #tpu.memory_space<vmem>>
        %dma_start3A_360 = tpu.memref_squeeze %dma_start3A_359 : memref<1x128xi32, #tpu.memory_space<vmem>> -> memref<128xi32, #tpu.memory_space<vmem>>
        %dma_start3A_361 = arith.constant 0 : i32
        %dma_start3A_362 = arith.constant 0 : i32
        %dma_start3A_363 = tpu.memref_slice %arg7[%dma_start3A_361, %dma_start3A_362] : memref<10240x32xf32, #tpu.memory_space<vmem_shared>> -> memref<10240x32xf32, #tpu.memory_space<vmem_shared>>
        tpu.enqueue_indirect_dma source(%dma_start3A_363 : memref<10240x32xf32, #tpu.memory_space<vmem_shared>>) target(%arg12 : memref<128x32xf32, #tpu.memory_space<vmem>>) offsets(%dma_start3A_360 : memref<128xi32, #tpu.memory_space<vmem>>) semaphore(%arg18 : memref<!tpu.dma_semaphore, #tpu.memory_space<semaphore_mem>>)
        %dma_wait3A_364 = arith.constant 0 : i32
        %dma_wait3A_365 = tpu.memref_slice %arg10[%add3A_325, %dma_wait3A_364] : memref<160x128xi32, #tpu.memory_space<vmem>> -> memref<1x128xi32, #tpu.memory_space<vmem>>
        %dma_wait3A_366 = tpu.memref_squeeze %dma_wait3A_365 : memref<1x128xi32, #tpu.memory_space<vmem>> -> memref<128xi32, #tpu.memory_space<vmem>>
        %dma_wait3A_367 = arith.constant 0 : i32
        %dma_wait3A_368 = arith.constant 0 : i32
        %dma_wait3A_369 = tpu.memref_slice %arg7[%dma_wait3A_367, %dma_wait3A_368] : memref<10240x32xf32, #tpu.memory_space<vmem_shared>> -> memref<10240x32xf32, #tpu.memory_space<vmem_shared>>
        tpu.wait_indirect_dma semaphore(%arg21 : memref<!tpu.dma_semaphore, #tpu.memory_space<semaphore_mem>>) src(%dma_wait3A_369 : memref<10240x32xf32, #tpu.memory_space<vmem_shared>>) dst(%arg15 : memref<128x32xf32, #tpu.memory_space<vmem>>)
        %add3A_370 = arith.constant 7 : i32
        %add3A_371 = arith.addi %mul3A_119, %add3A_370 : i32
        %dma_start3A_372 = arith.constant 0 : i32
        %dma_start3A_373 = tpu.memref_slice %arg11[%add3A_371, %dma_start3A_372] : memref<160x128xi32, #tpu.memory_space<vmem>> -> memref<1x128xi32, #tpu.memory_space<vmem>>
        %dma_start3A_374 = tpu.memref_squeeze %dma_start3A_373 : memref<1x128xi32, #tpu.memory_space<vmem>> -> memref<128xi32, #tpu.memory_space<vmem>>
        %dma_start3A_375 = arith.constant 0 : i32
        %dma_start3A_376 = arith.constant 0 : i32
        %dma_start3A_377 = tpu.memref_slice %arg8[%dma_start3A_375, %dma_start3A_376] : memref<10240x32xf32, #tpu.memory_space<vmem_shared>> -> memref<10240x32xf32, #tpu.memory_space<vmem_shared>>
        tpu.enqueue_indirect_dma source(%arg15 : memref<128x32xf32, #tpu.memory_space<vmem>>) target(%dma_start3A_377 : memref<10240x32xf32, #tpu.memory_space<vmem_shared>>) offsets(%dma_start3A_374 : memref<128xi32, #tpu.memory_space<vmem>>) semaphore(%arg25 : memref<!tpu.dma_semaphore, #tpu.memory_space<semaphore_mem>>) {add = true}
        %dma_wait3A_378 = arith.constant 0 : i32
        %dma_wait3A_379 = arith.constant 0 : i32
        %dma_wait3A_380 = tpu.memref_slice %arg2[%arg0, %dma_wait3A_378, %dma_wait3A_379] : memref<2x10240x32xf32, #tpu.memory_space<hbm>> -> memref<1x128x32xf32, #tpu.memory_space<hbm>>
        %dma_wait3A_381 = tpu.memref_squeeze %dma_wait3A_380 : memref<1x128x32xf32, #tpu.memory_space<hbm>> -> memref<128x32xf32, #tpu.memory_space<hbm>>
        %dma_wait3A_382 = arith.constant 0 : i32
        %dma_wait3A_383 = arith.constant 0 : i32
        %dma_wait3A_384 = tpu.memref_slice %arg2[%arg0, %dma_wait3A_382, %dma_wait3A_383] : memref<2x10240x32xf32, #tpu.memory_space<hbm>> -> memref<1x128x32xf32, #tpu.memory_space<hbm>>
        %dma_wait3A_385 = tpu.memref_squeeze %dma_wait3A_384 : memref<1x128x32xf32, #tpu.memory_space<hbm>> -> memref<128x32xf32, #tpu.memory_space<hbm>>
        tpu.wait_dma2 semaphore(%arg23 : memref<!tpu.dma_semaphore, #tpu.memory_space<semaphore_mem>>) src(%dma_wait3A_385 : memref<128x32xf32, #tpu.memory_space<hbm>>) dst(%arg13 : memref<128x32xf32, #tpu.memory_space<vmem>>)
        %add3A_386 = arith.constant 8 : i32
        %add3A_387 = arith.addi %mul3A_119, %add3A_386 : i32
        %add3A_388 = arith.constant 1 : i32
        %add3A_389 = arith.addi %add3A_387, %add3A_388 : i32
        %dma_start3A_390 = arith.constant 0 : i32
        %dma_start3A_391 = tpu.memref_slice %arg10[%add3A_389, %dma_start3A_390] : memref<160x128xi32, #tpu.memory_space<vmem>> -> memref<1x128xi32, #tpu.memory_space<vmem>>
        %dma_start3A_392 = tpu.memref_squeeze %dma_start3A_391 : memref<1x128xi32, #tpu.memory_space<vmem>> -> memref<128xi32, #tpu.memory_space<vmem>>
        %dma_start3A_393 = arith.constant 0 : i32
        %dma_start3A_394 = arith.constant 0 : i32
        %dma_start3A_395 = tpu.memref_slice %arg7[%dma_start3A_393, %dma_start3A_394] : memref<10240x32xf32, #tpu.memory_space<vmem_shared>> -> memref<10240x32xf32, #tpu.memory_space<vmem_shared>>
        tpu.enqueue_indirect_dma source(%dma_start3A_395 : memref<10240x32xf32, #tpu.memory_space<vmem_shared>>) target(%arg13 : memref<128x32xf32, #tpu.memory_space<vmem>>) offsets(%dma_start3A_392 : memref<128xi32, #tpu.memory_space<vmem>>) semaphore(%arg19 : memref<!tpu.dma_semaphore, #tpu.memory_space<semaphore_mem>>)
        %dma_wait3A_396 = arith.constant 0 : i32
        %dma_wait3A_397 = tpu.memref_slice %arg10[%add3A_357, %dma_wait3A_396] : memref<160x128xi32, #tpu.memory_space<vmem>> -> memref<1x128xi32, #tpu.memory_space<vmem>>
        %dma_wait3A_398 = tpu.memref_squeeze %dma_wait3A_397 : memref<1x128xi32, #tpu.memory_space<vmem>> -> memref<128xi32, #tpu.memory_space<vmem>>
        %dma_wait3A_399 = arith.constant 0 : i32
        %dma_wait3A_400 = arith.constant 0 : i32
        %dma_wait3A_401 = tpu.memref_slice %arg7[%dma_wait3A_399, %dma_wait3A_400] : memref<10240x32xf32, #tpu.memory_space<vmem_shared>> -> memref<10240x32xf32, #tpu.memory_space<vmem_shared>>
        tpu.wait_indirect_dma semaphore(%arg18 : memref<!tpu.dma_semaphore, #tpu.memory_space<semaphore_mem>>) src(%dma_wait3A_401 : memref<10240x32xf32, #tpu.memory_space<vmem_shared>>) dst(%arg12 : memref<128x32xf32, #tpu.memory_space<vmem>>)
        %add3A_402 = arith.constant 8 : i32
        %add3A_403 = arith.addi %mul3A_119, %add3A_402 : i32
        %dma_start3A_404 = arith.constant 0 : i32
        %dma_start3A_405 = tpu.memref_slice %arg11[%add3A_403, %dma_start3A_404] : memref<160x128xi32, #tpu.memory_space<vmem>> -> memref<1x128xi32, #tpu.memory_space<vmem>>
        %dma_start3A_406 = tpu.memref_squeeze %dma_start3A_405 : memref<1x128xi32, #tpu.memory_space<vmem>> -> memref<128xi32, #tpu.memory_space<vmem>>
        %dma_start3A_407 = arith.constant 0 : i32
        %dma_start3A_408 = arith.constant 0 : i32
        %dma_start3A_409 = tpu.memref_slice %arg8[%dma_start3A_407, %dma_start3A_408] : memref<10240x32xf32, #tpu.memory_space<vmem_shared>> -> memref<10240x32xf32, #tpu.memory_space<vmem_shared>>
        tpu.enqueue_indirect_dma source(%arg12 : memref<128x32xf32, #tpu.memory_space<vmem>>) target(%dma_start3A_409 : memref<10240x32xf32, #tpu.memory_space<vmem_shared>>) offsets(%dma_start3A_406 : memref<128xi32, #tpu.memory_space<vmem>>) semaphore(%arg22 : memref<!tpu.dma_semaphore, #tpu.memory_space<semaphore_mem>>) {add = true}
        %dma_wait3A_410 = arith.constant 0 : i32
        %dma_wait3A_411 = arith.constant 0 : i32
        %dma_wait3A_412 = tpu.memref_slice %arg2[%arg0, %dma_wait3A_410, %dma_wait3A_411] : memref<2x10240x32xf32, #tpu.memory_space<hbm>> -> memref<1x128x32xf32, #tpu.memory_space<hbm>>
        %dma_wait3A_413 = tpu.memref_squeeze %dma_wait3A_412 : memref<1x128x32xf32, #tpu.memory_space<hbm>> -> memref<128x32xf32, #tpu.memory_space<hbm>>
        %dma_wait3A_414 = arith.constant 0 : i32
        %dma_wait3A_415 = arith.constant 0 : i32
        %dma_wait3A_416 = tpu.memref_slice %arg2[%arg0, %dma_wait3A_414, %dma_wait3A_415] : memref<2x10240x32xf32, #tpu.memory_space<hbm>> -> memref<1x128x32xf32, #tpu.memory_space<hbm>>
        %dma_wait3A_417 = tpu.memref_squeeze %dma_wait3A_416 : memref<1x128x32xf32, #tpu.memory_space<hbm>> -> memref<128x32xf32, #tpu.memory_space<hbm>>
        tpu.wait_dma2 semaphore(%arg24 : memref<!tpu.dma_semaphore, #tpu.memory_space<semaphore_mem>>) src(%dma_wait3A_417 : memref<128x32xf32, #tpu.memory_space<hbm>>) dst(%arg14 : memref<128x32xf32, #tpu.memory_space<vmem>>)
        %add3A_418 = arith.constant 9 : i32
        %add3A_419 = arith.addi %mul3A_119, %add3A_418 : i32
        %add3A_420 = arith.constant 1 : i32
        %add3A_421 = arith.addi %add3A_419, %add3A_420 : i32
        %dma_start3A_422 = arith.constant 0 : i32
        %dma_start3A_423 = tpu.memref_slice %arg10[%add3A_421, %dma_start3A_422] : memref<160x128xi32, #tpu.memory_space<vmem>> -> memref<1x128xi32, #tpu.memory_space<vmem>>
        %dma_start3A_424 = tpu.memref_squeeze %dma_start3A_423 : memref<1x128xi32, #tpu.memory_space<vmem>> -> memref<128xi32, #tpu.memory_space<vmem>>
        %dma_start3A_425 = arith.constant 0 : i32
        %dma_start3A_426 = arith.constant 0 : i32
        %dma_start3A_427 = tpu.memref_slice %arg7[%dma_start3A_425, %dma_start3A_426] : memref<10240x32xf32, #tpu.memory_space<vmem_shared>> -> memref<10240x32xf32, #tpu.memory_space<vmem_shared>>
        tpu.enqueue_indirect_dma source(%dma_start3A_427 : memref<10240x32xf32, #tpu.memory_space<vmem_shared>>) target(%arg14 : memref<128x32xf32, #tpu.memory_space<vmem>>) offsets(%dma_start3A_424 : memref<128xi32, #tpu.memory_space<vmem>>) semaphore(%arg20 : memref<!tpu.dma_semaphore, #tpu.memory_space<semaphore_mem>>)
        %dma_wait3A_428 = arith.constant 0 : i32
        %dma_wait3A_429 = tpu.memref_slice %arg10[%add3A_389, %dma_wait3A_428] : memref<160x128xi32, #tpu.memory_space<vmem>> -> memref<1x128xi32, #tpu.memory_space<vmem>>
        %dma_wait3A_430 = tpu.memref_squeeze %dma_wait3A_429 : memref<1x128xi32, #tpu.memory_space<vmem>> -> memref<128xi32, #tpu.memory_space<vmem>>
        %dma_wait3A_431 = arith.constant 0 : i32
        %dma_wait3A_432 = arith.constant 0 : i32
        %dma_wait3A_433 = tpu.memref_slice %arg7[%dma_wait3A_431, %dma_wait3A_432] : memref<10240x32xf32, #tpu.memory_space<vmem_shared>> -> memref<10240x32xf32, #tpu.memory_space<vmem_shared>>
        tpu.wait_indirect_dma semaphore(%arg19 : memref<!tpu.dma_semaphore, #tpu.memory_space<semaphore_mem>>) src(%dma_wait3A_433 : memref<10240x32xf32, #tpu.memory_space<vmem_shared>>) dst(%arg13 : memref<128x32xf32, #tpu.memory_space<vmem>>)
        %add3A_434 = arith.constant 9 : i32
        %add3A_435 = arith.addi %mul3A_119, %add3A_434 : i32
        %dma_start3A_436 = arith.constant 0 : i32
        %dma_start3A_437 = tpu.memref_slice %arg11[%add3A_435, %dma_start3A_436] : memref<160x128xi32, #tpu.memory_space<vmem>> -> memref<1x128xi32, #tpu.memory_space<vmem>>
        %dma_start3A_438 = tpu.memref_squeeze %dma_start3A_437 : memref<1x128xi32, #tpu.memory_space<vmem>> -> memref<128xi32, #tpu.memory_space<vmem>>
        %dma_start3A_439 = arith.constant 0 : i32
        %dma_start3A_440 = arith.constant 0 : i32
        %dma_start3A_441 = tpu.memref_slice %arg8[%dma_start3A_439, %dma_start3A_440] : memref<10240x32xf32, #tpu.memory_space<vmem_shared>> -> memref<10240x32xf32, #tpu.memory_space<vmem_shared>>
        tpu.enqueue_indirect_dma source(%arg13 : memref<128x32xf32, #tpu.memory_space<vmem>>) target(%dma_start3A_441 : memref<10240x32xf32, #tpu.memory_space<vmem_shared>>) offsets(%dma_start3A_438 : memref<128xi32, #tpu.memory_space<vmem>>) semaphore(%arg23 : memref<!tpu.dma_semaphore, #tpu.memory_space<semaphore_mem>>) {add = true}
        %dma_wait3A_442 = arith.constant 0 : i32
        %dma_wait3A_443 = arith.constant 0 : i32
        %dma_wait3A_444 = tpu.memref_slice %arg2[%arg0, %dma_wait3A_442, %dma_wait3A_443] : memref<2x10240x32xf32, #tpu.memory_space<hbm>> -> memref<1x128x32xf32, #tpu.memory_space<hbm>>
        %dma_wait3A_445 = tpu.memref_squeeze %dma_wait3A_444 : memref<1x128x32xf32, #tpu.memory_space<hbm>> -> memref<128x32xf32, #tpu.memory_space<hbm>>
        %dma_wait3A_446 = arith.constant 0 : i32
        %dma_wait3A_447 = arith.constant 0 : i32
        %dma_wait3A_448 = tpu.memref_slice %arg2[%arg0, %dma_wait3A_446, %dma_wait3A_447] : memref<2x10240x32xf32, #tpu.memory_space<hbm>> -> memref<1x128x32xf32, #tpu.memory_space<hbm>>
        %dma_wait3A_449 = tpu.memref_squeeze %dma_wait3A_448 : memref<1x128x32xf32, #tpu.memory_space<hbm>> -> memref<128x32xf32, #tpu.memory_space<hbm>>
        tpu.wait_dma2 semaphore(%arg25 : memref<!tpu.dma_semaphore, #tpu.memory_space<semaphore_mem>>) src(%dma_wait3A_449 : memref<128x32xf32, #tpu.memory_space<hbm>>) dst(%arg15 : memref<128x32xf32, #tpu.memory_space<vmem>>)
        %add3A_450 = arith.constant 10 : i32
        %add3A_451 = arith.addi %mul3A_119, %add3A_450 : i32
        %add3A_452 = arith.constant 1 : i32
        %add3A_453 = arith.addi %add3A_451, %add3A_452 : i32
        %dma_start3A_454 = arith.constant 0 : i32
        %dma_start3A_455 = tpu.memref_slice %arg10[%add3A_453, %dma_start3A_454] : memref<160x128xi32, #tpu.memory_space<vmem>> -> memref<1x128xi32, #tpu.memory_space<vmem>>
        %dma_start3A_456 = tpu.memref_squeeze %dma_start3A_455 : memref<1x128xi32, #tpu.memory_space<vmem>> -> memref<128xi32, #tpu.memory_space<vmem>>
        %dma_start3A_457 = arith.constant 0 : i32
        %dma_start3A_458 = arith.constant 0 : i32
        %dma_start3A_459 = tpu.memref_slice %arg7[%dma_start3A_457, %dma_start3A_458] : memref<10240x32xf32, #tpu.memory_space<vmem_shared>> -> memref<10240x32xf32, #tpu.memory_space<vmem_shared>>
        tpu.enqueue_indirect_dma source(%dma_start3A_459 : memref<10240x32xf32, #tpu.memory_space<vmem_shared>>) target(%arg15 : memref<128x32xf32, #tpu.memory_space<vmem>>) offsets(%dma_start3A_456 : memref<128xi32, #tpu.memory_space<vmem>>) semaphore(%arg21 : memref<!tpu.dma_semaphore, #tpu.memory_space<semaphore_mem>>)
        %dma_wait3A_460 = arith.constant 0 : i32
        %dma_wait3A_461 = tpu.memref_slice %arg10[%add3A_421, %dma_wait3A_460] : memref<160x128xi32, #tpu.memory_space<vmem>> -> memref<1x128xi32, #tpu.memory_space<vmem>>
        %dma_wait3A_462 = tpu.memref_squeeze %dma_wait3A_461 : memref<1x128xi32, #tpu.memory_space<vmem>> -> memref<128xi32, #tpu.memory_space<vmem>>
        %dma_wait3A_463 = arith.constant 0 : i32
        %dma_wait3A_464 = arith.constant 0 : i32
        %dma_wait3A_465 = tpu.memref_slice %arg7[%dma_wait3A_463, %dma_wait3A_464] : memref<10240x32xf32, #tpu.memory_space<vmem_shared>> -> memref<10240x32xf32, #tpu.memory_space<vmem_shared>>
        tpu.wait_indirect_dma semaphore(%arg20 : memref<!tpu.dma_semaphore, #tpu.memory_space<semaphore_mem>>) src(%dma_wait3A_465 : memref<10240x32xf32, #tpu.memory_space<vmem_shared>>) dst(%arg14 : memref<128x32xf32, #tpu.memory_space<vmem>>)
        %add3A_466 = arith.constant 10 : i32
        %add3A_467 = arith.addi %mul3A_119, %add3A_466 : i32
        %dma_start3A_468 = arith.constant 0 : i32
        %dma_start3A_469 = tpu.memref_slice %arg11[%add3A_467, %dma_start3A_468] : memref<160x128xi32, #tpu.memory_space<vmem>> -> memref<1x128xi32, #tpu.memory_space<vmem>>
        %dma_start3A_470 = tpu.memref_squeeze %dma_start3A_469 : memref<1x128xi32, #tpu.memory_space<vmem>> -> memref<128xi32, #tpu.memory_space<vmem>>
        %dma_start3A_471 = arith.constant 0 : i32
        %dma_start3A_472 = arith.constant 0 : i32
        %dma_start3A_473 = tpu.memref_slice %arg8[%dma_start3A_471, %dma_start3A_472] : memref<10240x32xf32, #tpu.memory_space<vmem_shared>> -> memref<10240x32xf32, #tpu.memory_space<vmem_shared>>
        tpu.enqueue_indirect_dma source(%arg14 : memref<128x32xf32, #tpu.memory_space<vmem>>) target(%dma_start3A_473 : memref<10240x32xf32, #tpu.memory_space<vmem_shared>>) offsets(%dma_start3A_470 : memref<128xi32, #tpu.memory_space<vmem>>) semaphore(%arg24 : memref<!tpu.dma_semaphore, #tpu.memory_space<semaphore_mem>>) {add = true}
        %dma_wait3A_474 = arith.constant 0 : i32
        %dma_wait3A_475 = arith.constant 0 : i32
        %dma_wait3A_476 = tpu.memref_slice %arg2[%arg0, %dma_wait3A_474, %dma_wait3A_475] : memref<2x10240x32xf32, #tpu.memory_space<hbm>> -> memref<1x128x32xf32, #tpu.memory_space<hbm>>
        %dma_wait3A_477 = tpu.memref_squeeze %dma_wait3A_476 : memref<1x128x32xf32, #tpu.memory_space<hbm>> -> memref<128x32xf32, #tpu.memory_space<hbm>>
        %dma_wait3A_478 = arith.constant 0 : i32
        %dma_wait3A_479 = arith.constant 0 : i32
        %dma_wait3A_480 = tpu.memref_slice %arg2[%arg0, %dma_wait3A_478, %dma_wait3A_479] : memref<2x10240x32xf32, #tpu.memory_space<hbm>> -> memref<1x128x32xf32, #tpu.memory_space<hbm>>
        %dma_wait3A_481 = tpu.memref_squeeze %dma_wait3A_480 : memref<1x128x32xf32, #tpu.memory_space<hbm>> -> memref<128x32xf32, #tpu.memory_space<hbm>>
        tpu.wait_dma2 semaphore(%arg22 : memref<!tpu.dma_semaphore, #tpu.memory_space<semaphore_mem>>) src(%dma_wait3A_481 : memref<128x32xf32, #tpu.memory_space<hbm>>) dst(%arg12 : memref<128x32xf32, #tpu.memory_space<vmem>>)
        %add3A_482 = arith.constant 11 : i32
        %add3A_483 = arith.addi %mul3A_119, %add3A_482 : i32
        %add3A_484 = arith.constant 1 : i32
        %add3A_485 = arith.addi %add3A_483, %add3A_484 : i32
        %dma_start3A_486 = arith.constant 0 : i32
        %dma_start3A_487 = tpu.memref_slice %arg10[%add3A_485, %dma_start3A_486] : memref<160x128xi32, #tpu.memory_space<vmem>> -> memref<1x128xi32, #tpu.memory_space<vmem>>
        %dma_start3A_488 = tpu.memref_squeeze %dma_start3A_487 : memref<1x128xi32, #tpu.memory_space<vmem>> -> memref<128xi32, #tpu.memory_space<vmem>>
        %dma_start3A_489 = arith.constant 0 : i32
        %dma_start3A_490 = arith.constant 0 : i32
        %dma_start3A_491 = tpu.memref_slice %arg7[%dma_start3A_489, %dma_start3A_490] : memref<10240x32xf32, #tpu.memory_space<vmem_shared>> -> memref<10240x32xf32, #tpu.memory_space<vmem_shared>>
        tpu.enqueue_indirect_dma source(%dma_start3A_491 : memref<10240x32xf32, #tpu.memory_space<vmem_shared>>) target(%arg12 : memref<128x32xf32, #tpu.memory_space<vmem>>) offsets(%dma_start3A_488 : memref<128xi32, #tpu.memory_space<vmem>>) semaphore(%arg18 : memref<!tpu.dma_semaphore, #tpu.memory_space<semaphore_mem>>)
        %dma_wait3A_492 = arith.constant 0 : i32
        %dma_wait3A_493 = tpu.memref_slice %arg10[%add3A_453, %dma_wait3A_492] : memref<160x128xi32, #tpu.memory_space<vmem>> -> memref<1x128xi32, #tpu.memory_space<vmem>>
        %dma_wait3A_494 = tpu.memref_squeeze %dma_wait3A_493 : memref<1x128xi32, #tpu.memory_space<vmem>> -> memref<128xi32, #tpu.memory_space<vmem>>
        %dma_wait3A_495 = arith.constant 0 : i32
        %dma_wait3A_496 = arith.constant 0 : i32
        %dma_wait3A_497 = tpu.memref_slice %arg7[%dma_wait3A_495, %dma_wait3A_496] : memref<10240x32xf32, #tpu.memory_space<vmem_shared>> -> memref<10240x32xf32, #tpu.memory_space<vmem_shared>>
        tpu.wait_indirect_dma semaphore(%arg21 : memref<!tpu.dma_semaphore, #tpu.memory_space<semaphore_mem>>) src(%dma_wait3A_497 : memref<10240x32xf32, #tpu.memory_space<vmem_shared>>) dst(%arg15 : memref<128x32xf32, #tpu.memory_space<vmem>>)
        %add3A_498 = arith.constant 11 : i32
        %add3A_499 = arith.addi %mul3A_119, %add3A_498 : i32
        %dma_start3A_500 = arith.constant 0 : i32
        %dma_start3A_501 = tpu.memref_slice %arg11[%add3A_499, %dma_start3A_500] : memref<160x128xi32, #tpu.memory_space<vmem>> -> memref<1x128xi32, #tpu.memory_space<vmem>>
        %dma_start3A_502 = tpu.memref_squeeze %dma_start3A_501 : memref<1x128xi32, #tpu.memory_space<vmem>> -> memref<128xi32, #tpu.memory_space<vmem>>
        %dma_start3A_503 = arith.constant 0 : i32
        %dma_start3A_504 = arith.constant 0 : i32
        %dma_start3A_505 = tpu.memref_slice %arg8[%dma_start3A_503, %dma_start3A_504] : memref<10240x32xf32, #tpu.memory_space<vmem_shared>> -> memref<10240x32xf32, #tpu.memory_space<vmem_shared>>
        tpu.enqueue_indirect_dma source(%arg15 : memref<128x32xf32, #tpu.memory_space<vmem>>) target(%dma_start3A_505 : memref<10240x32xf32, #tpu.memory_space<vmem_shared>>) offsets(%dma_start3A_502 : memref<128xi32, #tpu.memory_space<vmem>>) semaphore(%arg25 : memref<!tpu.dma_semaphore, #tpu.memory_space<semaphore_mem>>) {add = true}
        %dma_wait3A_506 = arith.constant 0 : i32
        %dma_wait3A_507 = arith.constant 0 : i32
        %dma_wait3A_508 = tpu.memref_slice %arg2[%arg0, %dma_wait3A_506, %dma_wait3A_507] : memref<2x10240x32xf32, #tpu.memory_space<hbm>> -> memref<1x128x32xf32, #tpu.memory_space<hbm>>
        %dma_wait3A_509 = tpu.memref_squeeze %dma_wait3A_508 : memref<1x128x32xf32, #tpu.memory_space<hbm>> -> memref<128x32xf32, #tpu.memory_space<hbm>>
        %dma_wait3A_510 = arith.constant 0 : i32
        %dma_wait3A_511 = arith.constant 0 : i32
        %dma_wait3A_512 = tpu.memref_slice %arg2[%arg0, %dma_wait3A_510, %dma_wait3A_511] : memref<2x10240x32xf32, #tpu.memory_space<hbm>> -> memref<1x128x32xf32, #tpu.memory_space<hbm>>
        %dma_wait3A_513 = tpu.memref_squeeze %dma_wait3A_512 : memref<1x128x32xf32, #tpu.memory_space<hbm>> -> memref<128x32xf32, #tpu.memory_space<hbm>>
        tpu.wait_dma2 semaphore(%arg23 : memref<!tpu.dma_semaphore, #tpu.memory_space<semaphore_mem>>) src(%dma_wait3A_513 : memref<128x32xf32, #tpu.memory_space<hbm>>) dst(%arg13 : memref<128x32xf32, #tpu.memory_space<vmem>>)
        %add3A_514 = arith.constant 12 : i32
        %add3A_515 = arith.addi %mul3A_119, %add3A_514 : i32
        %add3A_516 = arith.constant 1 : i32
        %add3A_517 = arith.addi %add3A_515, %add3A_516 : i32
        %dma_start3A_518 = arith.constant 0 : i32
        %dma_start3A_519 = tpu.memref_slice %arg10[%add3A_517, %dma_start3A_518] : memref<160x128xi32, #tpu.memory_space<vmem>> -> memref<1x128xi32, #tpu.memory_space<vmem>>
        %dma_start3A_520 = tpu.memref_squeeze %dma_start3A_519 : memref<1x128xi32, #tpu.memory_space<vmem>> -> memref<128xi32, #tpu.memory_space<vmem>>
        %dma_start3A_521 = arith.constant 0 : i32
        %dma_start3A_522 = arith.constant 0 : i32
        %dma_start3A_523 = tpu.memref_slice %arg7[%dma_start3A_521, %dma_start3A_522] : memref<10240x32xf32, #tpu.memory_space<vmem_shared>> -> memref<10240x32xf32, #tpu.memory_space<vmem_shared>>
        tpu.enqueue_indirect_dma source(%dma_start3A_523 : memref<10240x32xf32, #tpu.memory_space<vmem_shared>>) target(%arg13 : memref<128x32xf32, #tpu.memory_space<vmem>>) offsets(%dma_start3A_520 : memref<128xi32, #tpu.memory_space<vmem>>) semaphore(%arg19 : memref<!tpu.dma_semaphore, #tpu.memory_space<semaphore_mem>>)
        %dma_wait3A_524 = arith.constant 0 : i32
        %dma_wait3A_525 = tpu.memref_slice %arg10[%add3A_485, %dma_wait3A_524] : memref<160x128xi32, #tpu.memory_space<vmem>> -> memref<1x128xi32, #tpu.memory_space<vmem>>
        %dma_wait3A_526 = tpu.memref_squeeze %dma_wait3A_525 : memref<1x128xi32, #tpu.memory_space<vmem>> -> memref<128xi32, #tpu.memory_space<vmem>>
        %dma_wait3A_527 = arith.constant 0 : i32
        %dma_wait3A_528 = arith.constant 0 : i32
        %dma_wait3A_529 = tpu.memref_slice %arg7[%dma_wait3A_527, %dma_wait3A_528] : memref<10240x32xf32, #tpu.memory_space<vmem_shared>> -> memref<10240x32xf32, #tpu.memory_space<vmem_shared>>
        tpu.wait_indirect_dma semaphore(%arg18 : memref<!tpu.dma_semaphore, #tpu.memory_space<semaphore_mem>>) src(%dma_wait3A_529 : memref<10240x32xf32, #tpu.memory_space<vmem_shared>>) dst(%arg12 : memref<128x32xf32, #tpu.memory_space<vmem>>)
        %add3A_530 = arith.constant 12 : i32
        %add3A_531 = arith.addi %mul3A_119, %add3A_530 : i32
        %dma_start3A_532 = arith.constant 0 : i32
        %dma_start3A_533 = tpu.memref_slice %arg11[%add3A_531, %dma_start3A_532] : memref<160x128xi32, #tpu.memory_space<vmem>> -> memref<1x128xi32, #tpu.memory_space<vmem>>
        %dma_start3A_534 = tpu.memref_squeeze %dma_start3A_533 : memref<1x128xi32, #tpu.memory_space<vmem>> -> memref<128xi32, #tpu.memory_space<vmem>>
        %dma_start3A_535 = arith.constant 0 : i32
        %dma_start3A_536 = arith.constant 0 : i32
        %dma_start3A_537 = tpu.memref_slice %arg8[%dma_start3A_535, %dma_start3A_536] : memref<10240x32xf32, #tpu.memory_space<vmem_shared>> -> memref<10240x32xf32, #tpu.memory_space<vmem_shared>>
        tpu.enqueue_indirect_dma source(%arg12 : memref<128x32xf32, #tpu.memory_space<vmem>>) target(%dma_start3A_537 : memref<10240x32xf32, #tpu.memory_space<vmem_shared>>) offsets(%dma_start3A_534 : memref<128xi32, #tpu.memory_space<vmem>>) semaphore(%arg22 : memref<!tpu.dma_semaphore, #tpu.memory_space<semaphore_mem>>) {add = true}
        %dma_wait3A_538 = arith.constant 0 : i32
        %dma_wait3A_539 = arith.constant 0 : i32
        %dma_wait3A_540 = tpu.memref_slice %arg2[%arg0, %dma_wait3A_538, %dma_wait3A_539] : memref<2x10240x32xf32, #tpu.memory_space<hbm>> -> memref<1x128x32xf32, #tpu.memory_space<hbm>>
        %dma_wait3A_541 = tpu.memref_squeeze %dma_wait3A_540 : memref<1x128x32xf32, #tpu.memory_space<hbm>> -> memref<128x32xf32, #tpu.memory_space<hbm>>
        %dma_wait3A_542 = arith.constant 0 : i32
        %dma_wait3A_543 = arith.constant 0 : i32
        %dma_wait3A_544 = tpu.memref_slice %arg2[%arg0, %dma_wait3A_542, %dma_wait3A_543] : memref<2x10240x32xf32, #tpu.memory_space<hbm>> -> memref<1x128x32xf32, #tpu.memory_space<hbm>>
        %dma_wait3A_545 = tpu.memref_squeeze %dma_wait3A_544 : memref<1x128x32xf32, #tpu.memory_space<hbm>> -> memref<128x32xf32, #tpu.memory_space<hbm>>
        tpu.wait_dma2 semaphore(%arg24 : memref<!tpu.dma_semaphore, #tpu.memory_space<semaphore_mem>>) src(%dma_wait3A_545 : memref<128x32xf32, #tpu.memory_space<hbm>>) dst(%arg14 : memref<128x32xf32, #tpu.memory_space<vmem>>)
        %add3A_546 = arith.constant 13 : i32
        %add3A_547 = arith.addi %mul3A_119, %add3A_546 : i32
        %add3A_548 = arith.constant 1 : i32
        %add3A_549 = arith.addi %add3A_547, %add3A_548 : i32
        %dma_start3A_550 = arith.constant 0 : i32
        %dma_start3A_551 = tpu.memref_slice %arg10[%add3A_549, %dma_start3A_550] : memref<160x128xi32, #tpu.memory_space<vmem>> -> memref<1x128xi32, #tpu.memory_space<vmem>>
        %dma_start3A_552 = tpu.memref_squeeze %dma_start3A_551 : memref<1x128xi32, #tpu.memory_space<vmem>> -> memref<128xi32, #tpu.memory_space<vmem>>
        %dma_start3A_553 = arith.constant 0 : i32
        %dma_start3A_554 = arith.constant 0 : i32
        %dma_start3A_555 = tpu.memref_slice %arg7[%dma_start3A_553, %dma_start3A_554] : memref<10240x32xf32, #tpu.memory_space<vmem_shared>> -> memref<10240x32xf32, #tpu.memory_space<vmem_shared>>
        tpu.enqueue_indirect_dma source(%dma_start3A_555 : memref<10240x32xf32, #tpu.memory_space<vmem_shared>>) target(%arg14 : memref<128x32xf32, #tpu.memory_space<vmem>>) offsets(%dma_start3A_552 : memref<128xi32, #tpu.memory_space<vmem>>) semaphore(%arg20 : memref<!tpu.dma_semaphore, #tpu.memory_space<semaphore_mem>>)
        %dma_wait3A_556 = arith.constant 0 : i32
        %dma_wait3A_557 = tpu.memref_slice %arg10[%add3A_517, %dma_wait3A_556] : memref<160x128xi32, #tpu.memory_space<vmem>> -> memref<1x128xi32, #tpu.memory_space<vmem>>
        %dma_wait3A_558 = tpu.memref_squeeze %dma_wait3A_557 : memref<1x128xi32, #tpu.memory_space<vmem>> -> memref<128xi32, #tpu.memory_space<vmem>>
        %dma_wait3A_559 = arith.constant 0 : i32
        %dma_wait3A_560 = arith.constant 0 : i32
        %dma_wait3A_561 = tpu.memref_slice %arg7[%dma_wait3A_559, %dma_wait3A_560] : memref<10240x32xf32, #tpu.memory_space<vmem_shared>> -> memref<10240x32xf32, #tpu.memory_space<vmem_shared>>
        tpu.wait_indirect_dma semaphore(%arg19 : memref<!tpu.dma_semaphore, #tpu.memory_space<semaphore_mem>>) src(%dma_wait3A_561 : memref<10240x32xf32, #tpu.memory_space<vmem_shared>>) dst(%arg13 : memref<128x32xf32, #tpu.memory_space<vmem>>)
        %add3A_562 = arith.constant 13 : i32
        %add3A_563 = arith.addi %mul3A_119, %add3A_562 : i32
        %dma_start3A_564 = arith.constant 0 : i32
        %dma_start3A_565 = tpu.memref_slice %arg11[%add3A_563, %dma_start3A_564] : memref<160x128xi32, #tpu.memory_space<vmem>> -> memref<1x128xi32, #tpu.memory_space<vmem>>
        %dma_start3A_566 = tpu.memref_squeeze %dma_start3A_565 : memref<1x128xi32, #tpu.memory_space<vmem>> -> memref<128xi32, #tpu.memory_space<vmem>>
        %dma_start3A_567 = arith.constant 0 : i32
        %dma_start3A_568 = arith.constant 0 : i32
        %dma_start3A_569 = tpu.memref_slice %arg8[%dma_start3A_567, %dma_start3A_568] : memref<10240x32xf32, #tpu.memory_space<vmem_shared>> -> memref<10240x32xf32, #tpu.memory_space<vmem_shared>>
        tpu.enqueue_indirect_dma source(%arg13 : memref<128x32xf32, #tpu.memory_space<vmem>>) target(%dma_start3A_569 : memref<10240x32xf32, #tpu.memory_space<vmem_shared>>) offsets(%dma_start3A_566 : memref<128xi32, #tpu.memory_space<vmem>>) semaphore(%arg23 : memref<!tpu.dma_semaphore, #tpu.memory_space<semaphore_mem>>) {add = true}
        %dma_wait3A_570 = arith.constant 0 : i32
        %dma_wait3A_571 = arith.constant 0 : i32
        %dma_wait3A_572 = tpu.memref_slice %arg2[%arg0, %dma_wait3A_570, %dma_wait3A_571] : memref<2x10240x32xf32, #tpu.memory_space<hbm>> -> memref<1x128x32xf32, #tpu.memory_space<hbm>>
        %dma_wait3A_573 = tpu.memref_squeeze %dma_wait3A_572 : memref<1x128x32xf32, #tpu.memory_space<hbm>> -> memref<128x32xf32, #tpu.memory_space<hbm>>
        %dma_wait3A_574 = arith.constant 0 : i32
        %dma_wait3A_575 = arith.constant 0 : i32
        %dma_wait3A_576 = tpu.memref_slice %arg2[%arg0, %dma_wait3A_574, %dma_wait3A_575] : memref<2x10240x32xf32, #tpu.memory_space<hbm>> -> memref<1x128x32xf32, #tpu.memory_space<hbm>>
        %dma_wait3A_577 = tpu.memref_squeeze %dma_wait3A_576 : memref<1x128x32xf32, #tpu.memory_space<hbm>> -> memref<128x32xf32, #tpu.memory_space<hbm>>
        tpu.wait_dma2 semaphore(%arg25 : memref<!tpu.dma_semaphore, #tpu.memory_space<semaphore_mem>>) src(%dma_wait3A_577 : memref<128x32xf32, #tpu.memory_space<hbm>>) dst(%arg15 : memref<128x32xf32, #tpu.memory_space<vmem>>)
        %add3A_578 = arith.constant 14 : i32
        %add3A_579 = arith.addi %mul3A_119, %add3A_578 : i32
        %add3A_580 = arith.constant 1 : i32
        %add3A_581 = arith.addi %add3A_579, %add3A_580 : i32
        %dma_start3A_582 = arith.constant 0 : i32
        %dma_start3A_583 = tpu.memref_slice %arg10[%add3A_581, %dma_start3A_582] : memref<160x128xi32, #tpu.memory_space<vmem>> -> memref<1x128xi32, #tpu.memory_space<vmem>>
        %dma_start3A_584 = tpu.memref_squeeze %dma_start3A_583 : memref<1x128xi32, #tpu.memory_space<vmem>> -> memref<128xi32, #tpu.memory_space<vmem>>
        %dma_start3A_585 = arith.constant 0 : i32
        %dma_start3A_586 = arith.constant 0 : i32
        %dma_start3A_587 = tpu.memref_slice %arg7[%dma_start3A_585, %dma_start3A_586] : memref<10240x32xf32, #tpu.memory_space<vmem_shared>> -> memref<10240x32xf32, #tpu.memory_space<vmem_shared>>
        tpu.enqueue_indirect_dma source(%dma_start3A_587 : memref<10240x32xf32, #tpu.memory_space<vmem_shared>>) target(%arg15 : memref<128x32xf32, #tpu.memory_space<vmem>>) offsets(%dma_start3A_584 : memref<128xi32, #tpu.memory_space<vmem>>) semaphore(%arg21 : memref<!tpu.dma_semaphore, #tpu.memory_space<semaphore_mem>>)
        %dma_wait3A_588 = arith.constant 0 : i32
        %dma_wait3A_589 = tpu.memref_slice %arg10[%add3A_549, %dma_wait3A_588] : memref<160x128xi32, #tpu.memory_space<vmem>> -> memref<1x128xi32, #tpu.memory_space<vmem>>
        %dma_wait3A_590 = tpu.memref_squeeze %dma_wait3A_589 : memref<1x128xi32, #tpu.memory_space<vmem>> -> memref<128xi32, #tpu.memory_space<vmem>>
        %dma_wait3A_591 = arith.constant 0 : i32
        %dma_wait3A_592 = arith.constant 0 : i32
        %dma_wait3A_593 = tpu.memref_slice %arg7[%dma_wait3A_591, %dma_wait3A_592] : memref<10240x32xf32, #tpu.memory_space<vmem_shared>> -> memref<10240x32xf32, #tpu.memory_space<vmem_shared>>
        tpu.wait_indirect_dma semaphore(%arg20 : memref<!tpu.dma_semaphore, #tpu.memory_space<semaphore_mem>>) src(%dma_wait3A_593 : memref<10240x32xf32, #tpu.memory_space<vmem_shared>>) dst(%arg14 : memref<128x32xf32, #tpu.memory_space<vmem>>)
        %add3A_594 = arith.constant 14 : i32
        %add3A_595 = arith.addi %mul3A_119, %add3A_594 : i32
        %dma_start3A_596 = arith.constant 0 : i32
        %dma_start3A_597 = tpu.memref_slice %arg11[%add3A_595, %dma_start3A_596] : memref<160x128xi32, #tpu.memory_space<vmem>> -> memref<1x128xi32, #tpu.memory_space<vmem>>
        %dma_start3A_598 = tpu.memref_squeeze %dma_start3A_597 : memref<1x128xi32, #tpu.memory_space<vmem>> -> memref<128xi32, #tpu.memory_space<vmem>>
        %dma_start3A_599 = arith.constant 0 : i32
        %dma_start3A_600 = arith.constant 0 : i32
        %dma_start3A_601 = tpu.memref_slice %arg8[%dma_start3A_599, %dma_start3A_600] : memref<10240x32xf32, #tpu.memory_space<vmem_shared>> -> memref<10240x32xf32, #tpu.memory_space<vmem_shared>>
        tpu.enqueue_indirect_dma source(%arg14 : memref<128x32xf32, #tpu.memory_space<vmem>>) target(%dma_start3A_601 : memref<10240x32xf32, #tpu.memory_space<vmem_shared>>) offsets(%dma_start3A_598 : memref<128xi32, #tpu.memory_space<vmem>>) semaphore(%arg24 : memref<!tpu.dma_semaphore, #tpu.memory_space<semaphore_mem>>) {add = true}
        %dma_wait3A_602 = arith.constant 0 : i32
        %dma_wait3A_603 = arith.constant 0 : i32
        %dma_wait3A_604 = tpu.memref_slice %arg2[%arg0, %dma_wait3A_602, %dma_wait3A_603] : memref<2x10240x32xf32, #tpu.memory_space<hbm>> -> memref<1x128x32xf32, #tpu.memory_space<hbm>>
        %dma_wait3A_605 = tpu.memref_squeeze %dma_wait3A_604 : memref<1x128x32xf32, #tpu.memory_space<hbm>> -> memref<128x32xf32, #tpu.memory_space<hbm>>
        %dma_wait3A_606 = arith.constant 0 : i32
        %dma_wait3A_607 = arith.constant 0 : i32
        %dma_wait3A_608 = tpu.memref_slice %arg2[%arg0, %dma_wait3A_606, %dma_wait3A_607] : memref<2x10240x32xf32, #tpu.memory_space<hbm>> -> memref<1x128x32xf32, #tpu.memory_space<hbm>>
        %dma_wait3A_609 = tpu.memref_squeeze %dma_wait3A_608 : memref<1x128x32xf32, #tpu.memory_space<hbm>> -> memref<128x32xf32, #tpu.memory_space<hbm>>
        tpu.wait_dma2 semaphore(%arg22 : memref<!tpu.dma_semaphore, #tpu.memory_space<semaphore_mem>>) src(%dma_wait3A_609 : memref<128x32xf32, #tpu.memory_space<hbm>>) dst(%arg12 : memref<128x32xf32, #tpu.memory_space<vmem>>)
        %add3A_610 = arith.constant 16 : i32
        %add3A_611 = arith.addi %mul3A_119, %add3A_610 : i32
        %rem3A = arith.constant 160 : i32
        %rem3A_612 = arith.remsi %add3A_611, %rem3A : i32
        %dma_start3A_613 = arith.constant 0 : i32
        %dma_start3A_614 = tpu.memref_slice %arg10[%rem3A_612, %dma_start3A_613] : memref<160x128xi32, #tpu.memory_space<vmem>> -> memref<1x128xi32, #tpu.memory_space<vmem>>
        %dma_start3A_615 = tpu.memref_squeeze %dma_start3A_614 : memref<1x128xi32, #tpu.memory_space<vmem>> -> memref<128xi32, #tpu.memory_space<vmem>>
        %dma_start3A_616 = arith.constant 0 : i32
        %dma_start3A_617 = arith.constant 0 : i32
        %dma_start3A_618 = tpu.memref_slice %arg7[%dma_start3A_616, %dma_start3A_617] : memref<10240x32xf32, #tpu.memory_space<vmem_shared>> -> memref<10240x32xf32, #tpu.memory_space<vmem_shared>>
        tpu.enqueue_indirect_dma source(%dma_start3A_618 : memref<10240x32xf32, #tpu.memory_space<vmem_shared>>) target(%arg12 : memref<128x32xf32, #tpu.memory_space<vmem>>) offsets(%dma_start3A_615 : memref<128xi32, #tpu.memory_space<vmem>>) semaphore(%arg18 : memref<!tpu.dma_semaphore, #tpu.memory_space<semaphore_mem>>)
        %dma_wait3A_619 = arith.constant 0 : i32
        %dma_wait3A_620 = tpu.memref_slice %arg10[%add3A_581, %dma_wait3A_619] : memref<160x128xi32, #tpu.memory_space<vmem>> -> memref<1x128xi32, #tpu.memory_space<vmem>>
        %dma_wait3A_621 = tpu.memref_squeeze %dma_wait3A_620 : memref<1x128xi32, #tpu.memory_space<vmem>> -> memref<128xi32, #tpu.memory_space<vmem>>
        %dma_wait3A_622 = arith.constant 0 : i32
        %dma_wait3A_623 = arith.constant 0 : i32
        %dma_wait3A_624 = tpu.memref_slice %arg7[%dma_wait3A_622, %dma_wait3A_623] : memref<10240x32xf32, #tpu.memory_space<vmem_shared>> -> memref<10240x32xf32, #tpu.memory_space<vmem_shared>>
        tpu.wait_indirect_dma semaphore(%arg21 : memref<!tpu.dma_semaphore, #tpu.memory_space<semaphore_mem>>) src(%dma_wait3A_624 : memref<10240x32xf32, #tpu.memory_space<vmem_shared>>) dst(%arg15 : memref<128x32xf32, #tpu.memory_space<vmem>>)
        %add3A_625 = arith.constant 15 : i32
        %add3A_626 = arith.addi %mul3A_119, %add3A_625 : i32
        %dma_start3A_627 = arith.constant 0 : i32
        %dma_start3A_628 = tpu.memref_slice %arg11[%add3A_626, %dma_start3A_627] : memref<160x128xi32, #tpu.memory_space<vmem>> -> memref<1x128xi32, #tpu.memory_space<vmem>>
        %dma_start3A_629 = tpu.memref_squeeze %dma_start3A_628 : memref<1x128xi32, #tpu.memory_space<vmem>> -> memref<128xi32, #tpu.memory_space<vmem>>
        %dma_start3A_630 = arith.constant 0 : i32
        %dma_start3A_631 = arith.constant 0 : i32
        %dma_start3A_632 = tpu.memref_slice %arg8[%dma_start3A_630, %dma_start3A_631] : memref<10240x32xf32, #tpu.memory_space<vmem_shared>> -> memref<10240x32xf32, #tpu.memory_space<vmem_shared>>
        tpu.enqueue_indirect_dma source(%arg15 : memref<128x32xf32, #tpu.memory_space<vmem>>) target(%dma_start3A_632 : memref<10240x32xf32, #tpu.memory_space<vmem_shared>>) offsets(%dma_start3A_629 : memref<128xi32, #tpu.memory_space<vmem>>) semaphore(%arg25 : memref<!tpu.dma_semaphore, #tpu.memory_space<semaphore_mem>>) {add = true}
      }
      %scan3A_74 = arith.constant 10 : i32
      %dma_wait3A = arith.constant 0 : i32
      %dma_wait3A_75 = arith.constant 0 : i32
      %dma_wait3A_76 = tpu.memref_slice %arg2[%arg0, %dma_wait3A, %dma_wait3A_75] : memref<2x10240x32xf32, #tpu.memory_space<hbm>> -> memref<1x128x32xf32, #tpu.memory_space<hbm>>
      %dma_wait3A_77 = tpu.memref_squeeze %dma_wait3A_76 : memref<1x128x32xf32, #tpu.memory_space<hbm>> -> memref<128x32xf32, #tpu.memory_space<hbm>>
      %dma_wait3A_78 = arith.constant 0 : i32
      %dma_wait3A_79 = arith.constant 0 : i32
      %dma_wait3A_80 = tpu.memref_slice %arg2[%arg0, %dma_wait3A_78, %dma_wait3A_79] : memref<2x10240x32xf32, #tpu.memory_space<hbm>> -> memref<1x128x32xf32, #tpu.memory_space<hbm>>
      %dma_wait3A_81 = tpu.memref_squeeze %dma_wait3A_80 : memref<1x128x32xf32, #tpu.memory_space<hbm>> -> memref<128x32xf32, #tpu.memory_space<hbm>>
      tpu.wait_dma2 semaphore(%arg18 : memref<!tpu.dma_semaphore, #tpu.memory_space<semaphore_mem>>) src(%dma_wait3A_81 : memref<128x32xf32, #tpu.memory_space<hbm>>) dst(%arg12 : memref<128x32xf32, #tpu.memory_space<vmem>>)
      %dma_wait3A_82 = arith.constant 0 : i32
      %dma_wait3A_83 = arith.constant 0 : i32
      %dma_wait3A_84 = tpu.memref_slice %arg2[%arg0, %dma_wait3A_82, %dma_wait3A_83] : memref<2x10240x32xf32, #tpu.memory_space<hbm>> -> memref<1x128x32xf32, #tpu.memory_space<hbm>>
      %dma_wait3A_85 = tpu.memref_squeeze %dma_wait3A_84 : memref<1x128x32xf32, #tpu.memory_space<hbm>> -> memref<128x32xf32, #tpu.memory_space<hbm>>
      %dma_wait3A_86 = arith.constant 0 : i32
      %dma_wait3A_87 = arith.constant 0 : i32
      %dma_wait3A_88 = tpu.memref_slice %arg2[%arg0, %dma_wait3A_86, %dma_wait3A_87] : memref<2x10240x32xf32, #tpu.memory_space<hbm>> -> memref<1x128x32xf32, #tpu.memory_space<hbm>>
      %dma_wait3A_89 = tpu.memref_squeeze %dma_wait3A_88 : memref<1x128x32xf32, #tpu.memory_space<hbm>> -> memref<128x32xf32, #tpu.memory_space<hbm>>
      tpu.wait_dma2 semaphore(%arg23 : memref<!tpu.dma_semaphore, #tpu.memory_space<semaphore_mem>>) src(%dma_wait3A_89 : memref<128x32xf32, #tpu.memory_space<hbm>>) dst(%arg13 : memref<128x32xf32, #tpu.memory_space<vmem>>)
      %dma_wait3A_90 = arith.constant 0 : i32
      %dma_wait3A_91 = arith.constant 0 : i32
      %dma_wait3A_92 = tpu.memref_slice %arg2[%arg0, %dma_wait3A_90, %dma_wait3A_91] : memref<2x10240x32xf32, #tpu.memory_space<hbm>> -> memref<1x128x32xf32, #tpu.memory_space<hbm>>
      %dma_wait3A_93 = tpu.memref_squeeze %dma_wait3A_92 : memref<1x128x32xf32, #tpu.memory_space<hbm>> -> memref<128x32xf32, #tpu.memory_space<hbm>>
      %dma_wait3A_94 = arith.constant 0 : i32
      %dma_wait3A_95 = arith.constant 0 : i32
      %dma_wait3A_96 = tpu.memref_slice %arg2[%arg0, %dma_wait3A_94, %dma_wait3A_95] : memref<2x10240x32xf32, #tpu.memory_space<hbm>> -> memref<1x128x32xf32, #tpu.memory_space<hbm>>
      %dma_wait3A_97 = tpu.memref_squeeze %dma_wait3A_96 : memref<1x128x32xf32, #tpu.memory_space<hbm>> -> memref<128x32xf32, #tpu.memory_space<hbm>>
      tpu.wait_dma2 semaphore(%arg24 : memref<!tpu.dma_semaphore, #tpu.memory_space<semaphore_mem>>) src(%dma_wait3A_97 : memref<128x32xf32, #tpu.memory_space<hbm>>) dst(%arg14 : memref<128x32xf32, #tpu.memory_space<vmem>>)
      %dma_wait3A_98 = arith.constant 0 : i32
      %dma_wait3A_99 = arith.constant 0 : i32
      %dma_wait3A_100 = tpu.memref_slice %arg2[%arg0, %dma_wait3A_98, %dma_wait3A_99] : memref<2x10240x32xf32, #tpu.memory_space<hbm>> -> memref<1x128x32xf32, #tpu.memory_space<hbm>>
      %dma_wait3A_101 = tpu.memref_squeeze %dma_wait3A_100 : memref<1x128x32xf32, #tpu.memory_space<hbm>> -> memref<128x32xf32, #tpu.memory_space<hbm>>
      %dma_wait3A_102 = arith.constant 0 : i32
      %dma_wait3A_103 = arith.constant 0 : i32
      %dma_wait3A_104 = tpu.memref_slice %arg2[%arg0, %dma_wait3A_102, %dma_wait3A_103] : memref<2x10240x32xf32, #tpu.memory_space<hbm>> -> memref<1x128x32xf32, #tpu.memory_space<hbm>>
      %dma_wait3A_105 = tpu.memref_squeeze %dma_wait3A_104 : memref<1x128x32xf32, #tpu.memory_space<hbm>> -> memref<128x32xf32, #tpu.memory_space<hbm>>
      tpu.wait_dma2 semaphore(%arg25 : memref<!tpu.dma_semaphore, #tpu.memory_space<semaphore_mem>>) src(%dma_wait3A_105 : memref<128x32xf32, #tpu.memory_space<hbm>>) dst(%arg15 : memref<128x32xf32, #tpu.memory_space<vmem>>)
      %barrier3A_106 = arith.constant 0 : index
      tpu.barrier barrier_id(%barrier3A_106)
      %add3A = arith.constant 1 : i32
      %add3A_107 = arith.addi %scan3A_44, %add3A : i32
      %get3A_108 = arith.index_cast %add3A_107 : i32 to index
      %get3A_109 = arith.constant 0 : index
      %get3A_110 = tpu.vector_load %arg17[%get3A_108, %get3A_109] {strides = array<i32>} : memref<16x16xf32, #tpu.memory_space<vmem>>, vector<1x16xf32>,
      %get3A_111 = vector.shape_cast %get3A_110 : vector<1x16xf32> to vector<16xf32>
      %scan3A_112 = arith.constant 0 : i32
      %scan3A_113 = arith.constant 5 : i32
      %scan3A_114 = arith.addi %scan3A_112, %scan3A_113 : i32
      %scan3A_115 = arith.constant 1 : i32
      scf.for %scan3A_117 = %scan3A_112 to %scan3A_114 step %scan3A_115  : i32 {
        %mul3A_118 = arith.constant 128 : i32
        %mul3A_119 = arith.muli %scan3A_117, %mul3A_118 : i32
        %add3A_120 = arith.addi %mul3A_0, %mul3A_119 : i32
        "tpu.region"() ({
          %run_scoped3A = tpu.sem_alloc : memref<!tpu.dma_semaphore, #tpu.memory_space<semaphore_mem>>
          %dma_start3A_126 = arith.constant 0 : i32
          %dma_start3A_127 = tpu.memref_slice %arg8[%add3A_120, %dma_start3A_126] : memref<10240x32xf32, #tpu.memory_space<vmem_shared>> -> memref<128x32xf32, #tpu.memory_space<vmem_shared>>
          %dma_start3A_128 = arith.constant 0 : i32
          %dma_start3A_129 = tpu.memref_slice %arg8[%add3A_120, %dma_start3A_128] : memref<10240x32xf32, #tpu.memory_space<vmem_shared>> -> memref<128x32xf32, #tpu.memory_space<vmem_shared>>
          tpu.enqueue_dma source(%dma_start3A_129 : memref<128x32xf32, #tpu.memory_space<vmem_shared>>) target(%arg12 : memref<128x32xf32, #tpu.memory_space<vmem>>) target_semaphore(%run_scoped3A : memref<!tpu.dma_semaphore, #tpu.memory_space<semaphore_mem>>)
          %dma_wait3A_130 = arith.constant 0 : i32
          %dma_wait3A_131 = tpu.memref_slice %arg8[%add3A_120, %dma_wait3A_130] : memref<10240x32xf32, #tpu.memory_space<vmem_shared>> -> memref<128x32xf32, #tpu.memory_space<vmem_shared>>
          %dma_wait3A_132 = arith.constant 0 : i32
          %dma_wait3A_133 = tpu.memref_slice %arg8[%add3A_120, %dma_wait3A_132] : memref<10240x32xf32, #tpu.memory_space<vmem_shared>> -> memref<128x32xf32, #tpu.memory_space<vmem_shared>>
          tpu.wait_dma2 semaphore(%run_scoped3A : memref<!tpu.dma_semaphore, #tpu.memory_space<semaphore_mem>>) src(%dma_wait3A_133 : memref<128x32xf32, #tpu.memory_space<vmem_shared>>) dst(%arg12 : memref<128x32xf32, #tpu.memory_space<vmem>>)
          tpu.yield
        }) : () -> ()
        "tpu.region"() ({
          %run_scoped3A = tpu.sem_alloc : memref<!tpu.dma_semaphore, #tpu.memory_space<semaphore_mem>>
          %dma_start3A_126 = arith.constant 0 : i32
          %dma_start3A_127 = tpu.memref_slice %arg9[%add3A_120, %dma_start3A_126] : memref<10240x32xf32, #tpu.memory_space<vmem_shared>> -> memref<128x32xf32, #tpu.memory_space<vmem_shared>>
          %dma_start3A_128 = arith.constant 0 : i32
          %dma_start3A_129 = tpu.memref_slice %arg9[%add3A_120, %dma_start3A_128] : memref<10240x32xf32, #tpu.memory_space<vmem_shared>> -> memref<128x32xf32, #tpu.memory_space<vmem_shared>>
          tpu.enqueue_dma source(%dma_start3A_129 : memref<128x32xf32, #tpu.memory_space<vmem_shared>>) target(%arg13 : memref<128x32xf32, #tpu.memory_space<vmem>>) target_semaphore(%run_scoped3A : memref<!tpu.dma_semaphore, #tpu.memory_space<semaphore_mem>>)
          %dma_wait3A_130 = arith.constant 0 : i32
          %dma_wait3A_131 = tpu.memref_slice %arg9[%add3A_120, %dma_wait3A_130] : memref<10240x32xf32, #tpu.memory_space<vmem_shared>> -> memref<128x32xf32, #tpu.memory_space<vmem_shared>>
          %dma_wait3A_132 = arith.constant 0 : i32
          %dma_wait3A_133 = tpu.memref_slice %arg9[%add3A_120, %dma_wait3A_132] : memref<10240x32xf32, #tpu.memory_space<vmem_shared>> -> memref<128x32xf32, #tpu.memory_space<vmem_shared>>
          tpu.wait_dma2 semaphore(%run_scoped3A : memref<!tpu.dma_semaphore, #tpu.memory_space<semaphore_mem>>) src(%dma_wait3A_133 : memref<128x32xf32, #tpu.memory_space<vmem_shared>>) dst(%arg13 : memref<128x32xf32, #tpu.memory_space<vmem>>)
          tpu.yield
        }) : () -> ()
        %scan3A_121 = arith.constant 0 : i32
        %scan3A_122 = arith.constant 128 : i32
        %scan3A_123 = arith.addi %scan3A_121, %scan3A_122 : i32
        %scan3A_124 = arith.constant 1 : i32
        scf.for %scan3A_126 = %scan3A_121 to %scan3A_123 step %scan3A_124  : i32 {
          %mul3A_127 = arith.constant 128 : i32
          %mul3A_128 = arith.muli %scan3A_117, %mul3A_127 : i32
          %add3A_129 = arith.addi %mul3A_128, %scan3A_126 : i32
          %get3A_130 = arith.index_cast %add3A_129 : i32 to index
          %get3A_131 = arith.constant 0 : index
          %get3A_132 = tpu.vector_load %arg16[%get3A_130, %get3A_131] {strides = array<i32>} : memref<640x16xf32, #tpu.memory_space<vmem>>, vector<1x16xf32>,
          %get3A_133 = vector.shape_cast %get3A_132 : vector<1x16xf32> to vector<16xf32>
          %mul3A_134 = arith.mulf %get3A_133, %get3A_133 : vector<16xf32>
          %get3A_135 = arith.index_cast %scan3A_126 : i32 to index
          %get3A_136 = arith.constant 0 : index
          %get3A_137 = tpu.vector_load %arg12[%get3A_135, %get3A_136] {strides = array<i32>} : memref<128x32xf32, #tpu.memory_space<vmem>>, vector<1x16xf32>,
          %get3A_138 = vector.shape_cast %get3A_137 : vector<1x16xf32> to vector<16xf32>
          %mul3A_139 = arith.mulf %get3A_138, %mul3A_134 : vector<16xf32>
          %max3A = arith.constant 0.000000e+00 : f32
          %max3A_140 = vector.broadcast %max3A : f32 to vector<16xf32>
          %max3A_141 = arith.maximumf %mul3A_139, %max3A_140 : vector<16xf32>
          %swap3A = arith.index_cast %scan3A_126 : i32 to index
          %swap3A_142 = arith.constant 0 : index
          %swap3A_143 = tpu.vector_load %arg12[%swap3A, %swap3A_142] {strides = array<i32>} : memref<128x32xf32, #tpu.memory_space<vmem>>, vector<1x16xf32>,
          %swap3A_144 = vector.shape_cast %swap3A_143 : vector<1x16xf32> to vector<16xf32>
          %swap3A_145 = vector.shape_cast %max3A_141 : vector<16xf32> to vector<1x16xf32>
          tpu.vector_store %arg12[%swap3A, %swap3A_142], %swap3A_145 {strides = array<i32>} : memref<128x32xf32, #tpu.memory_space<vmem>>, vector<1x16xf32>,
          %get3A_146 = arith.index_cast %scan3A_126 : i32 to index
          %get3A_147 = arith.constant 0 : index
          %get3A_148 = tpu.vector_load %arg13[%get3A_146, %get3A_147] {strides = array<i32>} : memref<128x32xf32, #tpu.memory_space<vmem>>, vector<1x16xf32>,
          %get3A_149 = vector.shape_cast %get3A_148 : vector<1x16xf32> to vector<16xf32>
          %mul3A_150 = arith.mulf %get3A_111, %max3A_141 : vector<16xf32>
          %add3A_151 = arith.addf %get3A_149, %mul3A_150 : vector<16xf32>
          %swap3A_152 = arith.index_cast %scan3A_126 : i32 to index
          %swap3A_153 = arith.constant 0 : index
          %swap3A_154 = tpu.vector_load %arg13[%swap3A_152, %swap3A_153] {strides = array<i32>} : memref<128x32xf32, #tpu.memory_space<vmem>>, vector<1x16xf32>,
          %swap3A_155 = vector.shape_cast %swap3A_154 : vector<1x16xf32> to vector<16xf32>
          %swap3A_156 = vector.shape_cast %add3A_151 : vector<16xf32> to vector<1x16xf32>
          tpu.vector_store %arg13[%swap3A_152, %swap3A_153], %swap3A_156 {strides = array<i32>} : memref<128x32xf32, #tpu.memory_space<vmem>>, vector<1x16xf32>,
          %get3A_157 = arith.index_cast %scan3A_126 : i32 to index
          %get3A_158 = arith.constant 16 : index
          %get3A_159 = tpu.vector_load %arg12[%get3A_157, %get3A_158] {strides = array<i32>} : memref<128x32xf32, #tpu.memory_space<vmem>>, vector<1x16xf32>,
          %get3A_160 = vector.shape_cast %get3A_159 : vector<1x16xf32> to vector<16xf32>
          %mul3A_161 = arith.mulf %get3A_160, %mul3A_134 : vector<16xf32>
          %max3A_162 = arith.constant 0.000000e+00 : f32
          %max3A_163 = vector.broadcast %max3A_162 : f32 to vector<16xf32>
          %max3A_164 = arith.maximumf %mul3A_161, %max3A_163 : vector<16xf32>
          %swap3A_165 = arith.index_cast %scan3A_126 : i32 to index
          %swap3A_166 = arith.constant 16 : index
          %swap3A_167 = tpu.vector_load %arg12[%swap3A_165, %swap3A_166] {strides = array<i32>} : memref<128x32xf32, #tpu.memory_space<vmem>>, vector<1x16xf32>,
          %swap3A_168 = vector.shape_cast %swap3A_167 : vector<1x16xf32> to vector<16xf32>
          %swap3A_169 = vector.shape_cast %max3A_164 : vector<16xf32> to vector<1x16xf32>
          tpu.vector_store %arg12[%swap3A_165, %swap3A_166], %swap3A_169 {strides = array<i32>} : memref<128x32xf32, #tpu.memory_space<vmem>>, vector<1x16xf32>,
          %get3A_170 = arith.index_cast %scan3A_126 : i32 to index
          %get3A_171 = arith.constant 16 : index
          %get3A_172 = tpu.vector_load %arg13[%get3A_170, %get3A_171] {strides = array<i32>} : memref<128x32xf32, #tpu.memory_space<vmem>>, vector<1x16xf32>,
          %get3A_173 = vector.shape_cast %get3A_172 : vector<1x16xf32> to vector<16xf32>
          %mul3A_174 = arith.mulf %get3A_111, %max3A_164 : vector<16xf32>
          %add3A_175 = arith.addf %get3A_173, %mul3A_174 : vector<16xf32>
          %swap3A_176 = arith.index_cast %scan3A_126 : i32 to index
          %swap3A_177 = arith.constant 16 : index
          %swap3A_178 = tpu.vector_load %arg13[%swap3A_176, %swap3A_177] {strides = array<i32>} : memref<128x32xf32, #tpu.memory_space<vmem>>, vector<1x16xf32>,
          %swap3A_179 = vector.shape_cast %swap3A_178 : vector<1x16xf32> to vector<16xf32>
          %swap3A_180 = vector.shape_cast %add3A_175 : vector<16xf32> to vector<1x16xf32>
          tpu.vector_store %arg13[%swap3A_176, %swap3A_177], %swap3A_180 {strides = array<i32>} : memref<128x32xf32, #tpu.memory_space<vmem>>, vector<1x16xf32>,
        }
        %scan3A_125 = arith.constant 128 : i32
        "tpu.region"() ({
          %run_scoped3A = tpu.sem_alloc : memref<!tpu.dma_semaphore, #tpu.memory_space<semaphore_mem>>
          %dma_start3A_126 = arith.constant 0 : i32
          %dma_start3A_127 = tpu.memref_slice %arg7[%add3A_120, %dma_start3A_126] : memref<10240x32xf32, #tpu.memory_space<vmem_shared>> -> memref<128x32xf32, #tpu.memory_space<vmem_shared>>
          %dma_start3A_128 = arith.constant 0 : i32
          %dma_start3A_129 = tpu.memref_slice %arg7[%add3A_120, %dma_start3A_128] : memref<10240x32xf32, #tpu.memory_space<vmem_shared>> -> memref<128x32xf32, #tpu.memory_space<vmem_shared>>
          tpu.enqueue_dma source(%arg12 : memref<128x32xf32, #tpu.memory_space<vmem>>) target(%dma_start3A_129 : memref<128x32xf32, #tpu.memory_space<vmem_shared>>) target_semaphore(%run_scoped3A : memref<!tpu.dma_semaphore, #tpu.memory_space<semaphore_mem>>)
          %dma_wait3A_130 = arith.constant 0 : i32
          %dma_wait3A_131 = tpu.memref_slice %arg7[%add3A_120, %dma_wait3A_130] : memref<10240x32xf32, #tpu.memory_space<vmem_shared>> -> memref<128x32xf32, #tpu.memory_space<vmem_shared>>
          %dma_wait3A_132 = arith.constant 0 : i32
          %dma_wait3A_133 = tpu.memref_slice %arg7[%add3A_120, %dma_wait3A_132] : memref<10240x32xf32, #tpu.memory_space<vmem_shared>> -> memref<128x32xf32, #tpu.memory_space<vmem_shared>>
          tpu.wait_dma2 semaphore(%run_scoped3A : memref<!tpu.dma_semaphore, #tpu.memory_space<semaphore_mem>>) src(%arg12 : memref<128x32xf32, #tpu.memory_space<vmem>>) dst(%dma_wait3A_133 : memref<128x32xf32, #tpu.memory_space<vmem_shared>>)
          tpu.yield
        }) : () -> ()
        "tpu.region"() ({
          %run_scoped3A = tpu.sem_alloc : memref<!tpu.dma_semaphore, #tpu.memory_space<semaphore_mem>>
          %dma_start3A_126 = arith.constant 0 : i32
          %dma_start3A_127 = tpu.memref_slice %arg8[%add3A_120, %dma_start3A_126] : memref<10240x32xf32, #tpu.memory_space<vmem_shared>> -> memref<128x32xf32, #tpu.memory_space<vmem_shared>>
          %dma_start3A_128 = arith.constant 0 : i32
          %dma_start3A_129 = tpu.memref_slice %arg8[%add3A_120, %dma_start3A_128] : memref<10240x32xf32, #tpu.memory_space<vmem_shared>> -> memref<128x32xf32, #tpu.memory_space<vmem_shared>>
          tpu.enqueue_dma source(%arg12 : memref<128x32xf32, #tpu.memory_space<vmem>>) target(%dma_start3A_129 : memref<128x32xf32, #tpu.memory_space<vmem_shared>>) target_semaphore(%run_scoped3A : memref<!tpu.dma_semaphore, #tpu.memory_space<semaphore_mem>>)
          %dma_wait3A_130 = arith.constant 0 : i32
          %dma_wait3A_131 = tpu.memref_slice %arg8[%add3A_120, %dma_wait3A_130] : memref<10240x32xf32, #tpu.memory_space<vmem_shared>> -> memref<128x32xf32, #tpu.memory_space<vmem_shared>>
          %dma_wait3A_132 = arith.constant 0 : i32
          %dma_wait3A_133 = tpu.memref_slice %arg8[%add3A_120, %dma_wait3A_132] : memref<10240x32xf32, #tpu.memory_space<vmem_shared>> -> memref<128x32xf32, #tpu.memory_space<vmem_shared>>
          tpu.wait_dma2 semaphore(%run_scoped3A : memref<!tpu.dma_semaphore, #tpu.memory_space<semaphore_mem>>) src(%arg12 : memref<128x32xf32, #tpu.memory_space<vmem>>) dst(%dma_wait3A_133 : memref<128x32xf32, #tpu.memory_space<vmem_shared>>)
          tpu.yield
        }) : () -> ()
        "tpu.region"() ({
          %run_scoped3A = tpu.sem_alloc : memref<!tpu.dma_semaphore, #tpu.memory_space<semaphore_mem>>
          %dma_start3A_126 = arith.constant 0 : i32
          %dma_start3A_127 = tpu.memref_slice %arg9[%add3A_120, %dma_start3A_126] : memref<10240x32xf32, #tpu.memory_space<vmem_shared>> -> memref<128x32xf32, #tpu.memory_space<vmem_shared>>
          %dma_start3A_128 = arith.constant 0 : i32
          %dma_start3A_129 = tpu.memref_slice %arg9[%add3A_120, %dma_start3A_128] : memref<10240x32xf32, #tpu.memory_space<vmem_shared>> -> memref<128x32xf32, #tpu.memory_space<vmem_shared>>
          tpu.enqueue_dma source(%arg13 : memref<128x32xf32, #tpu.memory_space<vmem>>) target(%dma_start3A_129 : memref<128x32xf32, #tpu.memory_space<vmem_shared>>) target_semaphore(%run_scoped3A : memref<!tpu.dma_semaphore, #tpu.memory_space<semaphore_mem>>)
          %dma_wait3A_130 = arith.constant 0 : i32
          %dma_wait3A_131 = tpu.memref_slice %arg9[%add3A_120, %dma_wait3A_130] : memref<10240x32xf32, #tpu.memory_space<vmem_shared>> -> memref<128x32xf32, #tpu.memory_space<vmem_shared>>
          %dma_wait3A_132 = arith.constant 0 : i32
          %dma_wait3A_133 = tpu.memref_slice %arg9[%add3A_120, %dma_wait3A_132] : memref<10240x32xf32, #tpu.memory_space<vmem_shared>> -> memref<128x32xf32, #tpu.memory_space<vmem_shared>>
          tpu.wait_dma2 semaphore(%run_scoped3A : memref<!tpu.dma_semaphore, #tpu.memory_space<semaphore_mem>>) src(%arg13 : memref<128x32xf32, #tpu.memory_space<vmem>>) dst(%dma_wait3A_133 : memref<128x32xf32, #tpu.memory_space<vmem_shared>>)
          tpu.yield
        }) : () -> ()
      }
      %scan3A_116 = arith.constant 5 : i32
    }
    %scan3A_38 = arith.constant 8 : i32
    %scan3A_39 = arith.constant 0 : i32
    %scan3A_40 = arith.constant 5 : i32
    %scan3A_41 = arith.addi %scan3A_39, %scan3A_40 : i32
    %scan3A_42 = arith.constant 1 : i32
    scf.for %scan3A_44 = %scan3A_39 to %scan3A_41 step %scan3A_42  : i32 {
      %mul3A_45 = arith.constant 128 : i32
      %mul3A_46 = arith.muli %scan3A_44, %mul3A_45 : i32
      %add3A = arith.addi %mul3A_0, %mul3A_46 : i32
      "tpu.region"() ({
        %run_scoped3A = tpu.sem_alloc : memref<!tpu.dma_semaphore, #tpu.memory_space<semaphore_mem>>
        %dma_start3A = arith.constant 0 : i32
        %dma_start3A_52 = tpu.memref_slice %arg9[%add3A, %dma_start3A] : memref<10240x32xf32, #tpu.memory_space<vmem_shared>> -> memref<128x32xf32, #tpu.memory_space<vmem_shared>>
        %dma_start3A_53 = arith.constant 0 : i32
        %dma_start3A_54 = tpu.memref_slice %arg9[%add3A, %dma_start3A_53] : memref<10240x32xf32, #tpu.memory_space<vmem_shared>> -> memref<128x32xf32, #tpu.memory_space<vmem_shared>>
        tpu.enqueue_dma source(%dma_start3A_54 : memref<128x32xf32, #tpu.memory_space<vmem_shared>>) target(%arg13 : memref<128x32xf32, #tpu.memory_space<vmem>>) target_semaphore(%run_scoped3A : memref<!tpu.dma_semaphore, #tpu.memory_space<semaphore_mem>>)
        %dma_wait3A = arith.constant 0 : i32
        %dma_wait3A_55 = tpu.memref_slice %arg9[%add3A, %dma_wait3A] : memref<10240x32xf32, #tpu.memory_space<vmem_shared>> -> memref<128x32xf32, #tpu.memory_space<vmem_shared>>
        %dma_wait3A_56 = arith.constant 0 : i32
        %dma_wait3A_57 = tpu.memref_slice %arg9[%add3A, %dma_wait3A_56] : memref<10240x32xf32, #tpu.memory_space<vmem_shared>> -> memref<128x32xf32, #tpu.memory_space<vmem_shared>>
        tpu.wait_dma2 semaphore(%run_scoped3A : memref<!tpu.dma_semaphore, #tpu.memory_space<semaphore_mem>>) src(%dma_wait3A_57 : memref<128x32xf32, #tpu.memory_space<vmem_shared>>) dst(%arg13 : memref<128x32xf32, #tpu.memory_space<vmem>>)
        tpu.yield
      }) : () -> ()
      %scan3A_47 = arith.constant 0 : i32
      %scan3A_48 = arith.constant 128 : i32
      %scan3A_49 = arith.addi %scan3A_47, %scan3A_48 : i32
      %scan3A_50 = arith.constant 1 : i32
      scf.for %scan3A_52 = %scan3A_47 to %scan3A_49 step %scan3A_50  : i32 {
        %mul3A_53 = arith.constant 128 : i32
        %mul3A_54 = arith.muli %scan3A_44, %mul3A_53 : i32
        %add3A_55 = arith.addi %mul3A_54, %scan3A_52 : i32
        %get3A_56 = arith.index_cast %add3A_55 : i32 to index
        %get3A_57 = arith.constant 0 : index
        %get3A_58 = tpu.vector_load %arg16[%get3A_56, %get3A_57] {strides = array<i32>} : memref<640x16xf32, #tpu.memory_space<vmem>>, vector<1x16xf32>,
        %get3A_59 = vector.shape_cast %get3A_58 : vector<1x16xf32> to vector<16xf32>
        %get3A_60 = arith.index_cast %scan3A_52 : i32 to index
        %get3A_61 = arith.constant 0 : index
        %get3A_62 = tpu.vector_load %arg13[%get3A_60, %get3A_61] {strides = array<i32>} : memref<128x32xf32, #tpu.memory_space<vmem>>, vector<1x16xf32>,
        %get3A_63 = vector.shape_cast %get3A_62 : vector<1x16xf32> to vector<16xf32>
        %div3A = arith.divf %get3A_63, %get3A_59 : vector<16xf32>
        %swap3A = arith.index_cast %scan3A_52 : i32 to index
        %swap3A_64 = arith.constant 0 : index
        %swap3A_65 = tpu.vector_load %arg13[%swap3A, %swap3A_64] {strides = array<i32>} : memref<128x32xf32, #tpu.memory_space<vmem>>, vector<1x16xf32>,
        %swap3A_66 = vector.shape_cast %swap3A_65 : vector<1x16xf32> to vector<16xf32>
        %swap3A_67 = vector.shape_cast %div3A : vector<16xf32> to vector<1x16xf32>
        tpu.vector_store %arg13[%swap3A, %swap3A_64], %swap3A_67 {strides = array<i32>} : memref<128x32xf32, #tpu.memory_space<vmem>>, vector<1x16xf32>,
        %get3A_68 = arith.index_cast %scan3A_52 : i32 to index
        %get3A_69 = arith.constant 16 : index
        %get3A_70 = tpu.vector_load %arg13[%get3A_68, %get3A_69] {strides = array<i32>} : memref<128x32xf32, #tpu.memory_space<vmem>>, vector<1x16xf32>,
        %get3A_71 = vector.shape_cast %get3A_70 : vector<1x16xf32> to vector<16xf32>
        %div3A_72 = arith.divf %get3A_71, %get3A_59 : vector<16xf32>
        %swap3A_73 = arith.index_cast %scan3A_52 : i32 to index
        %swap3A_74 = arith.constant 16 : index
        %swap3A_75 = tpu.vector_load %arg13[%swap3A_73, %swap3A_74] {strides = array<i32>} : memref<128x32xf32, #tpu.memory_space<vmem>>, vector<1x16xf32>,
        %swap3A_76 = vector.shape_cast %swap3A_75 : vector<1x16xf32> to vector<16xf32>
        %swap3A_77 = vector.shape_cast %div3A_72 : vector<16xf32> to vector<1x16xf32>
        tpu.vector_store %arg13[%swap3A_73, %swap3A_74], %swap3A_77 {strides = array<i32>} : memref<128x32xf32, #tpu.memory_space<vmem>>, vector<1x16xf32>,
      }
      %scan3A_51 = arith.constant 128 : i32
      "tpu.region"() ({
        %run_scoped3A = tpu.sem_alloc : memref<!tpu.dma_semaphore, #tpu.memory_space<semaphore_mem>>
        %dma_start3A = arith.constant 0 : i32
        %dma_start3A_52 = tpu.memref_slice %arg6[%arg0, %add3A, %dma_start3A] : memref<2x10240x32xf32, #tpu.memory_space<hbm>> -> memref<1x128x32xf32, #tpu.memory_space<hbm>>
        %dma_start3A_53 = tpu.memref_squeeze %dma_start3A_52 : memref<1x128x32xf32, #tpu.memory_space<hbm>> -> memref<128x32xf32, #tpu.memory_space<hbm>>
        %dma_start3A_54 = arith.constant 0 : i32
        %dma_start3A_55 = tpu.memref_slice %arg6[%arg0, %add3A, %dma_start3A_54] : memref<2x10240x32xf32, #tpu.memory_space<hbm>> -> memref<1x128x32xf32, #tpu.memory_space<hbm>>
        %dma_start3A_56 = tpu.memref_squeeze %dma_start3A_55 : memref<1x128x32xf32, #tpu.memory_space<hbm>> -> memref<128x32xf32, #tpu.memory_space<hbm>>
        tpu.enqueue_dma source(%arg13 : memref<128x32xf32, #tpu.memory_space<vmem>>) target(%dma_start3A_56 : memref<128x32xf32, #tpu.memory_space<hbm>>) target_semaphore(%run_scoped3A : memref<!tpu.dma_semaphore, #tpu.memory_space<semaphore_mem>>)
        %dma_wait3A = arith.constant 0 : i32
        %dma_wait3A_57 = tpu.memref_slice %arg6[%arg0, %add3A, %dma_wait3A] : memref<2x10240x32xf32, #tpu.memory_space<hbm>> -> memref<1x128x32xf32, #tpu.memory_space<hbm>>
        %dma_wait3A_58 = tpu.memref_squeeze %dma_wait3A_57 : memref<1x128x32xf32, #tpu.memory_space<hbm>> -> memref<128x32xf32, #tpu.memory_space<hbm>>
        %dma_wait3A_59 = arith.constant 0 : i32
        %dma_wait3A_60 = tpu.memref_slice %arg6[%arg0, %add3A, %dma_wait3A_59] : memref<2x10240x32xf32, #tpu.memory_space<hbm>> -> memref<1x128x32xf32, #tpu.memory_space<hbm>>
        %dma_wait3A_61 = tpu.memref_squeeze %dma_wait3A_60 : memref<1x128x32xf32, #tpu.memory_space<hbm>> -> memref<128x32xf32, #tpu.memory_space<hbm>>
        tpu.wait_dma2 semaphore(%run_scoped3A : memref<!tpu.dma_semaphore, #tpu.memory_space<semaphore_mem>>) src(%arg13 : memref<128x32xf32, #tpu.memory_space<vmem>>) dst(%dma_wait3A_61 : memref<128x32xf32, #tpu.memory_space<hbm>>)
        tpu.yield
      }) : () -> ()
    }
    %scan3A_43 = arith.constant 5 : i32
    return
  }
}

</mosaic_0001>

<sc_bundles>
// kernel: _sc_propagate.3.cloned.1.call-start
scs
__scs_entry_jumppad:
0x0: {  	(pc) =	sbr.rel $0x88, $3  }
0x1: {  	(tag) =	ssettag $0x0;
	lr =	simm.s32 $0x1  }
0x2: {  	[smem:$0x3F9D] =	sst lr;
	_ =	strace $0xD0000000  }
0x3: {  	_ = 	snop  }
0x4: {  	_ = 	snop  }
0x5: {  	_ = 	snop  }
0x6: {  	_ = 	snop  }
0x7: {  	_ = 	snop  }
__scs_overlays_trampoline_lowered:
0x8: {  	[smem:$0x3FAC] =	sst s0  }
0x9: {  	[smem:$0x3FAD] =	sst s1  }
0xa: {  	[smem:$0x3FAE] =	sst s2  }
0xb: {  	[smem:$0x3FAF] =	sst s3  }
0xc: {  	[smem:$0x3FB0] =	sst s4  }
0xd: {  	[smem:$0x3FB1] =	sst s5  }
0xe: {  	[smem:$0x3FB2] =	sst s6  }
0xf: {  	[smem:$0x3FB3] =	sst s7  }
0x10: {  	[smem:$0x3FB4] =	sst s8  }
0x11: {  	[smem:$0x3FB5] =	sst s9;
	s0 =	simm.s32 @!p0 $0x0  }
0x12: {  	s1 =	sld [smem:$0x3F9B];
	s0 =	simm.s32 @p0 $0x1  }
0x13: {  	[smem:$0x3FB6] =	sst s0;
	s0 =	simm.s32 @!p1 $0x0  }
0x14: {  	s2 =	sld [smem:$0x3F9A];
	s0 =	simm.s32 @p1 $0x1  }
0x15: {  	[smem:$0x3FB7] =	sst s0;
	s0 =	simm.s32 @!p2 $0x0  }
0x16: {  	s3 =	sld [smem:$0x3FDB];
	s0 =	simm.s32 @p2 $0x1  }
0x17: {  	s4 =	simm.s32 $0x1BF5;
	[smem:$0x3FB9] =	sst s0  }
0x18: {  	s0 =	sld [smem:$0x3F9C];
	_ =	swait.ge [sflag:s4], $0x0  }
0x19: {  	s7 =	sld [smem:$0x3F9D]  }
0x1a: {  	s8 =	sadd.s32 $0xFFFFE003, lr  }
0x1b: {  	s9 =	sadd.s32 $0xFFFFFEF7, lr;
	s5 =	simm.s32 $0xFFFFFFFF;
	p2 =	slt.u32 s8, $0xFFFFF086  }
0x1c: {  	p1 =	slt.u32 s9, $0xF7A;
	s5 =	simm.s32 @!p2 $0x0  }
0x1d: {  	s5 =	simm.s32 @p1 $0x1;
	p0 =	seq.s32 s7, s2  }
0x1e: {  	s7 =	smul.u32 @!p0 $0xF7A, s2;
	p2 =	seq.s32 @!p0 s5, $0x0  }
0x1f: {  	s9 =	smul.u32 $0xF7A, s1;
	s8 =	simm.s32 @!p0 $0x1BF5;
	p2 =	por !p2, p0  }
0x20: {  	[sflag:s8] =	ssyncset.s32 @!p0 $0xFFFFF086;
	s6 =	sadd.s32 @!p0 s3, s7;
	s7 =	simm.s32 @!p0 $0x108  }
0x21: {  	s3 =	sadd.s32 s3, s9;
	s6 =	sadd.s32 @!p0 $0x88, s6;
	s7 =	simm.s32 @p2 $0x1082  }
0x22: {  	[simem:s7], [sflag:s8] =	dma.local @!p0 [hbm:s6], $0xF7A  }
0x23: {  	s9 =	sor.u32 $0xD0000000, s2;
	s6 =	simm.s32 $0x108;
	_ =	swait.ge @!p0 [sflag:s8], $0x0  }
0x24: {  	s3 =	sadd.s32 $0x88, s3;
	s6 =	simm.s32 @!p1 $0x1082;
	[sflag:s4] =	ssyncset.s32 $0xFFFFF086  }
0x25: {  	[simem:s6], [sflag:s4] =	dma.local [hbm:s3], $0xF7A  }
0x26: {  	[smem:$0x3F9D] =	sst s1;
	(tag) =	ssettag s2;
	_ =	strace s9  }
0x27: {  	s1 =	sld [smem:$0x3FAD]  }
0x28: {  	s2 =	sld [smem:$0x3FAE]  }
0x29: {  	s4 =	sld [smem:$0x3FB0]  }
0x2a: {  	p0 =	seq.s32 s5, $0x0;
	s5 =	sld [smem:$0x3FB1]  }
0x2b: {  	s6 =	sld [smem:$0x3FB2]  }
0x2c: {  	s7 =	sld [smem:$0x3FB3]  }
0x2d: {  	s3 =	simm.s32 $0x108;
	s8 =	sld [smem:$0x3FB4]  }
0x2e: {  	s3 =	simm.s32 @!p0 $0x1082;
	s9 =	sld [smem:$0x3FB5]  }
0x2f: {  	lr =	sadd.s32 s0, s3;
	s0 =	sld [smem:$0x3FAC]  }
0x30: {  	s3 =	sld [smem:$0x3FAF]  }
0x31: {  	[smem:$0x3FB8] =	sst s10  }
0x32: {  	s10 =	sld [smem:$0x3FB6];
	_ =	sdelay $0x3  }
0x33: {  	p0 =	seq.s32 s10, $0x1;
	s10 =	sld [smem:$0x3FB8];
	_ =	sdelay $0x3  }
0x34: {  	[smem:$0x3FB8] =	sst s10  }
0x35: {  	s10 =	sld [smem:$0x3FB7];
	_ =	sdelay $0x3  }
0x36: {  	p1 =	seq.s32 s10, $0x1;
	s10 =	sld [smem:$0x3FB8];
	_ =	sdelay $0x3  }
0x37: {  	[smem:$0x3FB8] =	sst s10  }
0x38: {  	s10 =	sld [smem:$0x3FB9]  }
0x39: {  	_ = 	snop;
	(pc) =	sbr.ind lr, $3  }
0x3a: {  	_ = 	snop  }
0x3b: {  	_ = 	snop  }
0x3c: {  	p2 =	seq.s32 s10, $0x1;
	s10 =	sld [smem:$0x3FB8]  }
0x3d: {  	_ =	shalt  }
0x3e: {  	_ =	shalt  }
0x3f: {  	_ =	shalt  }
0x40: {  	_ =	shalt  }
0x41: {  	_ =	shalt  }
0x42: {  	_ =	shalt  }
0x43: {  	_ =	shalt  }
0x44: {  	_ =	shalt  }
0x45: {  	_ =	shalt  }
0x46: {  	_ =	shalt  }
0x47: {  	_ =	shalt  }
0x48: {  	_ =	shalt  }
0x49: {  	_ =	shalt  }
0x4a: {  	_ =	shalt  }
0x4b: {  	_ =	shalt  }
0x4c: {  	_ =	shalt  }
0x4d: {  	_ =	shalt  }
0x4e: {  	_ =	shalt  }
0x4f: {  	_ =	shalt  }
0x50: {  	_ =	shalt  }
0x51: {  	_ =	shalt  }
0x52: {  	_ =	shalt  }
0x53: {  	_ =	shalt  }
0x54: {  	_ =	shalt  }
0x55: {  	_ =	shalt  }
0x56: {  	_ =	shalt  }
0x57: {  	_ =	shalt  }
0x58: {  	_ =	shalt  }
0x59: {  	_ =	shalt  }
0x5a: {  	_ =	shalt  }
0x5b: {  	_ =	shalt  }
0x5c: {  	_ =	shalt  }
0x5d: {  	_ =	shalt  }
0x5e: {  	_ =	shalt  }
0x5f: {  	_ =	shalt  }
0x60: {  	_ =	shalt  }
0x61: {  	_ =	shalt  }
0x62: {  	_ =	shalt  }
0x63: {  	_ =	shalt  }
0x64: {  	_ =	shalt  }
0x65: {  	_ =	shalt  }
0x66: {  	_ =	shalt  }
0x67: {  	_ =	shalt  }
0x68: {  	_ =	shalt  }
0x69: {  	_ =	shalt  }
0x6a: {  	_ =	shalt  }
0x6b: {  	_ =	shalt  }
0x6c: {  	_ =	shalt  }
0x6d: {  	_ =	shalt  }
0x6e: {  	_ =	shalt  }
0x6f: {  	_ =	shalt  }
0x70: {  	_ =	shalt  }
0x71: {  	_ =	shalt  }
0x72: {  	_ =	shalt  }
0x73: {  	_ =	shalt  }
0x74: {  	_ =	shalt  }
0x75: {  	_ =	shalt  }
0x76: {  	_ =	shalt  }
0x77: {  	_ =	shalt  }
0x78: {  	_ =	shalt  }
0x79: {  	_ =	shalt  }
0x7a: {  	_ =	shalt  }
0x7b: {  	_ =	shalt  }
0x7c: {  	_ =	shalt  }
0x7d: {  	_ =	shalt  }
0x7e: {  	_ =	shalt  }
0x7f: {  	_ =	shalt  }
0x80: {  	_ =	shalt  }
0x81: {  	_ =	shalt  }
0x82: {  	_ =	shalt  }
0x83: {  	_ =	shalt  }
0x84: {  	_ =	shalt  }
0x85: {  	_ =	shalt  }
0x86: {  	_ =	shalt  }
0x87: {  	_ =	shalt  }
.Lfunc_end0:
.L_simem_size_0:
called_computation_lowered:
.L_overlay_start_0:
0x88: {  	s2 =	sld [smem:$0x3FD9]  }
0x89: {  	s3 =	sld [smem:$0x3FFE];
	_ =	sdelay $0x1  }
0x8a: {  	s1 =	srdreg.scid  }
0x8b: {  	s0 =	sand.u32 $0x1, s1  }
0x8c: {  	s17 =	sshll.u32 s0, $0xA;
	s2 =	sadd.s32 s3, s2  }
0x8d: {  	s2 =	sadd.s32 s2, s17  }
0x8e: {  	[smem:$0x3FC4] =	sst s2  }
0x8f: {  	_ = 	snop  }
0x90: {  	s2 =	sld [smem:$0x3FC8]  }
0x91: {  	s18 =	sld [smem:$0x3FC7]  }
0x92: {  	s4 =	sld [smem:$0x3FD0];
	(tm) =	ssettm $0x1  }
0x93: {  	s5 =	sld [smem:$0x3FFB];
	_ =	sdelay $0x3  }
0x94: {  	_ =	strace s5  }
0x95: {  	s5 =	sld [smem:$0x3FFC];
	_ =	sdelay $0x3  }
0x96: {  	_ =	strace s5  }
0x97: {  	s5 =	sld [smem:$0x3FFD];
	_ =	sdelay $0x3  }
0x98: {  	_ =	strace s5  }
0x99: {  	_ =	strace $0x8FFFFFFF  }
0x9a: {  	s19 =	sld [smem:$0x3FDB];
	_ =	sdelay $0x1  }
0x9b: {  	s6 =	simm.s32 $_scs_section_size  }
0x9c: {  	s7 =	simm.s32 $_size__tile_overlayer_lowered;
	s8 =	simm.s32 $_tile_overlayer_lowered  }
0x9d: {  	s22 =	simm.s32 $0x1BFF;
	s21 =	sshll.u32 s8, $0x1;
	s5 =	sadd.s32 s6, s19  }
0x9e: {  	s9 =	simm.s32 $0x0;
	s20 =	sshll.u32 s7, $0x1;
	s7 =	sadd.s32 s21, s5  }
0x9f: {  	[timem:s9], [sflag:s22] =	dma.local [hbm:s7], s20  }
0xa0: {  	_ =	swait.ge [sflag:s22], s20  }
0xa1: {  	s6 =	ssub.s32 $0x0, s20;
	[sflag:s22] =	ssyncset.done $0x0  }
0xa2: {  	[sflag:s22] =	ssyncadd.s32 s6;
	_ =	sdelay $0x1  }
0xa3: {  	s23 =	simm.s32 $0x1B8B  }
0xa4: {  	_ =	swait.ge [sflag:s23], $0x1  }
0xa5: {  	[sflag:s23] =	ssyncset.done $0x0  }
0xa6: {  	s25 =	simm.s32 $0x1B8E;
	s24 =	sld [smem:$0x3FFE];
	[sflag:s23] =	ssyncadd.s32 $0xFFFFFFFF  }
0xa7: {  	s26 =	simm.s32 $execute0_lowered;
	[smem:$0x3FD2] =	sst s25  }
0xa8: {  	s7 =	sshll.u32 s26, $0x1;
	_ =	strace $0x80000046;
	[dreg:$0x1] =	wrdreg $0xFFFFFFFF  }
0xa9: {  	s28 =	simm.s32 $_size_execute0_lowered;
	s5 =	sadd.s32 s5, s7;
	[dreg:$0x0] =	wrdreg $0x0  }
0xaa: {  	s7 =	sshll.u32 s28, $0x1;
	[dreg:$0x2] =	wrdreg s5  }
0xab: {  	[dreg:$0x3] =	wrdreg s7  }
0xac: {  	[dreg:$0x4] =	wrdreg $0xC0  }
0xad: {  	_ =	task [dreg:s9], $0x5FFFF  }
0xae: {  	[dreg:$0x1] =	wrdreg $0xFFFFFFFF  }
0xaf: {  	[dreg:$0x0] =	wrdreg $0x60  }
0xb0: {  	[dreg:$0x2] =	wrdreg s4  }
0xb1: {  	[dreg:$0x3] =	wrdreg s2  }
0xb2: {  	[dreg:$0x4] =	wrdreg s18  }
0xb3: {  	[dreg:$0x5] =	wrdreg s24  }
0xb4: {  	[dreg:$0x6] =	wrdreg $0x50000  }
0xb5: {  	[dreg:$0x7] =	wrdreg $0x0  }
0xb6: {  	[dreg:$0x8] =	wrdreg $0xA0000  }
0xb7: {  	[dreg:$0x9] =	wrdreg $0x9  }
0xb8: {  	_ =	task.clear_ibuf [dreg:s9], $0xAFFFF;
	_ =	strace $0x90000046  }
0xb9: {  	s29 =	simm.s32 $0x9;
	_ =	strace $0x80000048  }
0xba: {  	_ =	swait.ge [sflag:s29], $0x1  }
0xbb: {  	[sflag:s29] =	ssyncadd.s32 $0xFFFFFFFF  }
0xbc: {  	_ =	strace $0x90000048  }
0xbd: {  	_ =	sfence  }
0xbe: {  	s30 =	sld [smem:$0x0];
	_ =	sdelay $0x2  }
0xbf: {  	s31 =	sshll.u32 s1, $0xD;
	s1 =	sshrl.u32 s1, $0x2  }
0xc0: {  	s3 =	sand.u32 $0x4000, s31;
	s1 =	sadd.s32 s1, s30  }
0xc1: {  	s0 =	sor.u32 s3, s0;
	s1 =	sshll.u32 s1, $0x11  }
0xc2: {  	s0 =	sor.u32 s1, s0  }
0xc3: {  	s0 =	sadd.s32 $0x8F2B, s0  }
0xc4: {  	[sflag:s0] =	ssyncadd.remote.s32 $0x1  }
0xc5: {  	_ =	sfence.sel $0xFFFF  }
0xc6: {  	[dreg:$0x0] =	wrdreg $0xFFFFFFFF;
	(pc) =	sbr.abs _section_cstart, $3  }
0xc7: {  	[dreg:$0x1] =	wrdreg $0xFFFFFFFF  }
0xc8: {  	_ =	task.clear_ibuf [dreg:s9], $0x2FFFF;
	_ =	strace $0x9FFFFFFF  }
0xc9: {  	(tm) =	ssettm $0x7FFFFFFF  }
tec
execute0_lowered:
.L_overlay_start_1:
0x0: {  	(tag) =	ssettag $0x1  }
0x1: {  	s0 =	rddreg [dreg:$0x0]  }
0x2: {  	s1 =	rddreg [dreg:$0x1]  }
0x3: {  	s8 =	rddreg [dreg:$0x2]  }
0x4: {  	s9 =	rddreg [dreg:$0x3]  }
0x5: {  	s2 =	rddreg [dreg:$0x4]  }
0x6: {  	s3 =	rddreg [dreg:$0x5]  }
0x7: {  	s4 =	rddreg [dreg:$0x6]  }
0x8: {  	s13 =	stileid.u32;
	s5 =	simm.s32 $0x0;
	s7 =	srdreg.scid  }
0x9: {  	s31 =	simm.s32 $0x9;
	s30 =	simm.s32 $0x19000;
	s6 =	smul.u32 $0x280, s13  }
0xa: {  	[smem:$0x7FF] =	sst s5;
	s7 =	sand.u32 $0x1, s7;
	s10 =	smul.u32 $0xA00, s13  }
0xb: {  	s12 =	sadd.s32 $0x600, s9;
	s14 =	smul.u32 $0x5000, s13;
	s26 =	sadd.s32 $0x800, s9  }
0xc: {  	s17 =	smul.u32 $0x14000, s13;
	_ =	strace $0x80000047;
	[dreg:$0x8] =	wrdreg s12  }
0xd: {  	s11 =	ssub.s32 $0x2, s7;
	s7 =	smul.u32 $0x50000, s7;
	[dreg:$0x9] =	wrdreg s26  }
0xe: {  	s16 =	sshrl.u32 s11, $0x1;
	s1 =	sadd.s32 s1, s10;
	s18 =	sadd.s32 s8, s10  }
0xf: {  	s20 =	sshrl.u32 s17, $0x2;
	s21 =	sadd.s32 $0x1000, s14;
	s24 =	sadd.s32 $0x2000, s14  }
0x10: {  	s25 =	sadd.s32 $0x3000, s14;
	s15 =	sadd.s32 $0x4000, s14;
	[dreg:$0xa] =	wrdreg s1  }
0x11: {  	s11 =	ssub.s32 s11, s16;
	[dreg:$0xb] =	wrdreg s18;
	s19 =	sadd.s32 s14, s7  }
0x12: {  	s9 =	sadd.s32 s20, s2;
	s22 =	sadd.s32 s7, s21;
	s28 =	sadd.s32 s7, s24  }
0x13: {  	s29 =	sadd.s32 s7, s25;
	s16 =	sadd.s32 s7, s15;
	s10 =	sadd.s32 s21, s3  }
0x14: {  	s8 =	sadd.s32 s25, s3;
	s20 =	sadd.s32 s15, s3;
	s15 =	simm.s32 $0x6  }
0x15: {  	s1 =	sshrl.u32 s19, $0x3;
	s11 =	smax.u32 s11, $0x1;
	s23 =	sshrl.u32 s22, $0x3  }
0x16: {  	s12 =	sshrl.u32 s29, $0x3;
	s17 =	sshrl.u32 s16, $0x3;
	[dreg:$0xc] =	wrdreg s9  }
0x17: {  	s18 =	sadd.s32 $0x1000, s9;
	s19 =	sadd.s32 s14, s3;
	[dreg:$0xd] =	wrdreg s11  }
0x18: {  	s21 =	sshrl.u32 s10, $0x3;
	s25 =	sadd.s32 $0x2000, s9;
	[dreg:$0x13] =	wrdreg s18  }
0x19: {  	s29 =	sadd.s32 $0x4000, s9;
	s10 =	simm.s32 $0x1A000;
	[dreg:$0x15] =	wrdreg s21  }
0x1a: {  	s14 =	simm.s32 $0x1C000;
	s16 =	simm.s32 $0x1;
	[dreg:$0x19] =	wrdreg s25  }
0x1b: {  	s13 =	sadd.s32 s26, s1;
	s1 =	sadd.s32 s0, s1;
	[dreg:$0x1b] =	wrdreg s29  }
0x1c: {  	s11 =	sshrl.u32 s28, $0x3;
	s12 =	sadd.s32 s0, s12;
	[dreg:$0xe] =	wrdreg s1  }
0x1d: {  	s28 =	sadd.s32 $0x3000, s9;
	s18 =	simm.s32 $0x2;
	[dreg:$0x11] =	wrdreg s12  }
0x1e: {  	s21 =	simm.s32 $0x4;
	s1 =	sadd.s32 s0, s23;
	[dreg:$0x1a] =	wrdreg s28  }
0x1f: {  	s9 =	simm.s32 $0x0;
	s11 =	sadd.s32 s0, s11;
	[dreg:$0xf] =	wrdreg s1  }
0x20: {  	s0 =	sadd.s32 s0, s17;
	s23 =	sshrl.u32 s8, $0x3;
	[dreg:$0x10] =	wrdreg s11  }
0x21: {  	s8 =	simm.s32 $0x5;
	s17 =	simm.s32 $0x7;
	[dreg:$0x12] =	wrdreg s0  }
0x22: {  	s1 =	sadd.s32 s24, s3;
	s0 =	sshrl.u32 s19, $0x3;
	[dreg:$0x17] =	wrdreg s23  }
0x23: {  	s24 =	sshrl.u32 s20, $0x3;
	s11 =	simm.s32 $0x1B000;
	[dreg:$0x14] =	wrdreg s0  }
0x24: {  	s19 =	simm.s32 $0x8;
	s22 =	sshrl.u32 s1, $0x3;
	[dreg:$0x18] =	wrdreg s24  }
0x25: {  	v0 =	vimm.f32 $1.000000000e+00;
	s20 =	simm.s32 $0x3;
	s1 =	simm.s32 $0x80;
	[dreg:$0x16] =	wrdreg s22  }
.LBB2_1:
0x26: {  	[dreg:$0x1c] =	wrdreg s9  }
0x27: {  	s0 =	rddreg [dreg:$0x8];
	s24 =	simm.s32 $0x1F800  }
0x28: {  	[tilespmem:s24], [sflag:$0x9] =	stream.linear.gather [hbm4b:s0+s5], $0x100, $0x38;
	[tilespmem:$0x1F900] =	vst v63  }
0x29: {  	_ =	swait.ge [sflag:s31], $0x100  }
0x2a: {  	[sflag:s31] =	ssyncset.done $0x0  }
0x2b: {  	s26 =	simm.s32 $0xF000;
	s25 =	rddreg [dreg:$0xa];
	[sflag:s31] =	ssyncadd.s32 $0xFFFFFF00  }
0x2c: {  	[tilespmem:s26], [sflag:$0x9] =	stream.linear.gather [hbm4b:s25+s5], $0x5000, $0x38;
	[tilespmem:$0x1F900] =	vst v63  }
0x2d: {  	_ =	swait.ge [sflag:s31], $0x5000  }
0x2e: {  	[sflag:s31] =	ssyncset.done $0x0  }
0x2f: {  	s29 =	simm.s32 $0x14000;
	s28 =	rddreg [dreg:$0xb];
	[sflag:s31] =	ssyncadd.s32 $0xFFFFB000  }
0x30: {  	[tilespmem:s29], [sflag:$0x9] =	stream.linear.gather [hbm4b:s28+s5], $0x5000, $0x38;
	[tilespmem:$0x1F900] =	vst v63  }
0x31: {  	_ =	swait.ge [sflag:s31], $0x5000  }
0x32: {  	[sflag:s31] =	ssyncset.done $0x0  }
0x33: {  	s12 =	simm.s32 $0x0;
	s0 =	simm.s32 $0x80;
	[sflag:s31] =	ssyncadd.s32 $0xFFFFB000  }
.LBB2_2:
0x34: {  	p0 =	sne.s32 s0, $0x3F80;
	[tilespmem:s12+$0x19000] =	vst v0;
	s22 =	smov.u32 s0;
	s0 =	sadd.s32 $0x80, s0  }
.Ltmp0:
0x35: {  	[tilespmem:s12+$0x19010] =	vst v0;
	(pc) =	sbr.rel @p0 .LBB2_2-.Ltmp0, $2  }
0x36: {  	_ =	sdelay $0x2  }
0x37: {  	s12 =	sshra.s32 s22, $0x2  }
0x38: {  	[tilespmem:s12+$0x19000] =	vst v0  }
0x39: {  	[tilespmem:s12+$0x19010] =	vst v0;
	s0 =	rddreg [dreg:$0xc]  }
0x3a: {  	[spmem:s0] =	stream.linear.scatter [tilespmem:s30], [sflag:$0x9], $0x1000, $0x38;
	[tilespmem:$0x1F900] =	vst v63  }
0x3b: {  	_ =	swait.ge [sflag:s31], $0x1000  }
0x3c: {  	[sflag:s31] =	ssyncset.done $0x0  }
0x3d: {  	s28 =	rddreg [dreg:$0x13];
	[sflag:s31] =	ssyncadd.s32 $0xFFFFF000  }
0x3e: {  	[spmem:s28] =	stream.linear.scatter [tilespmem:s30], [sflag:$0x9], $0x1000, $0x38;
	[tilespmem:$0x1F900] =	vst v63  }
0x3f: {  	_ =	swait.ge [sflag:s31], $0x1000  }
0x40: {  	[sflag:s31] =	ssyncset.done $0x0  }
0x41: {  	s29 =	rddreg [dreg:$0x19];
	[sflag:s31] =	ssyncadd.s32 $0xFFFFF000  }
0x42: {  	[spmem:s29] =	stream.linear.scatter [tilespmem:s30], [sflag:$0x9], $0x1000, $0x38;
	[tilespmem:$0x1F900] =	vst v63  }
0x43: {  	_ =	swait.ge [sflag:s31], $0x1000  }
0x44: {  	[sflag:s31] =	ssyncset.done $0x0  }
0x45: {  	s9 =	rddreg [dreg:$0x1a];
	[sflag:s31] =	ssyncadd.s32 $0xFFFFF000  }
0x46: {  	[spmem:s9] =	stream.linear.scatter [tilespmem:s30], [sflag:$0x9], $0x1000, $0x38;
	[tilespmem:$0x1F900] =	vst v63  }
0x47: {  	_ =	swait.ge [sflag:s31], $0x1000  }
0x48: {  	[sflag:s31] =	ssyncset.done $0x0  }
0x49: {  	s12 =	rddreg [dreg:$0x1b];
	[sflag:s31] =	ssyncadd.s32 $0xFFFFF000  }
0x4a: {  	[spmem:s12] =	stream.linear.scatter [tilespmem:s30], [sflag:$0x9], $0x1000, $0x38;
	[tilespmem:$0x1F900] =	vst v63  }
0x4b: {  	_ =	swait.ge [sflag:s31], $0x1000  }
0x4c: {  	[sflag:s31] =	ssyncset.done $0x0  }
0x4d: {  	[sflag:s31] =	ssyncadd.s32 $0xFFFFF000  }
0x4e: {  	s22 =	simm.s32 $0x14000;
	[bflag:$0x0] =	sbarrier.arrive $0xFFFF  }
0x4f: {  	[spmem:s2] =	stream.indirect.scatter.add.f32 [tilespmem:s30], [sflag:$0x5], $0x20, s22, s1, $0xb8;
	[tilespmem:$0x1F900] =	vst v63  }
0x50: {  	s23 =	simm.s32 $0x14080  }
0x51: {  	[spmem:s2] =	stream.indirect.scatter.add.f32 [tilespmem:s30], [sflag:$0x5], $0x20, s23, s1, $0xb8;
	[tilespmem:$0x1F900] =	vst v63  }
0x52: {  	s24 =	simm.s32 $0x14100  }
0x53: {  	[spmem:s2] =	stream.indirect.scatter.add.f32 [tilespmem:s30], [sflag:$0x5], $0x20, s24, s1, $0xb8;
	[tilespmem:$0x1F900] =	vst v63  }
0x54: {  	s25 =	simm.s32 $0x14180  }
0x55: {  	[spmem:s2] =	stream.indirect.scatter.add.f32 [tilespmem:s30], [sflag:$0x5], $0x20, s25, s1, $0xb8;
	[tilespmem:$0x1F900] =	vst v63  }
0x56: {  	s26 =	simm.s32 $0x14200  }
0x57: {  	[spmem:s2] =	stream.indirect.scatter.add.f32 [tilespmem:s30], [sflag:$0x5], $0x20, s26, s1, $0xb8;
	[tilespmem:$0x1F900] =	vst v63  }
0x58: {  	s28 =	simm.s32 $0x14280  }
0x59: {  	[spmem:s2] =	stream.indirect.scatter.add.f32 [tilespmem:s30], [sflag:$0x5], $0x20, s28, s1, $0xb8;
	[tilespmem:$0x1F900] =	vst v63  }
0x5a: {  	s29 =	simm.s32 $0x14300  }
0x5b: {  	[spmem:s2] =	stream.indirect.scatter.add.f32 [tilespmem:s30], [sflag:$0x5], $0x20, s29, s1, $0xb8;
	[tilespmem:$0x1F900] =	vst v63  }
0x5c: {  	s9 =	simm.s32 $0x14380  }
0x5d: {  	[spmem:s2] =	stream.indirect.scatter.add.f32 [tilespmem:s30], [sflag:$0x5], $0x20, s9, s1, $0xb8;
	[tilespmem:$0x1F900] =	vst v63  }
0x5e: {  	s12 =	simm.s32 $0x14400  }
0x5f: {  	[spmem:s2] =	stream.indirect.scatter.add.f32 [tilespmem:s30], [sflag:$0x5], $0x20, s12, s1, $0xb8;
	[tilespmem:$0x1F900] =	vst v63  }
0x60: {  	s22 =	simm.s32 $0x14480  }
0x61: {  	[spmem:s2] =	stream.indirect.scatter.add.f32 [tilespmem:s30], [sflag:$0x5], $0x20, s22, s1, $0xb8;
	[tilespmem:$0x1F900] =	vst v63  }
0x62: {  	s23 =	simm.s32 $0x14500  }
0x63: {  	[spmem:s2] =	stream.indirect.scatter.add.f32 [tilespmem:s30], [sflag:$0x5], $0x20, s23, s1, $0xb8;
	[tilespmem:$0x1F900] =	vst v63  }
0x64: {  	s24 =	simm.s32 $0x14580  }
0x65: {  	[spmem:s2] =	stream.indirect.scatter.add.f32 [tilespmem:s30], [sflag:$0x5], $0x20, s24, s1, $0xb8;
	[tilespmem:$0x1F900] =	vst v63  }
0x66: {  	s25 =	simm.s32 $0x14600  }
0x67: {  	[spmem:s2] =	stream.indirect.scatter.add.f32 [tilespmem:s30], [sflag:$0x5], $0x20, s25, s1, $0xb8;
	[tilespmem:$0x1F900] =	vst v63  }
0x68: {  	s26 =	simm.s32 $0x14680  }
0x69: {  	[spmem:s2] =	stream.indirect.scatter.add.f32 [tilespmem:s30], [sflag:$0x5], $0x20, s26, s1, $0xb8;
	[tilespmem:$0x1F900] =	vst v63  }
0x6a: {  	s28 =	simm.s32 $0x14700  }
0x6b: {  	[spmem:s2] =	stream.indirect.scatter.add.f32 [tilespmem:s30], [sflag:$0x5], $0x20, s28, s1, $0xb8;
	[tilespmem:$0x1F900] =	vst v63  }
0x6c: {  	s29 =	simm.s32 $0x14780  }
0x6d: {  	[spmem:s2] =	stream.indirect.scatter.add.f32 [tilespmem:s30], [sflag:$0x5], $0x20, s29, s1, $0xb8;
	[tilespmem:$0x1F900] =	vst v63  }
0x6e: {  	_ =	swait.ge [sflag:s8], $0x1000  }
0x6f: {  	[sflag:s8] =	ssyncset.done $0x0  }
0x70: {  	[sflag:s8] =	ssyncadd.s32 $0xFFFFF000  }
0x71: {  	_ =	swait.ge [sflag:s8], $0x1000  }
0x72: {  	[sflag:s8] =	ssyncset.done $0x0  }
0x73: {  	[sflag:s8] =	ssyncadd.s32 $0xFFFFF000  }
0x74: {  	_ =	swait.ge [sflag:s8], $0x1000  }
0x75: {  	[sflag:s8] =	ssyncset.done $0x0  }
0x76: {  	[sflag:s8] =	ssyncadd.s32 $0xFFFFF000  }
0x77: {  	_ =	swait.ge [sflag:s8], $0x1000  }
0x78: {  	[sflag:s8] =	ssyncset.done $0x0  }
0x79: {  	[sflag:s8] =	ssyncadd.s32 $0xFFFFF000  }
0x7a: {  	_ =	swait.ge [sflag:s8], $0x1000  }
0x7b: {  	[sflag:s8] =	ssyncset.done $0x0  }
0x7c: {  	[sflag:s8] =	ssyncadd.s32 $0xFFFFF000  }
0x7d: {  	_ =	swait.ge [sflag:s8], $0x1000  }
0x7e: {  	[sflag:s8] =	ssyncset.done $0x0  }
0x7f: {  	[sflag:s8] =	ssyncadd.s32 $0xFFFFF000  }
0x80: {  	_ =	swait.ge [sflag:s8], $0x1000  }
0x81: {  	[sflag:s8] =	ssyncset.done $0x0  }
0x82: {  	[sflag:s8] =	ssyncadd.s32 $0xFFFFF000  }
0x83: {  	_ =	swait.ge [sflag:s8], $0x1000  }
0x84: {  	[sflag:s8] =	ssyncset.done $0x0  }
0x85: {  	[sflag:s8] =	ssyncadd.s32 $0xFFFFF000  }
0x86: {  	_ =	swait.ge [sflag:s8], $0x1000  }
0x87: {  	[sflag:s8] =	ssyncset.done $0x0  }
0x88: {  	[sflag:s8] =	ssyncadd.s32 $0xFFFFF000  }
0x89: {  	_ =	swait.ge [sflag:s8], $0x1000  }
0x8a: {  	[sflag:s8] =	ssyncset.done $0x0  }
0x8b: {  	[sflag:s8] =	ssyncadd.s32 $0xFFFFF000  }
0x8c: {  	_ =	swait.ge [sflag:s8], $0x1000  }
0x8d: {  	[sflag:s8] =	ssyncset.done $0x0  }
0x8e: {  	[sflag:s8] =	ssyncadd.s32 $0xFFFFF000  }
0x8f: {  	_ =	swait.ge [sflag:s8], $0x1000  }
0x90: {  	[sflag:s8] =	ssyncset.done $0x0  }
0x91: {  	[sflag:s8] =	ssyncadd.s32 $0xFFFFF000  }
0x92: {  	_ =	swait.ge [sflag:s8], $0x1000  }
0x93: {  	[sflag:s8] =	ssyncset.done $0x0  }
0x94: {  	[sflag:s8] =	ssyncadd.s32 $0xFFFFF000  }
0x95: {  	_ =	swait.ge [sflag:s8], $0x1000  }
0x96: {  	[sflag:s8] =	ssyncset.done $0x0  }
0x97: {  	[sflag:s8] =	ssyncadd.s32 $0xFFFFF000  }
0x98: {  	_ =	swait.ge [sflag:s8], $0x1000  }
0x99: {  	[sflag:s8] =	ssyncset.done $0x0  }
0x9a: {  	[sflag:s8] =	ssyncadd.s32 $0xFFFFF000  }
0x9b: {  	_ =	swait.ge [sflag:s8], $0x1000  }
0x9c: {  	s0 =	simm.s32 $0x4000;
	s25 =	simm.s32 $0x800;
	[sflag:s8] =	ssyncset.done $0x0  }
.LBB2_4:
0x9d: {  	s12 =	sadd.s32 $0x14000, s25  }
0x9e: {  	[sflag:s8] =	ssyncadd.s32 $0xFFFFF000;
	s24 =	smov.u32 s0;
	s23 =	sadd.s32 $0x2000, s0  }
0x9f: {  	[spmem:s2] =	stream.indirect.scatter.add.f32 [tilespmem:s30], [sflag:$0x5], $0x20, s12, s1, $0xb8;
	[tilespmem:$0x1F900] =	vst v63  }
0xa0: {  	p0 =	sne.s32 s0, $0x12000;
	s0 =	sadd.s32 $0x14080, s25  }
0xa1: {  	[spmem:s2] =	stream.indirect.scatter.add.f32 [tilespmem:s30], [sflag:$0x5], $0x20, s0, s1, $0xb8;
	[tilespmem:$0x1F900] =	vst v63  }
0xa2: {  	s0 =	sadd.s32 $0x14100, s25  }
0xa3: {  	[spmem:s2] =	stream.indirect.scatter.add.f32 [tilespmem:s30], [sflag:$0x5], $0x20, s0, s1, $0xb8;
	[tilespmem:$0x1F900] =	vst v63  }
0xa4: {  	s0 =	sadd.s32 $0x14180, s25  }
0xa5: {  	[spmem:s2] =	stream.indirect.scatter.add.f32 [tilespmem:s30], [sflag:$0x5], $0x20, s0, s1, $0xb8;
	[tilespmem:$0x1F900] =	vst v63  }
0xa6: {  	s0 =	sadd.s32 $0x14200, s25  }
0xa7: {  	[spmem:s2] =	stream.indirect.scatter.add.f32 [tilespmem:s30], [sflag:$0x5], $0x20, s0, s1, $0xb8;
	[tilespmem:$0x1F900] =	vst v63  }
0xa8: {  	s0 =	sadd.s32 $0x14280, s25  }
0xa9: {  	[spmem:s2] =	stream.indirect.scatter.add.f32 [tilespmem:s30], [sflag:$0x5], $0x20, s0, s1, $0xb8;
	[tilespmem:$0x1F900] =	vst v63  }
0xaa: {  	s0 =	sadd.s32 $0x14300, s25  }
0xab: {  	[spmem:s2] =	stream.indirect.scatter.add.f32 [tilespmem:s30], [sflag:$0x5], $0x20, s0, s1, $0xb8;
	[tilespmem:$0x1F900] =	vst v63  }
0xac: {  	s0 =	sadd.s32 $0x14380, s25  }
0xad: {  	[spmem:s2] =	stream.indirect.scatter.add.f32 [tilespmem:s30], [sflag:$0x5], $0x20, s0, s1, $0xb8;
	[tilespmem:$0x1F900] =	vst v63  }
0xae: {  	s0 =	sadd.s32 $0x14400, s25  }
0xaf: {  	[spmem:s2] =	stream.indirect.scatter.add.f32 [tilespmem:s30], [sflag:$0x5], $0x20, s0, s1, $0xb8;
	[tilespmem:$0x1F900] =	vst v63  }
0xb0: {  	s0 =	sadd.s32 $0x14480, s25  }
0xb1: {  	[spmem:s2] =	stream.indirect.scatter.add.f32 [tilespmem:s30], [sflag:$0x5], $0x20, s0, s1, $0xb8;
	[tilespmem:$0x1F900] =	vst v63  }
0xb2: {  	s0 =	sadd.s32 $0x14500, s25  }
0xb3: {  	[spmem:s2] =	stream.indirect.scatter.add.f32 [tilespmem:s30], [sflag:$0x5], $0x20, s0, s1, $0xb8;
	[tilespmem:$0x1F900] =	vst v63  }
0xb4: {  	s0 =	sadd.s32 $0x14580, s25  }
0xb5: {  	[spmem:s2] =	stream.indirect.scatter.add.f32 [tilespmem:s30], [sflag:$0x5], $0x20, s0, s1, $0xb8;
	[tilespmem:$0x1F900] =	vst v63  }
0xb6: {  	s0 =	sadd.s32 $0x14600, s25  }
0xb7: {  	[spmem:s2] =	stream.indirect.scatter.add.f32 [tilespmem:s30], [sflag:$0x5], $0x20, s0, s1, $0xb8;
	[tilespmem:$0x1F900] =	vst v63  }
0xb8: {  	s0 =	sadd.s32 $0x14680, s25  }
0xb9: {  	[spmem:s2] =	stream.indirect.scatter.add.f32 [tilespmem:s30], [sflag:$0x5], $0x20, s0, s1, $0xb8;
	[tilespmem:$0x1F900] =	vst v63  }
0xba: {  	s0 =	sadd.s32 $0x14700, s25  }
0xbb: {  	[spmem:s2] =	stream.indirect.scatter.add.f32 [tilespmem:s30], [sflag:$0x5], $0x20, s0, s1, $0xb8;
	[tilespmem:$0x1F900] =	vst v63  }
0xbc: {  	s0 =	sadd.s32 $0x14780, s25  }
0xbd: {  	[spmem:s2] =	stream.indirect.scatter.add.f32 [tilespmem:s30], [sflag:$0x5], $0x20, s0, s1, $0xb8;
	[tilespmem:$0x1F900] =	vst v63  }
0xbe: {  	_ =	swait.ge [sflag:s8], $0x1000  }
0xbf: {  	[sflag:s8] =	ssyncset.done $0x0  }
0xc0: {  	[sflag:s8] =	ssyncadd.s32 $0xFFFFF000  }
0xc1: {  	_ =	swait.ge [sflag:s8], $0x1000  }
0xc2: {  	[sflag:s8] =	ssyncset.done $0x0  }
0xc3: {  	[sflag:s8] =	ssyncadd.s32 $0xFFFFF000  }
0xc4: {  	_ =	swait.ge [sflag:s8], $0x1000  }
0xc5: {  	[sflag:s8] =	ssyncset.done $0x0  }
0xc6: {  	[sflag:s8] =	ssyncadd.s32 $0xFFFFF000  }
0xc7: {  	_ =	swait.ge [sflag:s8], $0x1000  }
0xc8: {  	[sflag:s8] =	ssyncset.done $0x0  }
0xc9: {  	[sflag:s8] =	ssyncadd.s32 $0xFFFFF000  }
0xca: {  	_ =	swait.ge [sflag:s8], $0x1000  }
0xcb: {  	[sflag:s8] =	ssyncset.done $0x0  }
0xcc: {  	[sflag:s8] =	ssyncadd.s32 $0xFFFFF000  }
0xcd: {  	_ =	swait.ge [sflag:s8], $0x1000  }
0xce: {  	[sflag:s8] =	ssyncset.done $0x0  }
0xcf: {  	[sflag:s8] =	ssyncadd.s32 $0xFFFFF000  }
0xd0: {  	_ =	swait.ge [sflag:s8], $0x1000  }
0xd1: {  	[sflag:s8] =	ssyncset.done $0x0  }
0xd2: {  	[sflag:s8] =	ssyncadd.s32 $0xFFFFF000  }
0xd3: {  	_ =	swait.ge [sflag:s8], $0x1000  }
0xd4: {  	[sflag:s8] =	ssyncset.done $0x0  }
0xd5: {  	[sflag:s8] =	ssyncadd.s32 $0xFFFFF000  }
0xd6: {  	_ =	swait.ge [sflag:s8], $0x1000  }
0xd7: {  	[sflag:s8] =	ssyncset.done $0x0  }
0xd8: {  	[sflag:s8] =	ssyncadd.s32 $0xFFFFF000  }
0xd9: {  	_ =	swait.ge [sflag:s8], $0x1000  }
0xda: {  	[sflag:s8] =	ssyncset.done $0x0  }
0xdb: {  	[sflag:s8] =	ssyncadd.s32 $0xFFFFF000  }
0xdc: {  	_ =	swait.ge [sflag:s8], $0x1000  }
0xdd: {  	[sflag:s8] =	ssyncset.done $0x0  }
0xde: {  	[sflag:s8] =	ssyncadd.s32 $0xFFFFF000  }
0xdf: {  	_ =	swait.ge [sflag:s8], $0x1000  }
0xe0: {  	[sflag:s8] =	ssyncset.done $0x0  }
0xe1: {  	[sflag:s8] =	ssyncadd.s32 $0xFFFFF000  }
0xe2: {  	_ =	swait.ge [sflag:s8], $0x1000  }
0xe3: {  	[sflag:s8] =	ssyncset.done $0x0  }
0xe4: {  	[sflag:s8] =	ssyncadd.s32 $0xFFFFF000  }
0xe5: {  	_ =	swait.ge [sflag:s8], $0x1000  }
0xe6: {  	[sflag:s8] =	ssyncset.done $0x0  }
0xe7: {  	[sflag:s8] =	ssyncadd.s32 $0xFFFFF000  }
.Ltmp1:
0xe8: {  	_ =	swait.ge [sflag:s8], $0x1000;
	(pc) =	sbr.rel @p0 .LBB2_4-.Ltmp1, $4  }
0xe9: {  	[sflag:s8] =	ssyncset.done $0x0  }
0xea: {  	[sflag:s8] =	ssyncadd.s32 $0xFFFFF000  }
0xeb: {  	_ =	swait.ge [sflag:s8], $0x1000  }
0xec: {  	s25 =	sshra.s32 s24, $0x2;
	s0 =	smov.u32 s23;
	[sflag:s8] =	ssyncset.done $0x0  }
0xed: {  	s0 =	sadd.s32 $0x14000, s25;
	[sflag:s8] =	ssyncadd.s32 $0xFFFFF000  }
0xee: {  	[spmem:s2] =	stream.indirect.scatter.add.f32 [tilespmem:s30], [sflag:$0x5], $0x20, s0, s1, $0xb8;
	[tilespmem:$0x1F900] =	vst v63  }
0xef: {  	s12 =	sadd.s32 $0x14080, s25  }
0xf0: {  	[spmem:s2] =	stream.indirect.scatter.add.f32 [tilespmem:s30], [sflag:$0x5], $0x20, s12, s1, $0xb8;
	[tilespmem:$0x1F900] =	vst v63  }
0xf1: {  	s22 =	sadd.s32 $0x14100, s25  }
0xf2: {  	[spmem:s2] =	stream.indirect.scatter.add.f32 [tilespmem:s30], [sflag:$0x5], $0x20, s22, s1, $0xb8;
	[tilespmem:$0x1F900] =	vst v63  }
0xf3: {  	s23 =	sadd.s32 $0x14180, s25  }
0xf4: {  	[spmem:s2] =	stream.indirect.scatter.add.f32 [tilespmem:s30], [sflag:$0x5], $0x20, s23, s1, $0xb8;
	[tilespmem:$0x1F900] =	vst v63  }
0xf5: {  	s24 =	sadd.s32 $0x14200, s25  }
0xf6: {  	[spmem:s2] =	stream.indirect.scatter.add.f32 [tilespmem:s30], [sflag:$0x5], $0x20, s24, s1, $0xb8;
	[tilespmem:$0x1F900] =	vst v63  }
0xf7: {  	s26 =	sadd.s32 $0x14280, s25  }
0xf8: {  	[spmem:s2] =	stream.indirect.scatter.add.f32 [tilespmem:s30], [sflag:$0x5], $0x20, s26, s1, $0xb8;
	[tilespmem:$0x1F900] =	vst v63  }
0xf9: {  	s28 =	sadd.s32 $0x14300, s25  }
0xfa: {  	[spmem:s2] =	stream.indirect.scatter.add.f32 [tilespmem:s30], [sflag:$0x5], $0x20, s28, s1, $0xb8;
	[tilespmem:$0x1F900] =	vst v63  }
0xfb: {  	s29 =	sadd.s32 $0x14380, s25  }
0xfc: {  	[spmem:s2] =	stream.indirect.scatter.add.f32 [tilespmem:s30], [sflag:$0x5], $0x20, s29, s1, $0xb8;
	[tilespmem:$0x1F900] =	vst v63  }
0xfd: {  	s9 =	sadd.s32 $0x14400, s25  }
0xfe: {  	[spmem:s2] =	stream.indirect.scatter.add.f32 [tilespmem:s30], [sflag:$0x5], $0x20, s9, s1, $0xb8;
	[tilespmem:$0x1F900] =	vst v63  }
0xff: {  	s12 =	sadd.s32 $0x14480, s25  }
0x100: {  	[spmem:s2] =	stream.indirect.scatter.add.f32 [tilespmem:s30], [sflag:$0x5], $0x20, s12, s1, $0xb8;
	[tilespmem:$0x1F900] =	vst v63  }
0x101: {  	s22 =	sadd.s32 $0x14500, s25  }
0x102: {  	[spmem:s2] =	stream.indirect.scatter.add.f32 [tilespmem:s30], [sflag:$0x5], $0x20, s22, s1, $0xb8;
	[tilespmem:$0x1F900] =	vst v63  }
0x103: {  	s23 =	sadd.s32 $0x14580, s25  }
0x104: {  	[spmem:s2] =	stream.indirect.scatter.add.f32 [tilespmem:s30], [sflag:$0x5], $0x20, s23, s1, $0xb8;
	[tilespmem:$0x1F900] =	vst v63  }
0x105: {  	s24 =	sadd.s32 $0x14600, s25  }
0x106: {  	[spmem:s2] =	stream.indirect.scatter.add.f32 [tilespmem:s30], [sflag:$0x5], $0x20, s24, s1, $0xb8;
	[tilespmem:$0x1F900] =	vst v63  }
0x107: {  	s26 =	sadd.s32 $0x14680, s25  }
0x108: {  	[spmem:s2] =	stream.indirect.scatter.add.f32 [tilespmem:s30], [sflag:$0x5], $0x20, s26, s1, $0xb8;
	[tilespmem:$0x1F900] =	vst v63  }
0x109: {  	s28 =	sadd.s32 $0x14700, s25  }
0x10a: {  	[spmem:s2] =	stream.indirect.scatter.add.f32 [tilespmem:s30], [sflag:$0x5], $0x20, s28, s1, $0xb8;
	[tilespmem:$0x1F900] =	vst v63  }
0x10b: {  	s29 =	sadd.s32 $0x14780, s25  }
0x10c: {  	[spmem:s2] =	stream.indirect.scatter.add.f32 [tilespmem:s30], [sflag:$0x5], $0x20, s29, s1, $0xb8;
	[tilespmem:$0x1F900] =	vst v63  }
0x10d: {  	_ =	swait.ge [sflag:s8], $0x1000  }
0x10e: {  	[sflag:s8] =	ssyncset.done $0x0  }
0x10f: {  	[sflag:s8] =	ssyncadd.s32 $0xFFFFF000  }
0x110: {  	_ =	swait.ge [sflag:s8], $0x1000  }
0x111: {  	[sflag:s8] =	ssyncset.done $0x0  }
0x112: {  	[sflag:s8] =	ssyncadd.s32 $0xFFFFF000  }
0x113: {  	_ =	swait.ge [sflag:s8], $0x1000  }
0x114: {  	[sflag:s8] =	ssyncset.done $0x0  }
0x115: {  	[sflag:s8] =	ssyncadd.s32 $0xFFFFF000  }
0x116: {  	_ =	swait.ge [sflag:s8], $0x1000  }
0x117: {  	[sflag:s8] =	ssyncset.done $0x0  }
0x118: {  	[sflag:s8] =	ssyncadd.s32 $0xFFFFF000  }
0x119: {  	_ =	swait.ge [sflag:s8], $0x1000  }
0x11a: {  	[sflag:s8] =	ssyncset.done $0x0  }
0x11b: {  	[sflag:s8] =	ssyncadd.s32 $0xFFFFF000  }
0x11c: {  	_ =	swait.ge [sflag:s8], $0x1000  }
0x11d: {  	[sflag:s8] =	ssyncset.done $0x0  }
0x11e: {  	[sflag:s8] =	ssyncadd.s32 $0xFFFFF000  }
0x11f: {  	_ =	swait.ge [sflag:s8], $0x1000  }
0x120: {  	[sflag:s8] =	ssyncset.done $0x0  }
0x121: {  	[sflag:s8] =	ssyncadd.s32 $0xFFFFF000  }
0x122: {  	_ =	swait.ge [sflag:s8], $0x1000  }
0x123: {  	[sflag:s8] =	ssyncset.done $0x0  }
0x124: {  	[sflag:s8] =	ssyncadd.s32 $0xFFFFF000  }
0x125: {  	_ =	swait.ge [sflag:s8], $0x1000  }
0x126: {  	[sflag:s8] =	ssyncset.done $0x0  }
0x127: {  	[sflag:s8] =	ssyncadd.s32 $0xFFFFF000  }
0x128: {  	_ =	swait.ge [sflag:s8], $0x1000  }
0x129: {  	[sflag:s8] =	ssyncset.done $0x0  }
0x12a: {  	[sflag:s8] =	ssyncadd.s32 $0xFFFFF000  }
0x12b: {  	_ =	swait.ge [sflag:s8], $0x1000  }
0x12c: {  	[sflag:s8] =	ssyncset.done $0x0  }
0x12d: {  	[sflag:s8] =	ssyncadd.s32 $0xFFFFF000  }
0x12e: {  	_ =	swait.ge [sflag:s8], $0x1000  }
0x12f: {  	[sflag:s8] =	ssyncset.done $0x0  }
0x130: {  	[sflag:s8] =	ssyncadd.s32 $0xFFFFF000  }
0x131: {  	_ =	swait.ge [sflag:s8], $0x1000  }
0x132: {  	[sflag:s8] =	ssyncset.done $0x0  }
0x133: {  	[sflag:s8] =	ssyncadd.s32 $0xFFFFF000  }
0x134: {  	_ =	swait.ge [sflag:s8], $0x1000  }
0x135: {  	[sflag:s8] =	ssyncset.done $0x0  }
0x136: {  	[sflag:s8] =	ssyncadd.s32 $0xFFFFF000  }
0x137: {  	_ =	swait.ge [sflag:s8], $0x1000  }
0x138: {  	[sflag:s8] =	ssyncset.done $0x0  }
0x139: {  	[sflag:s8] =	ssyncadd.s32 $0xFFFFF000  }
0x13a: {  	s9 =	stileid.u32;
	_ =	swait.ge [sflag:s8], $0x1000  }
0x13b: {  	s0 =	sshll.u32 s9, $0x6;
	[sflag:s8] =	ssyncset.done $0x0;
	s9 =	rddreg [dreg:$0xe]  }
0x13c: {  	s0 =	sor.u32 $0x1C09, s0;
	s12 =	rddreg [dreg:$0x14];
	[sflag:s8] =	ssyncadd.s32 $0xFFFFF000  }
0x13d: {  	[spmem:s12], [sflag:s0] =	dma.local [hbm:s9], $0x200  }
0x13e: {  	_ =	swait.ge [sflag:s31], $0x200  }
0x13f: {  	[sflag:s31] =	ssyncset.done $0x0;
	s12 =	rddreg [dreg:$0xf]  }
0x140: {  	s22 =	rddreg [dreg:$0x15];
	[sflag:s31] =	ssyncadd.s32 $0xFFFFFE00  }
0x141: {  	[spmem:s22], [sflag:s0] =	dma.local [hbm:s12], $0x200  }
0x142: {  	_ =	swait.ge [sflag:s31], $0x200  }
0x143: {  	[sflag:s31] =	ssyncset.done $0x0;
	s23 =	rddreg [dreg:$0x10]  }
0x144: {  	s24 =	rddreg [dreg:$0x16];
	[sflag:s31] =	ssyncadd.s32 $0xFFFFFE00  }
0x145: {  	[spmem:s24], [sflag:s0] =	dma.local [hbm:s23], $0x200  }
0x146: {  	_ =	swait.ge [sflag:s31], $0x200  }
0x147: {  	[sflag:s31] =	ssyncset.done $0x0;
	s25 =	rddreg [dreg:$0x11]  }
0x148: {  	s26 =	rddreg [dreg:$0x17];
	[sflag:s31] =	ssyncadd.s32 $0xFFFFFE00  }
0x149: {  	[spmem:s26], [sflag:s0] =	dma.local [hbm:s25], $0x200  }
0x14a: {  	_ =	swait.ge [sflag:s31], $0x200  }
0x14b: {  	[sflag:s31] =	ssyncset.done $0x0;
	s28 =	rddreg [dreg:$0x12]  }
0x14c: {  	s29 =	rddreg [dreg:$0x18];
	[sflag:s31] =	ssyncadd.s32 $0xFFFFFE00  }
0x14d: {  	[spmem:s29], [sflag:s0] =	dma.local [hbm:s28], $0x200  }
0x14e: {  	_ =	swait.ge [sflag:s31], $0x200  }
0x14f: {  	[sflag:s31] =	ssyncset.done $0x0  }
0x150: {  	[sflag:s31] =	ssyncadd.s32 $0xFFFFFE00  }
0x151: {  	[bflag:$0x0] =	sbarrier.arrive $0xFFFF  }
0x152: {  	v1 =	vld [tilespmem:$0x1F800];
	_ =	sdelay $0x2  }
0x153: {  	s12 =	simm.s32 $0x1D000;
	s23 =	simm.s32 $0x0  }
.LBB2_6:
0x154: {  	s0 =	sshll.u32 s23, $0x7  }
0x155: {  	s0 =	sadd.s32 s6, s0  }
0x156: {  	s25 =	sshll.u32 s0, $0x5  }
0x157: {  	s26 =	sadd.s32 s25, s2  }
0x158: {  	[tilespmem:s30], [sflag:$0x9] =	stream.linear.gather [spmem:s26], $0x1000, $0x38;
	[tilespmem:$0x1F900] =	vst v63  }
0x159: {  	_ =	swait.ge [sflag:s31], $0x1000  }
0x15a: {  	[sflag:s31] =	ssyncset.done $0x0  }
0x15b: {  	s28 =	sadd.s32 s25, s3;
	[sflag:s31] =	ssyncadd.s32 $0xFFFFF000  }
0x15c: {  	[tilespmem:s10], [sflag:$0x9] =	stream.linear.gather [spmem:s28], $0x1000, $0x38;
	[tilespmem:$0x1F900] =	vst v63  }
0x15d: {  	_ =	swait.ge [sflag:s31], $0x1000  }
0x15e: {  	[sflag:s31] =	ssyncset.done $0x0  }
0x15f: {  	s29 =	simm.s32 $0x0;
	[sflag:s31] =	ssyncadd.s32 $0xFFFFF000  }
0x160: {  	v2 =	vld [tilespmem:s29+$0x19000];
	_ =	sdelay $0x4  }
0x161: {  	v3 =	vshra.s32 v2, $0x1;
	v2 =	vmul.f32 $5.000000000e-01, v2  }
0x162: {  	v3 =	vsub.s32 $0x5F3759DF, v3  }
0x163: {  	v4 =	vmul.f32 v3, v2;
	_ =	sdelay $0x1  }
0x164: {  	v4 =	vmul.f32 v3, v4;
	_ =	sdelay $0x1  }
0x165: {  	v4 =	vsub.f32 $1.500000000e+00, v4;
	_ =	sdelay $0x1  }
0x166: {  	v3 =	vmul.f32 v3, v4;
	_ =	sdelay $0x1  }
0x167: {  	v4 =	vmul.f32 v3, v2;
	_ =	sdelay $0x1  }
0x168: {  	v4 =	vmul.f32 v4, v3;
	_ =	sdelay $0x1  }
0x169: {  	v4 =	vsub.f32 $1.500000000e+00, v4;
	_ =	sdelay $0x1  }
0x16a: {  	v3 =	vmul.f32 v4, v3;
	_ =	sdelay $0x1  }
0x16b: {  	v2 =	vmul.f32 v3, v2;
	_ =	sdelay $0x1  }
0x16c: {  	v2 =	vmul.f32 v2, v3;
	_ =	sdelay $0x1  }
0x16d: {  	v2 =	vsub.f32 $1.500000000e+00, v2;
	_ =	sdelay $0x1  }
0x16e: {  	v2 =	vmul.f32 v2, v3;
	_ =	sdelay $0x1  }
0x16f: {  	[tilespmem:s12+$0x0] =	vst v2  }
0x170: {  	v4 =	vld [tilespmem:s29+$0x1A000]  }
0x171: {  	v3 =	vld [tilespmem:s29+$0x1A010];
	_ =	sdelay $0x3  }
0x172: {  	s22 =	simm.s32 $0x80;
	s24 =	smov.u32 s12;
	s0 =	simm.s32 $0x100;
	v4 =	vmul.f32 v2, v4  }
.LBB2_7:
0x173: {  	p0 =	sne.s32 s0, $0x3F80;
	v2 =	vmul.f32 v2, v3  }
0x174: {  	s9 =	sshra.s32 s22, $0x2;
	s22 =	smov.u32 s0;
	[tilespmem:s29+$0x19000] =	vst v4;
	v3 =	vmul.f32 v4, v1  }
0x175: {  	v4 =	vld [tilespmem:s9+$0x19000];
	[tilespmem:s29+$0x19010] =	vst v2;
	v2 =	vmul.f32 v2, v1  }
0x176: {  	[tilespmem:s29+$0x1A000] =	vst v3  }
0x177: {  	[tilespmem:s29+$0x1A010] =	vst v2;
	s29 =	smov.u32 s9;
	_ =	sdelay $0x2  }
0x178: {  	v2 =	vshra.s32 v4, $0x1;
	v3 =	vmul.f32 $5.000000000e-01, v4  }
0x179: {  	v2 =	vsub.s32 $0x5F3759DF, v2  }
0x17a: {  	v4 =	vmul.f32 v2, v3;
	_ =	sdelay $0x1  }
0x17b: {  	v4 =	vmul.f32 v2, v4;
	_ =	sdelay $0x1  }
0x17c: {  	v4 =	vsub.f32 $1.500000000e+00, v4;
	_ =	sdelay $0x1  }
0x17d: {  	v2 =	vmul.f32 v2, v4;
	_ =	sdelay $0x1  }
0x17e: {  	v4 =	vmul.f32 v2, v3;
	_ =	sdelay $0x1  }
0x17f: {  	v4 =	vmul.f32 v4, v2;
	_ =	sdelay $0x1  }
0x180: {  	v4 =	vsub.f32 $1.500000000e+00, v4;
	_ =	sdelay $0x1  }
0x181: {  	v2 =	vmul.f32 v4, v2;
	_ =	sdelay $0x1  }
0x182: {  	v3 =	vmul.f32 v2, v3;
	_ =	sdelay $0x1  }
0x183: {  	v3 =	vmul.f32 v3, v2;
	_ =	sdelay $0x1  }
0x184: {  	v3 =	vsub.f32 $1.500000000e+00, v3;
	_ =	sdelay $0x1  }
0x185: {  	v2 =	vmul.f32 v3, v2  }
0x186: {  	s24 =	sadd.s32 $0x10, s24  }
0x187: {  	[tilespmem:s24+$0x0] =	vst v2  }
0x188: {  	v4 =	vld [tilespmem:s29+$0x1A000]  }
.Ltmp2:
0x189: {  	v3 =	vld [tilespmem:s29+$0x1A010];
	(pc) =	sbr.rel @p0 .LBB2_7-.Ltmp2, $2  }
0x18a: {  	_ =	sdelay $0x2  }
0x18b: {  	s0 =	sadd.s32 $0x80, s0;
	v4 =	vmul.f32 v2, v4  }
0x18c: {  	_ = 	snop  }
0x18d: {  	s0 =	sshra.s32 s22, $0x2;
	[tilespmem:s29+$0x19000] =	vst v4  }
0x18e: {  	v5 =	vld [tilespmem:s0+$0x19000];
	_ =	sdelay $0x4  }
0x18f: {  	v6 =	vshra.s32 v5, $0x1;
	v5 =	vmul.f32 $5.000000000e-01, v5  }
0x190: {  	v6 =	vsub.s32 $0x5F3759DF, v6  }
0x191: {  	v7 =	vmul.f32 v6, v5;
	_ =	sdelay $0x1  }
0x192: {  	v7 =	vmul.f32 v6, v7;
	_ =	sdelay $0x1  }
0x193: {  	v7 =	vsub.f32 $1.500000000e+00, v7;
	_ =	sdelay $0x1  }
0x194: {  	v6 =	vmul.f32 v6, v7;
	_ =	sdelay $0x1  }
0x195: {  	v7 =	vmul.f32 v6, v5;
	_ =	sdelay $0x1  }
0x196: {  	v7 =	vmul.f32 v7, v6;
	_ =	sdelay $0x1  }
0x197: {  	v7 =	vsub.f32 $1.500000000e+00, v7;
	_ =	sdelay $0x1  }
0x198: {  	v6 =	vmul.f32 v7, v6;
	_ =	sdelay $0x1  }
0x199: {  	v5 =	vmul.f32 v6, v5;
	_ =	sdelay $0x1  }
0x19a: {  	v5 =	vmul.f32 v5, v6  }
0x19b: {  	v2 =	vmul.f32 v2, v3  }
0x19c: {  	v3 =	vmul.f32 v4, v1;
	v62 =	vsub.f32 $1.500000000e+00, v5  }
0x19d: {  	[tilespmem:s29+$0x19010] =	vst v2;
	v2 =	vmul.f32 v2, v1  }
0x19e: {  	[tilespmem:s29+$0x1A000] =	vst v3;
	v3 =	vmul.f32 v62, v6  }
0x19f: {  	s9 =	sadd.s32 $0x10, s24;
	[tilespmem:s29+$0x1A010] =	vst v2  }
0x1a0: {  	[tilespmem:s9+$0x0] =	vst v3  }
0x1a1: {  	v2 =	vld [tilespmem:s0+$0x1A000]  }
0x1a2: {  	v63 =	vld [tilespmem:s0+$0x1A010];
	_ =	sdelay $0x3  }
0x1a3: {  	v2 =	vmul.f32 v3, v2  }
0x1a4: {  	v3 =	vmul.f32 v3, v63  }
0x1a5: {  	[tilespmem:s0+$0x19000] =	vst v2;
	v2 =	vmul.f32 v2, v1  }
0x1a6: {  	[tilespmem:s0+$0x19010] =	vst v3;
	v3 =	vmul.f32 v3, v1  }
0x1a7: {  	[tilespmem:s0+$0x1A000] =	vst v2  }
0x1a8: {  	[tilespmem:s0+$0x1A010] =	vst v3  }
0x1a9: {  	[spmem:s28] =	stream.linear.scatter [tilespmem:s30], [sflag:$0x9], $0x1000, $0x38;
	[tilespmem:$0x1F900] =	vst v63  }
0x1aa: {  	_ =	swait.ge [sflag:s31], $0x1000  }
0x1ab: {  	[sflag:s31] =	ssyncset.done $0x0  }
0x1ac: {  	[sflag:s31] =	ssyncadd.s32 $0xFFFFF000  }
0x1ad: {  	[spmem:s26] =	stream.linear.scatter [tilespmem:s30], [sflag:$0x9], $0x1000, $0x38;
	[tilespmem:$0x1F900] =	vst v63  }
0x1ae: {  	s23 =	sadd.s32 $0x1, s23;
	_ =	swait.ge [sflag:s31], $0x1000  }
0x1af: {  	p0 =	seq.s32 s23, $0x5;
	[sflag:s31] =	ssyncset.done $0x0  }
.Ltmp3:
0x1b0: {  	s29 =	sadd.s32 s25, s4;
	[sflag:s31] =	ssyncadd.s32 $0xFFFFF000;
	(pc) =	sbr.rel @!p0 .LBB2_6-.Ltmp3, $4  }
0x1b1: {  	[spmem:s29] =	stream.linear.scatter [tilespmem:s10], [sflag:$0x9], $0x1000, $0x38;
	[tilespmem:$0x1F900] =	vst v63  }
0x1b2: {  	_ =	swait.ge [sflag:s31], $0x1000  }
0x1b3: {  	[sflag:s31] =	ssyncset.done $0x0  }
0x1b4: {  	s12 =	sadd.s32 $0x800, s12;
	[sflag:s31] =	ssyncadd.s32 $0xFFFFF000  }
0x1b5: {  	s23 =	simm.s32 $0x0  }
.LBB2_10:
0x1b6: {  	[bflag:$0x0] =	sbarrier.arrive $0xFFFF  }
0x1b7: {  	[hbm4b:s13+s5] =	stream.linear.scatter [tilespmem:s10], [sflag:$0x6], $0x1000, $0x38;
	[tilespmem:$0x1F900] =	vst v63  }
0x1b8: {  	_ = 	snop  }
0x1b9: {  	[hbm4b:s13+s5] =	stream.linear.scatter [tilespmem:s11], [sflag:$0x7], $0x1000, $0x38;
	[tilespmem:$0x1F900] =	vst v63  }
0x1ba: {  	_ = 	snop  }
0x1bb: {  	[hbm4b:s13+s5] =	stream.linear.scatter [tilespmem:s14], [sflag:$0x8], $0x1000, $0x38;
	[tilespmem:$0x1F900] =	vst v63  }
0x1bc: {  	s0 =	simm.s32 $0xF000  }
0x1bd: {  	[tilespmem:s30], [sflag:$0x1] =	stream.indirect.gather [spmem:s3], $0x20, s0, s1, $0xb8;
	[tilespmem:$0x1F900] =	vst v63  }
0x1be: {  	_ =	swait.ge [sflag:s15], $0x1000  }
0x1bf: {  	[sflag:s15] =	ssyncset.done $0x0  }
0x1c0: {  	s24 =	simm.s32 $0xF080;
	[sflag:s15] =	ssyncadd.s32 $0xFFFFF000  }
0x1c1: {  	[tilespmem:s10], [sflag:$0x2] =	stream.indirect.gather [spmem:s3], $0x20, s24, s1, $0xb8;
	[tilespmem:$0x1F900] =	vst v63  }
0x1c2: {  	_ =	swait.ge [sflag:s16], $0x1000  }
0x1c3: {  	[sflag:s16] =	ssyncset.done $0x0  }
0x1c4: {  	s25 =	simm.s32 $0x14000;
	[sflag:s16] =	ssyncadd.s32 $0xFFFFF000  }
0x1c5: {  	[spmem:s2] =	stream.indirect.scatter.add.f32 [tilespmem:s30], [sflag:$0x5], $0x20, s25, s1, $0xb8;
	[tilespmem:$0x1F900] =	vst v63  }
0x1c6: {  	_ =	swait.ge [sflag:s17], $0x1000  }
0x1c7: {  	[sflag:s17] =	ssyncset.done $0x0  }
0x1c8: {  	s26 =	simm.s32 $0xF100;
	[sflag:s17] =	ssyncadd.s32 $0xFFFFF000  }
0x1c9: {  	[tilespmem:s11], [sflag:$0x3] =	stream.indirect.gather [spmem:s3], $0x20, s26, s1, $0xb8;
	[tilespmem:$0x1F900] =	vst v63  }
0x1ca: {  	_ =	swait.ge [sflag:s18], $0x1000  }
0x1cb: {  	[sflag:s18] =	ssyncset.done $0x0  }
0x1cc: {  	s28 =	simm.s32 $0x14080;
	[sflag:s18] =	ssyncadd.s32 $0xFFFFF000  }
0x1cd: {  	[spmem:s2] =	stream.indirect.scatter.add.f32 [tilespmem:s10], [sflag:$0x6], $0x20, s28, s1, $0xb8;
	[tilespmem:$0x1F900] =	vst v63  }
0x1ce: {  	_ =	swait.ge [sflag:s19], $0x1000  }
0x1cf: {  	[sflag:s19] =	ssyncset.done $0x0  }
0x1d0: {  	s29 =	simm.s32 $0xF180;
	[sflag:s19] =	ssyncadd.s32 $0xFFFFF000  }
0x1d1: {  	[tilespmem:s14], [sflag:$0x4] =	stream.indirect.gather [spmem:s3], $0x20, s29, s1, $0xb8;
	[tilespmem:$0x1F900] =	vst v63  }
0x1d2: {  	_ =	swait.ge [sflag:s20], $0x1000  }
0x1d3: {  	[sflag:s20] =	ssyncset.done $0x0  }
0x1d4: {  	s9 =	simm.s32 $0x14100;
	[sflag:s20] =	ssyncadd.s32 $0xFFFFF000  }
0x1d5: {  	[spmem:s2] =	stream.indirect.scatter.add.f32 [tilespmem:s11], [sflag:$0x7], $0x20, s9, s1, $0xb8;
	[tilespmem:$0x1F900] =	vst v63  }
0x1d6: {  	_ =	swait.ge [sflag:s8], $0x1000  }
0x1d7: {  	[sflag:s8] =	ssyncset.done $0x0  }
0x1d8: {  	s12 =	simm.s32 $0xF200;
	[sflag:s8] =	ssyncadd.s32 $0xFFFFF000  }
0x1d9: {  	[tilespmem:s30], [sflag:$0x1] =	stream.indirect.gather [spmem:s3], $0x20, s12, s1, $0xb8;
	[tilespmem:$0x1F900] =	vst v63  }
0x1da: {  	_ =	swait.ge [sflag:s21], $0x1000  }
0x1db: {  	[sflag:s21] =	ssyncset.done $0x0  }
0x1dc: {  	s22 =	simm.s32 $0x14180;
	[sflag:s21] =	ssyncadd.s32 $0xFFFFF000  }
0x1dd: {  	[spmem:s2] =	stream.indirect.scatter.add.f32 [tilespmem:s14], [sflag:$0x8], $0x20, s22, s1, $0xb8;
	[tilespmem:$0x1F900] =	vst v63  }
0x1de: {  	_ =	swait.ge [sflag:s15], $0x1000  }
0x1df: {  	[sflag:s15] =	ssyncset.done $0x0  }
0x1e0: {  	s24 =	simm.s32 $0xF280;
	[sflag:s15] =	ssyncadd.s32 $0xFFFFF000  }
0x1e1: {  	[tilespmem:s10], [sflag:$0x2] =	stream.indirect.gather [spmem:s3], $0x20, s24, s1, $0xb8;
	[tilespmem:$0x1F900] =	vst v63  }
0x1e2: {  	_ =	swait.ge [sflag:s16], $0x1000  }
0x1e3: {  	[sflag:s16] =	ssyncset.done $0x0  }
0x1e4: {  	s25 =	simm.s32 $0x14200;
	[sflag:s16] =	ssyncadd.s32 $0xFFFFF000  }
0x1e5: {  	[spmem:s2] =	stream.indirect.scatter.add.f32 [tilespmem:s30], [sflag:$0x5], $0x20, s25, s1, $0xb8;
	[tilespmem:$0x1F900] =	vst v63  }
0x1e6: {  	_ =	swait.ge [sflag:s17], $0x1000  }
0x1e7: {  	[sflag:s17] =	ssyncset.done $0x0  }
0x1e8: {  	s26 =	simm.s32 $0xF300;
	[sflag:s17] =	ssyncadd.s32 $0xFFFFF000  }
0x1e9: {  	[tilespmem:s11], [sflag:$0x3] =	stream.indirect.gather [spmem:s3], $0x20, s26, s1, $0xb8;
	[tilespmem:$0x1F900] =	vst v63  }
0x1ea: {  	_ =	swait.ge [sflag:s18], $0x1000  }
0x1eb: {  	[sflag:s18] =	ssyncset.done $0x0  }
0x1ec: {  	s28 =	simm.s32 $0x14280;
	[sflag:s18] =	ssyncadd.s32 $0xFFFFF000  }
0x1ed: {  	[spmem:s2] =	stream.indirect.scatter.add.f32 [tilespmem:s10], [sflag:$0x6], $0x20, s28, s1, $0xb8;
	[tilespmem:$0x1F900] =	vst v63  }
0x1ee: {  	_ =	swait.ge [sflag:s19], $0x1000  }
0x1ef: {  	[sflag:s19] =	ssyncset.done $0x0  }
0x1f0: {  	s29 =	simm.s32 $0xF380;
	[sflag:s19] =	ssyncadd.s32 $0xFFFFF000  }
0x1f1: {  	[tilespmem:s14], [sflag:$0x4] =	stream.indirect.gather [spmem:s3], $0x20, s29, s1, $0xb8;
	[tilespmem:$0x1F900] =	vst v63  }
0x1f2: {  	_ =	swait.ge [sflag:s20], $0x1000  }
0x1f3: {  	[sflag:s20] =	ssyncset.done $0x0  }
0x1f4: {  	s9 =	simm.s32 $0x14300;
	[sflag:s20] =	ssyncadd.s32 $0xFFFFF000  }
0x1f5: {  	[spmem:s2] =	stream.indirect.scatter.add.f32 [tilespmem:s11], [sflag:$0x7], $0x20, s9, s1, $0xb8;
	[tilespmem:$0x1F900] =	vst v63  }
0x1f6: {  	_ =	swait.ge [sflag:s8], $0x1000  }
0x1f7: {  	[sflag:s8] =	ssyncset.done $0x0  }
0x1f8: {  	s12 =	simm.s32 $0xF400;
	[sflag:s8] =	ssyncadd.s32 $0xFFFFF000  }
0x1f9: {  	[tilespmem:s30], [sflag:$0x1] =	stream.indirect.gather [spmem:s3], $0x20, s12, s1, $0xb8;
	[tilespmem:$0x1F900] =	vst v63  }
0x1fa: {  	_ =	swait.ge [sflag:s21], $0x1000  }
0x1fb: {  	[sflag:s21] =	ssyncset.done $0x0  }
0x1fc: {  	s22 =	simm.s32 $0x14380;
	[sflag:s21] =	ssyncadd.s32 $0xFFFFF000  }
0x1fd: {  	[spmem:s2] =	stream.indirect.scatter.add.f32 [tilespmem:s14], [sflag:$0x8], $0x20, s22, s1, $0xb8;
	[tilespmem:$0x1F900] =	vst v63  }
0x1fe: {  	_ =	swait.ge [sflag:s15], $0x1000  }
0x1ff: {  	[sflag:s15] =	ssyncset.done $0x0  }
0x200: {  	s24 =	simm.s32 $0xF480;
	[sflag:s15] =	ssyncadd.s32 $0xFFFFF000  }
0x201: {  	[tilespmem:s10], [sflag:$0x2] =	stream.indirect.gather [spmem:s3], $0x20, s24, s1, $0xb8;
	[tilespmem:$0x1F900] =	vst v63  }
0x202: {  	_ =	swait.ge [sflag:s16], $0x1000  }
0x203: {  	[sflag:s16] =	ssyncset.done $0x0  }
0x204: {  	s25 =	simm.s32 $0x14400;
	[sflag:s16] =	ssyncadd.s32 $0xFFFFF000  }
0x205: {  	[spmem:s2] =	stream.indirect.scatter.add.f32 [tilespmem:s30], [sflag:$0x5], $0x20, s25, s1, $0xb8;
	[tilespmem:$0x1F900] =	vst v63  }
0x206: {  	_ =	swait.ge [sflag:s17], $0x1000  }
0x207: {  	[sflag:s17] =	ssyncset.done $0x0  }
0x208: {  	s26 =	simm.s32 $0xF500;
	[sflag:s17] =	ssyncadd.s32 $0xFFFFF000  }
0x209: {  	[tilespmem:s11], [sflag:$0x3] =	stream.indirect.gather [spmem:s3], $0x20, s26, s1, $0xb8;
	[tilespmem:$0x1F900] =	vst v63  }
0x20a: {  	_ =	swait.ge [sflag:s18], $0x1000  }
0x20b: {  	[sflag:s18] =	ssyncset.done $0x0  }
0x20c: {  	s28 =	simm.s32 $0x14480;
	[sflag:s18] =	ssyncadd.s32 $0xFFFFF000  }
0x20d: {  	[spmem:s2] =	stream.indirect.scatter.add.f32 [tilespmem:s10], [sflag:$0x6], $0x20, s28, s1, $0xb8;
	[tilespmem:$0x1F900] =	vst v63  }
0x20e: {  	_ =	swait.ge [sflag:s19], $0x1000  }
0x20f: {  	[sflag:s19] =	ssyncset.done $0x0  }
0x210: {  	s29 =	simm.s32 $0xF580;
	[sflag:s19] =	ssyncadd.s32 $0xFFFFF000  }
0x211: {  	[tilespmem:s14], [sflag:$0x4] =	stream.indirect.gather [spmem:s3], $0x20, s29, s1, $0xb8;
	[tilespmem:$0x1F900] =	vst v63  }
0x212: {  	_ =	swait.ge [sflag:s20], $0x1000  }
0x213: {  	[sflag:s20] =	ssyncset.done $0x0  }
0x214: {  	s9 =	simm.s32 $0x14500;
	[sflag:s20] =	ssyncadd.s32 $0xFFFFF000  }
0x215: {  	[spmem:s2] =	stream.indirect.scatter.add.f32 [tilespmem:s11], [sflag:$0x7], $0x20, s9, s1, $0xb8;
	[tilespmem:$0x1F900] =	vst v63  }
0x216: {  	_ =	swait.ge [sflag:s8], $0x1000  }
0x217: {  	[sflag:s8] =	ssyncset.done $0x0  }
0x218: {  	s12 =	simm.s32 $0xF600;
	[sflag:s8] =	ssyncadd.s32 $0xFFFFF000  }
0x219: {  	[tilespmem:s30], [sflag:$0x1] =	stream.indirect.gather [spmem:s3], $0x20, s12, s1, $0xb8;
	[tilespmem:$0x1F900] =	vst v63  }
0x21a: {  	_ =	swait.ge [sflag:s21], $0x1000  }
0x21b: {  	[sflag:s21] =	ssyncset.done $0x0  }
0x21c: {  	s22 =	simm.s32 $0x14580;
	[sflag:s21] =	ssyncadd.s32 $0xFFFFF000  }
0x21d: {  	[spmem:s2] =	stream.indirect.scatter.add.f32 [tilespmem:s14], [sflag:$0x8], $0x20, s22, s1, $0xb8;
	[tilespmem:$0x1F900] =	vst v63  }
0x21e: {  	_ =	swait.ge [sflag:s15], $0x1000  }
0x21f: {  	[sflag:s15] =	ssyncset.done $0x0  }
0x220: {  	s24 =	simm.s32 $0xF680;
	[sflag:s15] =	ssyncadd.s32 $0xFFFFF000  }
0x221: {  	[tilespmem:s10], [sflag:$0x2] =	stream.indirect.gather [spmem:s3], $0x20, s24, s1, $0xb8;
	[tilespmem:$0x1F900] =	vst v63  }
0x222: {  	_ =	swait.ge [sflag:s16], $0x1000  }
0x223: {  	[sflag:s16] =	ssyncset.done $0x0  }
0x224: {  	s25 =	simm.s32 $0x14600;
	[sflag:s16] =	ssyncadd.s32 $0xFFFFF000  }
0x225: {  	[spmem:s2] =	stream.indirect.scatter.add.f32 [tilespmem:s30], [sflag:$0x5], $0x20, s25, s1, $0xb8;
	[tilespmem:$0x1F900] =	vst v63  }
0x226: {  	_ =	swait.ge [sflag:s17], $0x1000  }
0x227: {  	[sflag:s17] =	ssyncset.done $0x0  }
0x228: {  	s26 =	simm.s32 $0xF700;
	[sflag:s17] =	ssyncadd.s32 $0xFFFFF000  }
0x229: {  	[tilespmem:s11], [sflag:$0x3] =	stream.indirect.gather [spmem:s3], $0x20, s26, s1, $0xb8;
	[tilespmem:$0x1F900] =	vst v63  }
0x22a: {  	_ =	swait.ge [sflag:s18], $0x1000  }
0x22b: {  	[sflag:s18] =	ssyncset.done $0x0  }
0x22c: {  	s28 =	simm.s32 $0x14680;
	[sflag:s18] =	ssyncadd.s32 $0xFFFFF000  }
0x22d: {  	[spmem:s2] =	stream.indirect.scatter.add.f32 [tilespmem:s10], [sflag:$0x6], $0x20, s28, s1, $0xb8;
	[tilespmem:$0x1F900] =	vst v63  }
0x22e: {  	_ =	swait.ge [sflag:s19], $0x1000  }
0x22f: {  	[sflag:s19] =	ssyncset.done $0x0  }
0x230: {  	s29 =	simm.s32 $0xF780;
	[sflag:s19] =	ssyncadd.s32 $0xFFFFF000  }
0x231: {  	[tilespmem:s14], [sflag:$0x4] =	stream.indirect.gather [spmem:s3], $0x20, s29, s1, $0xb8;
	[tilespmem:$0x1F900] =	vst v63  }
0x232: {  	_ =	swait.ge [sflag:s20], $0x1000  }
0x233: {  	p0 =	por $0x0, $0x0;
	[sflag:s20] =	ssyncset.done $0x0  }
0x234: {  	s0 =	simm.s32 $0x2000;
	s9 =	simm.s32 $0x14700;
	[sflag:s20] =	ssyncadd.s32 $0xFFFFF000  }
0x235: {  	[spmem:s2] =	stream.indirect.scatter.add.f32 [tilespmem:s11], [sflag:$0x7], $0x20, s9, s1, $0xb8;
	[tilespmem:$0x1F900] =	vst v63  }
0x236: {  	s0 =	simm.s32 @p0 $0x0;
	_ =	swait.ge [sflag:s8], $0x1000  }
0x237: {  	s0 =	sshra.s32 s0, $0x2;
	[sflag:s8] =	ssyncset.done $0x0  }
0x238: {  	s0 =	sadd.s32 $0xF000, s0;
	[sflag:s8] =	ssyncadd.s32 $0xFFFFF000  }
0x239: {  	[tilespmem:s30], [sflag:$0x1] =	stream.indirect.gather [spmem:s3], $0x20, s0, s1, $0xb8;
	[tilespmem:$0x1F900] =	vst v63  }
0x23a: {  	_ =	swait.ge [sflag:s21], $0x1000  }
0x23b: {  	[sflag:s21] =	ssyncset.done $0x0  }
0x23c: {  	s24 =	simm.s32 $0x4000;
	s0 =	simm.s32 $0x14780;
	[sflag:s21] =	ssyncadd.s32 $0xFFFFF000  }
.LBB2_11:
0x23d: {  	[spmem:s2] =	stream.indirect.scatter.add.f32 [tilespmem:s14], [sflag:$0x8], $0x20, s0, s1, $0xb8;
	[tilespmem:$0x1F900] =	vst v63  }
0x23e: {  	s26 =	smov.u32 s24  }
0x23f: {  	p0 =	sne.s32 s24, $0x14000;
	s24 =	sadd.s32 $0x2000, s24;
	_ =	swait.ge [sflag:s15], $0x1000  }
0x240: {  	s25 =	sshra.s32 s26, $0x2;
	[sflag:s15] =	ssyncset.done $0x0  }
0x241: {  	s0 =	sadd.s32 $0xE880, s25;
	[sflag:s15] =	ssyncadd.s32 $0xFFFFF000  }
0x242: {  	[tilespmem:s10], [sflag:$0x2] =	stream.indirect.gather [spmem:s3], $0x20, s0, s1, $0xb8;
	[tilespmem:$0x1F900] =	vst v63  }
0x243: {  	_ =	swait.ge [sflag:s16], $0x1000  }
0x244: {  	[sflag:s16] =	ssyncset.done $0x0  }
0x245: {  	s0 =	sadd.s32 $0x13800, s25;
	[sflag:s16] =	ssyncadd.s32 $0xFFFFF000  }
0x246: {  	[spmem:s2] =	stream.indirect.scatter.add.f32 [tilespmem:s30], [sflag:$0x5], $0x20, s0, s1, $0xb8;
	[tilespmem:$0x1F900] =	vst v63  }
0x247: {  	_ =	swait.ge [sflag:s17], $0x1000  }
0x248: {  	[sflag:s17] =	ssyncset.done $0x0  }
0x249: {  	s0 =	sadd.s32 $0xE900, s25;
	[sflag:s17] =	ssyncadd.s32 $0xFFFFF000  }
0x24a: {  	[tilespmem:s11], [sflag:$0x3] =	stream.indirect.gather [spmem:s3], $0x20, s0, s1, $0xb8;
	[tilespmem:$0x1F900] =	vst v63  }
0x24b: {  	_ =	swait.ge [sflag:s18], $0x1000  }
0x24c: {  	[sflag:s18] =	ssyncset.done $0x0  }
0x24d: {  	s0 =	sadd.s32 $0x13880, s25;
	[sflag:s18] =	ssyncadd.s32 $0xFFFFF000  }
0x24e: {  	[spmem:s2] =	stream.indirect.scatter.add.f32 [tilespmem:s10], [sflag:$0x6], $0x20, s0, s1, $0xb8;
	[tilespmem:$0x1F900] =	vst v63  }
0x24f: {  	_ =	swait.ge [sflag:s19], $0x1000  }
0x250: {  	[sflag:s19] =	ssyncset.done $0x0  }
0x251: {  	s0 =	sadd.s32 $0xE980, s25;
	[sflag:s19] =	ssyncadd.s32 $0xFFFFF000  }
0x252: {  	[tilespmem:s14], [sflag:$0x4] =	stream.indirect.gather [spmem:s3], $0x20, s0, s1, $0xb8;
	[tilespmem:$0x1F900] =	vst v63  }
0x253: {  	_ =	swait.ge [sflag:s20], $0x1000  }
0x254: {  	[sflag:s20] =	ssyncset.done $0x0  }
0x255: {  	s0 =	sadd.s32 $0x13900, s25;
	[sflag:s20] =	ssyncadd.s32 $0xFFFFF000  }
0x256: {  	[spmem:s2] =	stream.indirect.scatter.add.f32 [tilespmem:s11], [sflag:$0x7], $0x20, s0, s1, $0xb8;
	[tilespmem:$0x1F900] =	vst v63  }
0x257: {  	_ =	swait.ge [sflag:s8], $0x1000  }
0x258: {  	[sflag:s8] =	ssyncset.done $0x0  }
0x259: {  	s0 =	sadd.s32 $0xEA00, s25;
	[sflag:s8] =	ssyncadd.s32 $0xFFFFF000  }
0x25a: {  	[tilespmem:s30], [sflag:$0x1] =	stream.indirect.gather [spmem:s3], $0x20, s0, s1, $0xb8;
	[tilespmem:$0x1F900] =	vst v63  }
0x25b: {  	_ =	swait.ge [sflag:s21], $0x1000  }
0x25c: {  	[sflag:s21] =	ssyncset.done $0x0  }
0x25d: {  	s0 =	sadd.s32 $0x13980, s25;
	[sflag:s21] =	ssyncadd.s32 $0xFFFFF000  }
0x25e: {  	[spmem:s2] =	stream.indirect.scatter.add.f32 [tilespmem:s14], [sflag:$0x8], $0x20, s0, s1, $0xb8;
	[tilespmem:$0x1F900] =	vst v63  }
0x25f: {  	_ =	swait.ge [sflag:s15], $0x1000  }
0x260: {  	[sflag:s15] =	ssyncset.done $0x0  }
0x261: {  	s0 =	sadd.s32 $0xEA80, s25;
	[sflag:s15] =	ssyncadd.s32 $0xFFFFF000  }
0x262: {  	[tilespmem:s10], [sflag:$0x2] =	stream.indirect.gather [spmem:s3], $0x20, s0, s1, $0xb8;
	[tilespmem:$0x1F900] =	vst v63  }
0x263: {  	_ =	swait.ge [sflag:s16], $0x1000  }
0x264: {  	[sflag:s16] =	ssyncset.done $0x0  }
0x265: {  	s0 =	sadd.s32 $0x13A00, s25;
	[sflag:s16] =	ssyncadd.s32 $0xFFFFF000  }
0x266: {  	[spmem:s2] =	stream.indirect.scatter.add.f32 [tilespmem:s30], [sflag:$0x5], $0x20, s0, s1, $0xb8;
	[tilespmem:$0x1F900] =	vst v63  }
0x267: {  	_ =	swait.ge [sflag:s17], $0x1000  }
0x268: {  	[sflag:s17] =	ssyncset.done $0x0  }
0x269: {  	s0 =	sadd.s32 $0xEB00, s25;
	[sflag:s17] =	ssyncadd.s32 $0xFFFFF000  }
0x26a: {  	[tilespmem:s11], [sflag:$0x3] =	stream.indirect.gather [spmem:s3], $0x20, s0, s1, $0xb8;
	[tilespmem:$0x1F900] =	vst v63  }
0x26b: {  	_ =	swait.ge [sflag:s18], $0x1000  }
0x26c: {  	[sflag:s18] =	ssyncset.done $0x0  }
0x26d: {  	s0 =	sadd.s32 $0x13A80, s25;
	[sflag:s18] =	ssyncadd.s32 $0xFFFFF000  }
0x26e: {  	[spmem:s2] =	stream.indirect.scatter.add.f32 [tilespmem:s10], [sflag:$0x6], $0x20, s0, s1, $0xb8;
	[tilespmem:$0x1F900] =	vst v63  }
0x26f: {  	_ =	swait.ge [sflag:s19], $0x1000  }
0x270: {  	[sflag:s19] =	ssyncset.done $0x0  }
0x271: {  	s0 =	sadd.s32 $0xEB80, s25;
	[sflag:s19] =	ssyncadd.s32 $0xFFFFF000  }
0x272: {  	[tilespmem:s14], [sflag:$0x4] =	stream.indirect.gather [spmem:s3], $0x20, s0, s1, $0xb8;
	[tilespmem:$0x1F900] =	vst v63  }
0x273: {  	_ =	swait.ge [sflag:s20], $0x1000  }
0x274: {  	[sflag:s20] =	ssyncset.done $0x0  }
0x275: {  	s0 =	sadd.s32 $0x13B00, s25;
	[sflag:s20] =	ssyncadd.s32 $0xFFFFF000  }
0x276: {  	[spmem:s2] =	stream.indirect.scatter.add.f32 [tilespmem:s11], [sflag:$0x7], $0x20, s0, s1, $0xb8;
	[tilespmem:$0x1F900] =	vst v63  }
0x277: {  	_ =	swait.ge [sflag:s8], $0x1000  }
0x278: {  	[sflag:s8] =	ssyncset.done $0x0  }
0x279: {  	s0 =	sadd.s32 $0xEC00, s25;
	[sflag:s8] =	ssyncadd.s32 $0xFFFFF000  }
0x27a: {  	[tilespmem:s30], [sflag:$0x1] =	stream.indirect.gather [spmem:s3], $0x20, s0, s1, $0xb8;
	[tilespmem:$0x1F900] =	vst v63  }
0x27b: {  	_ =	swait.ge [sflag:s21], $0x1000  }
0x27c: {  	[sflag:s21] =	ssyncset.done $0x0  }
0x27d: {  	s0 =	sadd.s32 $0x13B80, s25;
	[sflag:s21] =	ssyncadd.s32 $0xFFFFF000  }
0x27e: {  	[spmem:s2] =	stream.indirect.scatter.add.f32 [tilespmem:s14], [sflag:$0x8], $0x20, s0, s1, $0xb8;
	[tilespmem:$0x1F900] =	vst v63  }
0x27f: {  	_ =	swait.ge [sflag:s15], $0x1000  }
0x280: {  	[sflag:s15] =	ssyncset.done $0x0  }
0x281: {  	s0 =	sadd.s32 $0xEC80, s25;
	[sflag:s15] =	ssyncadd.s32 $0xFFFFF000  }
0x282: {  	[tilespmem:s10], [sflag:$0x2] =	stream.indirect.gather [spmem:s3], $0x20, s0, s1, $0xb8;
	[tilespmem:$0x1F900] =	vst v63  }
0x283: {  	_ =	swait.ge [sflag:s16], $0x1000  }
0x284: {  	[sflag:s16] =	ssyncset.done $0x0  }
0x285: {  	s0 =	sadd.s32 $0x13C00, s25;
	[sflag:s16] =	ssyncadd.s32 $0xFFFFF000  }
0x286: {  	[spmem:s2] =	stream.indirect.scatter.add.f32 [tilespmem:s30], [sflag:$0x5], $0x20, s0, s1, $0xb8;
	[tilespmem:$0x1F900] =	vst v63  }
0x287: {  	_ =	swait.ge [sflag:s17], $0x1000  }
0x288: {  	[sflag:s17] =	ssyncset.done $0x0  }
0x289: {  	s0 =	sadd.s32 $0xED00, s25;
	[sflag:s17] =	ssyncadd.s32 $0xFFFFF000  }
0x28a: {  	[tilespmem:s11], [sflag:$0x3] =	stream.indirect.gather [spmem:s3], $0x20, s0, s1, $0xb8;
	[tilespmem:$0x1F900] =	vst v63  }
0x28b: {  	_ =	swait.ge [sflag:s18], $0x1000  }
0x28c: {  	[sflag:s18] =	ssyncset.done $0x0  }
0x28d: {  	s0 =	sadd.s32 $0x13C80, s25;
	[sflag:s18] =	ssyncadd.s32 $0xFFFFF000  }
0x28e: {  	[spmem:s2] =	stream.indirect.scatter.add.f32 [tilespmem:s10], [sflag:$0x6], $0x20, s0, s1, $0xb8;
	[tilespmem:$0x1F900] =	vst v63  }
0x28f: {  	_ =	swait.ge [sflag:s19], $0x1000  }
0x290: {  	[sflag:s19] =	ssyncset.done $0x0  }
0x291: {  	s0 =	sadd.s32 $0xED80, s25;
	[sflag:s19] =	ssyncadd.s32 $0xFFFFF000  }
0x292: {  	[tilespmem:s14], [sflag:$0x4] =	stream.indirect.gather [spmem:s3], $0x20, s0, s1, $0xb8;
	[tilespmem:$0x1F900] =	vst v63  }
0x293: {  	_ =	swait.ge [sflag:s20], $0x1000  }
0x294: {  	[sflag:s20] =	ssyncset.done $0x0  }
0x295: {  	s0 =	sadd.s32 $0x13D00, s25;
	[sflag:s20] =	ssyncadd.s32 $0xFFFFF000  }
0x296: {  	[spmem:s2] =	stream.indirect.scatter.add.f32 [tilespmem:s11], [sflag:$0x7], $0x20, s0, s1, $0xb8;
	[tilespmem:$0x1F900] =	vst v63  }
0x297: {  	_ =	swait.ge [sflag:s8], $0x1000  }
0x298: {  	[sflag:s8] =	ssyncset.done $0x0  }
0x299: {  	s0 =	sadd.s32 $0xEE00, s25;
	[sflag:s8] =	ssyncadd.s32 $0xFFFFF000  }
0x29a: {  	[tilespmem:s30], [sflag:$0x1] =	stream.indirect.gather [spmem:s3], $0x20, s0, s1, $0xb8;
	[tilespmem:$0x1F900] =	vst v63  }
0x29b: {  	_ =	swait.ge [sflag:s21], $0x1000  }
0x29c: {  	[sflag:s21] =	ssyncset.done $0x0  }
0x29d: {  	s0 =	sadd.s32 $0x13D80, s25;
	[sflag:s21] =	ssyncadd.s32 $0xFFFFF000  }
0x29e: {  	[spmem:s2] =	stream.indirect.scatter.add.f32 [tilespmem:s14], [sflag:$0x8], $0x20, s0, s1, $0xb8;
	[tilespmem:$0x1F900] =	vst v63  }
0x29f: {  	_ =	swait.ge [sflag:s15], $0x1000  }
0x2a0: {  	[sflag:s15] =	ssyncset.done $0x0  }
0x2a1: {  	s0 =	sadd.s32 $0xEE80, s25;
	[sflag:s15] =	ssyncadd.s32 $0xFFFFF000  }
0x2a2: {  	[tilespmem:s10], [sflag:$0x2] =	stream.indirect.gather [spmem:s3], $0x20, s0, s1, $0xb8;
	[tilespmem:$0x1F900] =	vst v63  }
0x2a3: {  	_ =	swait.ge [sflag:s16], $0x1000  }
0x2a4: {  	[sflag:s16] =	ssyncset.done $0x0  }
0x2a5: {  	s0 =	sadd.s32 $0x13E00, s25;
	[sflag:s16] =	ssyncadd.s32 $0xFFFFF000  }
0x2a6: {  	[spmem:s2] =	stream.indirect.scatter.add.f32 [tilespmem:s30], [sflag:$0x5], $0x20, s0, s1, $0xb8;
	[tilespmem:$0x1F900] =	vst v63  }
0x2a7: {  	_ =	swait.ge [sflag:s17], $0x1000  }
0x2a8: {  	[sflag:s17] =	ssyncset.done $0x0  }
0x2a9: {  	s0 =	sadd.s32 $0xEF00, s25;
	[sflag:s17] =	ssyncadd.s32 $0xFFFFF000  }
0x2aa: {  	[tilespmem:s11], [sflag:$0x3] =	stream.indirect.gather [spmem:s3], $0x20, s0, s1, $0xb8;
	[tilespmem:$0x1F900] =	vst v63  }
0x2ab: {  	_ =	swait.ge [sflag:s18], $0x1000  }
0x2ac: {  	[sflag:s18] =	ssyncset.done $0x0  }
0x2ad: {  	s0 =	sadd.s32 $0x13E80, s25;
	[sflag:s18] =	ssyncadd.s32 $0xFFFFF000  }
0x2ae: {  	[spmem:s2] =	stream.indirect.scatter.add.f32 [tilespmem:s10], [sflag:$0x6], $0x20, s0, s1, $0xb8;
	[tilespmem:$0x1F900] =	vst v63  }
0x2af: {  	_ =	swait.ge [sflag:s19], $0x1000  }
0x2b0: {  	[sflag:s19] =	ssyncset.done $0x0  }
0x2b1: {  	s0 =	sadd.s32 $0xEF80, s25;
	[sflag:s19] =	ssyncadd.s32 $0xFFFFF000  }
0x2b2: {  	[tilespmem:s14], [sflag:$0x4] =	stream.indirect.gather [spmem:s3], $0x20, s0, s1, $0xb8;
	[tilespmem:$0x1F900] =	vst v63  }
0x2b3: {  	_ =	swait.ge [sflag:s20], $0x1000  }
0x2b4: {  	[sflag:s20] =	ssyncset.done $0x0  }
0x2b5: {  	p1 =	seq.s32 s26, $0x14000;
	s0 =	sadd.s32 $0x13F00, s25;
	[sflag:s20] =	ssyncadd.s32 $0xFFFFF000  }
0x2b6: {  	[spmem:s2] =	stream.indirect.scatter.add.f32 [tilespmem:s11], [sflag:$0x7], $0x20, s0, s1, $0xb8;
	[tilespmem:$0x1F900] =	vst v63  }
0x2b7: {  	s26 =	simm.s32 @p1 $0x0;
	_ =	swait.ge [sflag:s8], $0x1000  }
0x2b8: {  	s0 =	sshra.s32 s26, $0x2;
	[sflag:s8] =	ssyncset.done $0x0  }
.Ltmp4:
0x2b9: {  	s0 =	sadd.s32 $0xF000, s0;
	[sflag:s8] =	ssyncadd.s32 $0xFFFFF000;
	(pc) =	sbr.rel @p0 .LBB2_11-.Ltmp4, $4  }
0x2ba: {  	[tilespmem:s30], [sflag:$0x1] =	stream.indirect.gather [spmem:s3], $0x20, s0, s1, $0xb8;
	[tilespmem:$0x1F900] =	vst v63  }
0x2bb: {  	_ =	swait.ge [sflag:s21], $0x1000  }
0x2bc: {  	[sflag:s21] =	ssyncset.done $0x0  }
0x2bd: {  	s0 =	sadd.s32 $0x13F80, s25;
	[sflag:s21] =	ssyncadd.s32 $0xFFFFF000  }
0x2be: {  	[spmem:s2] =	stream.indirect.scatter.add.f32 [tilespmem:s14], [sflag:$0x8], $0x20, s0, s1, $0xb8;
	[tilespmem:$0x1F900] =	vst v63  }
0x2bf: {  	_ =	swait.ge [sflag:s16], $0x1000  }
0x2c0: {  	[sflag:s16] =	ssyncset.done $0x0  }
0x2c1: {  	[sflag:s16] =	ssyncadd.s32 $0xFFFFF000  }
0x2c2: {  	_ =	swait.ge [sflag:s15], $0x1000  }
0x2c3: {  	[sflag:s15] =	ssyncset.done $0x0  }
0x2c4: {  	[sflag:s15] =	ssyncadd.s32 $0xFFFFF000  }
0x2c5: {  	_ =	swait.ge [sflag:s17], $0x1000  }
0x2c6: {  	[sflag:s17] =	ssyncset.done $0x0  }
0x2c7: {  	[sflag:s17] =	ssyncadd.s32 $0xFFFFF000  }
0x2c8: {  	_ =	swait.ge [sflag:s19], $0x1000  }
0x2c9: {  	s23 =	sadd.s32 $0x1, s23;
	[sflag:s19] =	ssyncset.done $0x0  }
0x2ca: {  	s29 =	sshll.u32 s23, $0x4;
	[sflag:s19] =	ssyncadd.s32 $0xFFFFF000  }
0x2cb: {  	s0 =	sand.u32 $0x3FFFFFF0, s29;
	[bflag:$0x0] =	sbarrier.arrive $0xFFFF  }
0x2cc: {  	s12 =	simm.s32 $0x0;
	s24 =	simm.s32 $0x1D000;
	v1 =	vld [tilespmem:s0+$0x1F800]  }
.LBB2_13:
0x2cd: {  	s0 =	sshll.u32 s12, $0x7  }
0x2ce: {  	s0 =	sadd.s32 s6, s0  }
0x2cf: {  	s25 =	sshll.u32 s0, $0x5  }
0x2d0: {  	s0 =	sadd.s32 s25, s2  }
0x2d1: {  	[tilespmem:s30], [sflag:$0x9] =	stream.linear.gather [spmem:s0], $0x1000, $0x38;
	[tilespmem:$0x1F900] =	vst v63  }
0x2d2: {  	_ =	swait.ge [sflag:s31], $0x1000  }
0x2d3: {  	[sflag:s31] =	ssyncset.done $0x0  }
0x2d4: {  	s22 =	sadd.s32 s25, s4;
	[sflag:s31] =	ssyncadd.s32 $0xFFFFF000  }
0x2d5: {  	[tilespmem:s10], [sflag:$0x9] =	stream.linear.gather [spmem:s22], $0x1000, $0x38;
	[tilespmem:$0x1F900] =	vst v63  }
0x2d6: {  	_ =	swait.ge [sflag:s31], $0x1000  }
0x2d7: {  	[sflag:s31] =	ssyncset.done $0x0  }
0x2d8: {  	[sflag:s31] =	ssyncadd.s32 $0xFFFFF000  }
0x2d9: {  	s26 =	simm.s32 $0x0;
	s28 =	simm.s32 $0x80;
	s29 =	smov.u32 s24;
	v2 =	vld [tilespmem:s24+$0x0]  }
.LBB2_14:
0x2da: {  	p0 =	sne.s32 s28, $0x3F80;
	v3 =	vld [tilespmem:s26+$0x19010]  }
0x2db: {  	v4 =	vld [tilespmem:s26+$0x19000];
	_ =	sdelay $0x2  }
0x2dc: {  	v2 =	vmul.f32 v2, v2  }
0x2dd: {  	v5 =	vld [tilespmem:s26+$0x1A010]  }
0x2de: {  	v4 =	vmul.f32 v2, v4;
	v6 =	vld [tilespmem:s26+$0x1A000];
	v2 =	vmul.f32 v3, v2;
	_ =	sdelay $0x1  }
0x2df: {  	v3 =	vmax.f32 v4, $0.0e+00;
	v2 =	vmax.f32 v2, $0.0e+00  }
0x2e0: {  	[tilespmem:s26+$0x19000] =	vst v3;
	v3 =	vmul.f32 v3, v1;
	v4 =	vmul.f32 v2, v1  }
0x2e1: {  	[tilespmem:s26+$0x19010] =	vst v2  }
.Ltmp5:
0x2e2: {  	v2 =	vadd.f32 v3, v6;
	v3 =	vadd.f32 v4, v5;
	(pc) =	sbr.rel @p0 .LBB2_14-.Ltmp5, $4  }
0x2e3: {  	_ = 	snop  }
0x2e4: {  	[tilespmem:s26+$0x1A000] =	vst v2  }
0x2e5: {  	s29 =	sadd.s32 $0x10, s29;
	[tilespmem:s26+$0x1A010] =	vst v3  }
0x2e6: {  	s26 =	sshra.s32 s28, $0x2;
	s28 =	sadd.s32 $0x80, s28;
	v2 =	vld [tilespmem:s29+$0x0]  }
0x2e7: {  	_ = 	snop  }
0x2e8: {  	v3 =	vld [tilespmem:s26+$0x19000]  }
0x2e9: {  	v4 =	vld [tilespmem:s26+$0x19010];
	_ =	sdelay $0x1  }
0x2ea: {  	v2 =	vmul.f32 v2, v2;
	_ =	sdelay $0x1  }
0x2eb: {  	v5 =	vld [tilespmem:s26+$0x1A000];
	v3 =	vmul.f32 v2, v3  }
0x2ec: {  	v6 =	vld [tilespmem:s26+$0x1A010];
	v2 =	vmul.f32 v4, v2  }
0x2ed: {  	v3 =	vmax.f32 v3, $0.0e+00  }
0x2ee: {  	v2 =	vmax.f32 v2, $0.0e+00;
	v63 =	vmul.f32 v3, v1  }
0x2ef: {  	v7 =	vmul.f32 v2, v1  }
0x2f0: {  	[tilespmem:s26+$0x19000] =	vst v3;
	v3 =	vadd.f32 v63, v5  }
0x2f1: {  	[tilespmem:s26+$0x19010] =	vst v2;
	v2 =	vadd.f32 v7, v6  }
0x2f2: {  	[tilespmem:s26+$0x1A000] =	vst v3  }
0x2f3: {  	s9 =	sadd.s32 s25, s3;
	[tilespmem:s26+$0x1A010] =	vst v2  }
0x2f4: {  	[spmem:s9] =	stream.linear.scatter [tilespmem:s30], [sflag:$0x9], $0x1000, $0x38;
	[tilespmem:$0x1F900] =	vst v63  }
0x2f5: {  	_ =	swait.ge [sflag:s31], $0x1000  }
0x2f6: {  	[sflag:s31] =	ssyncset.done $0x0  }
0x2f7: {  	[sflag:s31] =	ssyncadd.s32 $0xFFFFF000  }
0x2f8: {  	[spmem:s0] =	stream.linear.scatter [tilespmem:s30], [sflag:$0x9], $0x1000, $0x38;
	[tilespmem:$0x1F900] =	vst v63  }
0x2f9: {  	s12 =	sadd.s32 $0x1, s12;
	_ =	swait.ge [sflag:s31], $0x1000  }
0x2fa: {  	p0 =	seq.s32 s12, $0x5;
	[sflag:s31] =	ssyncset.done $0x0  }
.Ltmp6:
0x2fb: {  	[sflag:s31] =	ssyncadd.s32 $0xFFFFF000;
	(pc) =	sbr.rel @!p0 .LBB2_13-.Ltmp6, $4  }
0x2fc: {  	[spmem:s22] =	stream.linear.scatter [tilespmem:s10], [sflag:$0x9], $0x1000, $0x38;
	[tilespmem:$0x1F900] =	vst v63  }
0x2fd: {  	_ =	swait.ge [sflag:s31], $0x1000  }
0x2fe: {  	[sflag:s31] =	ssyncset.done $0x0  }
0x2ff: {  	s24 =	sadd.s32 $0x800, s24;
	[sflag:s31] =	ssyncadd.s32 $0xFFFFF000  }
0x300: {  	p0 =	seq.s32 s23, $0x8  }
.Ltmp7:
0x301: {  	_ = 	snop;
	(pc) =	sbr.rel @!p0 .LBB2_10-.Ltmp7, $1  }
0x302: {  	_ =	sdelay $0x3  }
0x303: {  	s12 =	simm.s32 $0x0;
	s23 =	simm.s32 $0x1D000;
	s26 =	rddreg [dreg:$0x9]  }
.LBB2_18:
0x304: {  	s0 =	sshll.u32 s12, $0x7  }
0x305: {  	s0 =	sadd.s32 s6, s0  }
0x306: {  	s0 =	sshll.u32 s0, $0x5  }
0x307: {  	v1 =	vmov s23;
	s9 =	sadd.s32 s0, s4  }
0x308: {  	[tilespmem:s10], [sflag:$0x9] =	stream.linear.gather [spmem:s9], $0x1000, $0x38;
	[tilespmem:$0x1F900] =	vst v63  }
0x309: {  	_ =	swait.ge [sflag:s31], $0x1000  }
0x30a: {  	[sflag:s31] =	ssyncset.done $0x0  }
0x30b: {  	s29 =	simm.s32 $0x0;
	[sflag:s31] =	ssyncadd.s32 $0xFFFFF000  }
0x30c: {  	v2 =	vld.idx.msk [tilespmem:v1+s29+$0x0 ss:$0x1], $0xffff;
	_ =	sdelay $0x4  }
0x30d: {  	(erf) = vrcp.f32 v2;
	_ =	sdelay $0x3  }
0x30e: {  	s22 =	simm.s32 $0x1A010  }
0x30f: {  	v2 =	vld [tilespmem:s22+$0xFFFFFFF0]  }
0x310: {  	v3 =	vld [tilespmem:s22+$0x0];
	_ =	sdelay $0x2  }
0x311: {  	v4 =	vpop (erf)  }
0x312: {  	v2 =	vmul.f32 v4, v2  }
0x313: {  	v3 =	vmul.f32 v3, v4  }
0x314: {  	[tilespmem:s22+$0xFFFFFFF0] =	vst v2  }
0x315: {  	s25 =	simm.s32 $0x10;
	s24 =	simm.s32 $0x80;
	[tilespmem:s22+$0x0] =	vst v3  }
.LBB2_19:
0x316: {  	p0 =	sne.s32 s24, $0x1FC0;
	v2 =	vld.idx.msk [tilespmem:v1+s25+$0x0 ss:$0x1], $0xffff;
	_ =	sdelay $0x5  }
0x317: {  	(erf) = vrcp.f32 v2;
	_ =	sdelay $0x2  }
0x318: {  	s22 =	sadd.s32 $0x20, s22  }
0x319: {  	v2 =	vld [tilespmem:s22+$0xFFFFFFF0]  }
0x31a: {  	v3 =	vld [tilespmem:s22+$0x0];
	_ =	sdelay $0x3  }
.Ltmp8:
0x31b: {  	v4 =	vpop (erf);
	(pc) =	sbr.rel @p0 .LBB2_19-.Ltmp8, $3  }
0x31c: {  	v2 =	vmul.f32 v4, v2;
	v3 =	vmul.f32 v3, v4;
	_ =	sdelay $0x1  }
0x31d: {  	[tilespmem:s22+$0xFFFFFFF0] =	vst v2  }
0x31e: {  	s25 =	sshra.s32 s24, $0x2;
	s24 =	sadd.s32 $0x40, s24;
	[tilespmem:s22+$0x0] =	vst v3  }
0x31f: {  	_ =	sdelay $0x3  }
0x320: {  	v1 =	vld.idx.msk [tilespmem:v1+s25+$0x0 ss:$0x1], $0xffff;
	_ =	sdelay $0x4  }
0x321: {  	(erf) = vrcp.f32 v1;
	_ =	sdelay $0x3  }
0x322: {  	s9 =	sadd.s32 $0x20, s22  }
0x323: {  	v1 =	vld [tilespmem:s9+$0xFFFFFFF0]  }
0x324: {  	v2 =	vld [tilespmem:s9+$0x0];
	_ =	sdelay $0x2  }
0x325: {  	v3 =	vpop (erf)  }
0x326: {  	v1 =	vmul.f32 v3, v1  }
0x327: {  	s0 =	sadd.s32 s7, s0;
	s12 =	sadd.s32 $0x1, s12;
	v2 =	vmul.f32 v2, v3  }
0x328: {  	s0 =	sshrl.u32 s0, $0x3;
	p0 =	sne.s32 s12, $0x5;
	[tilespmem:s9+$0xFFFFFFF0] =	vst v1  }
.Ltmp9:
0x329: {  	s0 =	sadd.s32 s26, s0;
	[tilespmem:s9+$0x0] =	vst v2;
	(pc) =	sbr.rel @p0 .LBB2_18-.Ltmp9, $4  }
0x32a: {  	[hbm4b:s0+s5] =	stream.linear.scatter [tilespmem:s10], [sflag:$0x9], $0x1000, $0x38;
	[tilespmem:$0x1F900] =	vst v63  }
0x32b: {  	_ =	swait.ge [sflag:s31], $0x1000  }
0x32c: {  	[sflag:s31] =	ssyncset.done $0x0  }
0x32d: {  	s23 =	sadd.s32 $0x800, s23;
	[sflag:s31] =	ssyncadd.s32 $0xFFFFF000  }
0x32e: {  	s9 =	rddreg [dreg:$0x1c]  }
0x32f: {  	s0 =	rddreg [dreg:$0xd];
	s9 =	sadd.s32 $0x1, s9  }
0x330: {  	p0 =	sne.s32 s9, s0  }
.Ltmp10:
0x331: {  	_ = 	snop;
	(pc) =	sbr.rel @p0 .LBB2_1-.Ltmp10, $1  }
0x332: {  	_ =	sdelay $0x3  }
0x333: {  	_ =	sfence.sel $0x180000  }
0x334: {  	[bflag:$0x0] =	sbarrier.arrive $0xFFFF  }
0x335: {  	_ =	strace $0x90000047  }
0x336: {  	s0 =	stileid.u32;
	[bflag:$0x2] =	sbarrier.arrive $0xFFFF  }
0x337: {  	p0 =	sne.s32 s0, $0x0;
	s0 =	rddreg [dreg:$0x7]  }
0x338: {  	s0 =	sadd.s32 @!p0 $0x100000, s0  }
0x339: {  	[sflag:s0] =	ssyncadd.tile.s32 @!p0 $0x1;
	_ =	shalt  }
.Lfunc_end2:
_tile_overlayer_lowered:
.L_overlay_start_2:
0x33a: {  	(tag) =	ssettag $0x2  }
0x33b: {  	s0 =	rddreg [dreg:$0x0];
	s2 =	stileid.u32  }
0x33c: {  	s1 =	rddreg [dreg:$0x1];
	p0 =	sne.s32 s2, $0x0  }
0x33d: {  	s3 =	rddreg [dreg:$0x2];
	[bflag:$0x3] =	sbarrier.arrive $0xFFFF;
	s2 =	simm.s32 @!p0 $0x1C09  }
0x33e: {  	[timem:s3], [sflag:s2] =	dma.local @!p0 [hbm:s0], s1  }
0x33f: {  	s0 =	simm.s32 @!p0 $0x9  }
0x340: {  	_ =	swait.ge @!p0 [sflag:s0], s1  }
0x341: {  	s1 =	ssub.s32 @!p0 $0x0, s1;
	[sflag:s0] =	ssyncset.done @!p0 $0x0  }
0x342: {  	[sflag:s0] =	ssyncadd.s32 @!p0 s1  }
0x343: {  	[bflag:$0x3] =	sbarrier.arrive $0xFFFF  }
0x344: {  	_ =	shalt  }

</sc_bundles>
